<compile_context>
chip_gen: v7x
topology: tpu7x:2x2x1
jax: 0.10.2.dev20260603
libtpu: 0.0.44.dev20260713+nightly
codegen_flags: <defaults>
</compile_context>

<pallas_src>
import functools

import jax
import jax.numpy as jnp
from jax import lax
from jax.experimental import pallas as pl
from jax.experimental.pallas import tpu as pltpu
from jax.experimental.pallas import tpu_sc as plsc

_B = 4
_C = 21
_N = 1000
_NP = 1024
_LANES = _B * _C
_K = 200
_KP = 208
_NEG = -1e9
_VTH = -5e8
_F32 = jnp.float32
_I32 = jnp.int32
_NCH = _NP // 16
_NPC = _NP + 48
_NDUMP = 1040
_KP2 = _KP + 16
_KDUMP = _KP


def _decode_body(roi_ref, del_ref, prob_ref, s0_ref, box_ref):
    roi = roi_ref[...]
    anc_w = roi[:, 3, :] - roi[:, 1, :]
    anc_h = roi[:, 2, :] - roi[:, 0, :]
    anc_cx = roi[:, 1, :] + 0.5 * anc_w
    anc_cy = roi[:, 0, :] + 0.5 * anc_h
    d = del_ref[...]
    dy = d[:, :, 0, :] * 0.1
    dx = d[:, :, 1, :] * 0.1
    dh = d[:, :, 2, :] * 0.2
    dw = d[:, :, 3, :] * 0.2
    w = jnp.exp(dw) * anc_w[:, None, :]
    h = jnp.exp(dh) * anc_h[:, None, :]
    cx = dx * anc_w[:, None, :] + anc_cx[:, None, :]
    cy = dy * anc_h[:, None, :] + anc_cy[:, None, :]
    y1 = cy - 0.5 * h
    x1 = cx - 0.5 * w
    box_ref[:, :, 0, :] = y1
    box_ref[:, :, 1, :] = x1
    box_ref[:, :, 2, :] = h + y1
    box_ref[:, :, 3, :] = w + x1
    p = prob_ref[...]
    keep = jnp.max(p[:, 1:, :], axis=1) > p[:, 0, :]
    sc = jnp.where(keep[:, None, :], p, 0.0)
    s0 = jnp.where(sc > 0.7, sc, _NEG)
    col = lax.broadcasted_iota(_I32, (_B, _C, _NP), 2)
    s0_ref[...] = jnp.where(col < _N, s0, _NEG)


_decode = pl.pallas_call(
    _decode_body,
    out_shape=(jax.ShapeDtypeStruct((_B, _C, _NP), _F32),
               jax.ShapeDtypeStruct((_B, _C, 4, _NP), _F32)),
)

def _splat_f(x):
    return jnp.zeros((16,), _F32) + x


def _splat_i(x):
    return jnp.zeros((16,), _I32) + x


def _scat1(ref, idx, val, lane0, dump):
    iv = jnp.where(lane0, _splat_i(idx), _splat_i(dump))
    plsc.store_scatter(ref, [iv], val)


def _fused_body(s0_hbm, box_hbm, bbox_hbm, lab_hbm, scr_hbm,
                s_full, bf0, bf1, bf2, bf3,
                s_c, bc0, bc1, bc2, bc3, a2c,
                osc, ob0, ob1, ob2, ob3,
                mgv, hv, ptrs, olb, osx, mb0, mb1, mb2, mb3,
                shared, wq):
    cid = lax.axis_index("c")
    sid = lax.axis_index("s")
    iota = lax.iota(_I32, 16)
    lane0 = iota == 0
    neg16 = jnp.full((16,), _NEG, _F32)
    zeros16 = jnp.zeros((16,), _F32)
    bfs = (bf0, bf1, bf2, bf3)
    bcs = (bc0, bc1, bc2, bc3)
    obs = (ob0, ob1, ob2, ob3)
    mbs = (mb0, mb1, mb2, mb3)

    def do_lane(ll):
        gl = cid * 42 + ll
        pltpu.sync_copy(s0_hbm.at[pl.ds(gl * _NP, _NP)], s_full)
        for cc in range(4):
            pltpu.sync_copy(box_hbm.at[pl.ds((gl * 4 + cc) * _NP, _NP)],
                            bfs[cc])

        def cstep(i, cnt):
            v = s_full[pl.ds(i * 16, 16)]
            msk = v > _VTH
            pref = plsc.cumsum(msk.astype(_I32))
            pos = jnp.where(msk, cnt + pref - 1, _NDUMP)
            plsc.store_scatter(s_c, [pos], v)
            bv = [bfs[cc][pl.ds(i * 16, 16)] for cc in range(4)]
            for cc in range(4):
                plsc.store_scatter(bcs[cc], [pos], bv[cc])
            area = (jnp.maximum(bv[2] - bv[0], 0.0) *
                    jnp.maximum(bv[3] - bv[1], 0.0))
            plsc.store_scatter(a2c, [pos], area)
            return cnt + jnp.max(pref)

        cnt = lax.fori_loop(0, _NCH, cstep, jnp.int32(0))
        s_c[pl.ds(cnt, 16)] = neg16
        s_c[pl.ds(cnt + 16, 16)] = neg16

        for t in range(_KP // 16):
            osc[pl.ds(t * 16, 16)] = neg16
            for cc in range(4):
                obs[cc][pl.ds(t * 16, 16)] = jnp.zeros((16,), _F32)

        init = (_splat_f(_NEG) * 2.0, _splat_i(0))

        def astep(base, carry):
            rmax, ridx = carry
            v = s_c[pl.ds(base, 16)]
            pos = _splat_i(base) + iota
            g = v > rmax
            return jnp.where(g, v, rmax), jnp.where(g, pos, ridx)

        def argmax_pass(cnt_now):
            return plsc.parallel_loop(
                0, ((cnt_now + 15) // 16) * 16, step=16, unroll=2, carry=init,
            )(astep)

        rmax, ridx = argmax_pass(cnt)
        m0 = jnp.max(rmax)
        j0 = jnp.min(jnp.where(rmax == m0, ridx, jnp.int32(1 << 30)))

        def wcond(carry):
            k, m, _, _ = carry
            return (m > _VTH) & (k < _K)

        def wbody(carry):
            k, m, j, cnt = carry

            def recompact(arg):
                j_old, cnt_old = arg

                def rstep(i, cnt2):
                    v = s_c[pl.ds(i * 16, 16)]
                    vb = [bcs[cc][pl.ds(i * 16, 16)] for cc in range(4)]
                    va = a2c[pl.ds(i * 16, 16)]
                    msk = v > _VTH
                    pref = plsc.cumsum(msk.astype(_I32))
                    pos = jnp.where(msk, cnt2 + pref - 1, _NDUMP)
                    plsc.store_scatter(s_c, [pos], v)
                    for cc in range(4):
                        plsc.store_scatter(bcs[cc], [pos], vb[cc])
                    plsc.store_scatter(a2c, [pos], va)
                    return cnt2 + jnp.max(pref)

                cnt2 = lax.fori_loop(0, (cnt_old + 15) // 16, rstep,
                                     jnp.int32(0))
                s_c[pl.ds(cnt2, 16)] = neg16
                s_c[pl.ds(cnt2 + 16, 16)] = neg16
                rm, ri = argmax_pass(cnt2)
                mm = jnp.max(rm)
                jj = jnp.min(jnp.where(rm == mm, ri, jnp.int32(1 << 30)))
                return jj, cnt2

            j, cnt = lax.cond((k > 0) & (k % 32 == 0), recompact,
                              lambda arg: arg, (j, cnt))
            jv = _splat_i(j)
            by1 = plsc.load_gather(bc0, [jv])
            bx1 = plsc.load_gather(bc1, [jv])
            by2 = plsc.load_gather(bc2, [jv])
            bx2 = plsc.load_gather(bc3, [jv])
            _scat1(osc, k, _splat_f(m), lane0, _KDUMP)
            _scat1(ob0, k, by1, lane0, _KDUMP)
            _scat1(ob1, k, bx1, lane0, _KDUMP)
            _scat1(ob2, k, by2, lane0, _KDUMP)
            _scat1(ob3, k, bx2, lane0, _KDUMP)
            _scat1(s_c, j, neg16, lane0, _NDUMP)
            a1 = plsc.load_gather(a2c, [jv])

            def sup_chunk(base, carry):
                rmax, ridx = carry
                s = s_c[pl.ds(base, 16)]
                y1 = bc0[pl.ds(base, 16)]
                x1 = bc1[pl.ds(base, 16)]
                y2 = bc2[pl.ds(base, 16)]
                x2 = bc3[pl.ds(base, 16)]
                yy1 = jnp.maximum(by1, y1)
                xx1 = jnp.maximum(bx1, x1)
                yy2 = jnp.minimum(by2, y2)
                xx2 = jnp.minimum(bx2, x2)
                inter = (jnp.maximum(yy2 - yy1, 0.0) *
                         jnp.maximum(xx2 - xx1, 0.0))
                area2 = a2c[pl.ds(base, 16)]
                union = a1 + area2 - inter
                pos_u = union > 0.0
                union_safe = jnp.where(pos_u, union, 1.0)
                iou = jnp.where(pos_u, inter / union_safe, 0.0)
                s = jnp.where(iou > 0.5, neg16, s)
                s_c[pl.ds(base, 16)] = s
                g = s > rmax
                pos = _splat_i(base) + iota
                return jnp.where(g, s, rmax), jnp.where(g, pos, ridx)

            rmax, ridx = plsc.parallel_loop(
                0, ((cnt + 15) // 16) * 16, step=16, unroll=2, carry=init,
            )(sup_chunk)
            m2 = jnp.max(rmax)
            j2 = jnp.min(jnp.where(rmax == m2, ridx, jnp.int32(1 << 30)))
            return k + 1, m2, j2, cnt

        lax.while_loop(wcond, wbody, (jnp.int32(0), m0, j0, cnt))
        pltpu.sync_copy(osc.at[pl.ds(0, _KP)],
                        shared.at[pl.ds(ll * 5 * _KP, _KP)])
        for cc in range(4):
            pltpu.sync_copy(obs[cc].at[pl.ds(0, _KP)],
                            shared.at[pl.ds((ll * 5 + 1 + cc) * _KP, _KP)])

    @pl.when(sid == 0)
    def _():
        wq[0] = 0

    plsc.subcore_barrier()

    def wk_cond(idx):
        return idx < 2 * _C

    def wk_body(idx):
        do_lane(idx)
        return plsc.fetch_and_add(wq.at[0], 1, subcore_id=0)

    lax.while_loop(wk_cond, wk_body,
                   plsc.fetch_and_add(wq.at[0], 1, subcore_id=0))

    plsc.subcore_barrier()

    @pl.when(sid < 2)
    def _():
        b = cid * 2 + sid
        pltpu.sync_copy(shared.at[pl.ds(sid * _C * 5 * _KP, _C * 5 * _KP)],
                        mgv)
        z16i = jnp.zeros((16,), _I32)
        h0 = plsc.load_gather(mgv, [iota * (5 * _KP)])
        hv[pl.ds(0, 16)] = h0
        m5 = iota < 5
        idx1 = jnp.where(m5, (iota + 16) * (5 * _KP), 0)
        h1 = plsc.load_gather(mgv, [idx1])
        hv[pl.ds(16, 16)] = jnp.where(m5, h1, _NEG)
        ptrs[pl.ds(0, 16)] = z16i
        ptrs[pl.ds(16, 16)] = z16i
        for t in range(_KP // 16):
            olb[pl.ds(t * 16, 16)] = zeros16
            osx[pl.ds(t * 16, 16)] = zeros16
            for cc in range(4):
                mbs[cc][pl.ds(t * 16, 16)] = zeros16

        def mstep(k, carry):
            hh0 = hv[pl.ds(0, 16)]
            hh1 = hv[pl.ds(16, 16)]
            m01 = jnp.maximum(jnp.max(hh0), jnp.max(hh1))
            c0 = jnp.min(jnp.where(hh0 == m01, iota, jnp.int32(99)))
            c1 = jnp.min(jnp.where(hh1 == m01, iota + 16, jnp.int32(99)))
            cbest = jnp.minimum(c0, c1)

            @pl.when(m01 > _VTH)
            def _():
                cv = _splat_i(cbest)
                pv = plsc.load_gather(ptrs, [cv])
                _scat1(osx, k, _splat_f(m01), lane0, _KDUMP)
                _scat1(olb, k, _splat_f(cbest.astype(_F32)), lane0, _KDUMP)
                for cc in range(4):
                    bidx = _splat_i(cbest * (5 * _KP) + (1 + cc) * _KP) + pv
                    bval = plsc.load_gather(mgv, [bidx])
                    bval = jnp.minimum(jnp.maximum(bval, 0.0), 1.0)
                    _scat1(mbs[cc], k, bval, lane0, _KDUMP)
                nh = plsc.load_gather(mgv, [_splat_i(cbest * (5 * _KP)) + pv + 1])
                _scat1(hv, cbest, nh, lane0, 32)
                _scat1(ptrs, cbest, pv + 1, lane0, 32)

            return carry

        lax.fori_loop(0, _K, mstep, jnp.int32(0))
        pltpu.sync_copy(olb.at[pl.ds(0, _KP)], lab_hbm.at[pl.ds(b * _KP, _KP)])
        pltpu.sync_copy(osx.at[pl.ds(0, _KP)], scr_hbm.at[pl.ds(b * _KP, _KP)])
        for cc in range(4):
            pltpu.sync_copy(mbs[cc].at[pl.ds(0, _KP)],
                            bbox_hbm.at[pl.ds((b * 4 + cc) * _KP, _KP)])


@functools.cache
def _build_sc_kernel():
    mesh = plsc.VectorSubcoreMesh(core_axis_name="c", subcore_axis_name="s")
    return pl.kernel(
        _fused_body,
        out_type=(jax.ShapeDtypeStruct((_B * 4 * _KP,), _F32),
                  jax.ShapeDtypeStruct((_B * _KP,), _F32),
                  jax.ShapeDtypeStruct((_B * _KP,), _F32)),
        mesh=mesh,
        scratch_types=(
            [pltpu.VMEM((_NP,), _F32)] * 5
            + [pltpu.VMEM((_NPC,), _F32)] * 6
            + [pltpu.VMEM((_KP2,), _F32)] * 5
            + [pltpu.VMEM((_C * 5 * _KP,), _F32),
               pltpu.VMEM((48,), _F32),
               pltpu.VMEM((48,), _I32)]
            + [pltpu.VMEM((_KP2,), _F32)] * 6
            + [pltpu.VMEM_SHARED((2 * _C * 5 * _KP,), _F32),
               pltpu.SMEM((1,), _I32)]
        ),
        compiler_params=pltpu.CompilerParams(needs_layout_passes=False),
    )


def kernel(roi_bboxes, pred_deltas, pred_label_probs):
    pad_n = ((0, 0), (0, 0), (0, _NP - _N))
    roi_t = jnp.pad(jnp.transpose(roi_bboxes, (0, 2, 1)), pad_n)
    del_t = jnp.pad(
        jnp.transpose(pred_deltas.reshape(_B, _N, _C, 4), (0, 2, 3, 1)),
        ((0, 0), (0, 0), (0, 0), (0, _NP - _N)))
    prob_t = jnp.pad(jnp.transpose(pred_label_probs, (0, 2, 1)), pad_n)
    s0, box = _decode(roi_t, del_t, prob_t)
    fused = _build_sc_kernel()
    bbox_f, lab_f, scr_f = fused(s0.reshape(-1), box.reshape(-1))
    bbox_t = bbox_f.reshape(_B, 4, _KP)
    final_bboxes = jnp.transpose(bbox_t[:, :, :_K], (0, 2, 1))
    return (final_bboxes,
            lab_f.reshape(_B, _KP)[:, :_K],
            scr_f.reshape(_B, _KP)[:, :_K])

# --- scband reference (transcript-rebuilt; emitter-appended) ---
"""Pipeline reference for scband-decoder-40157944217903 (READ-ONLY COPY).

The authoritative reference and input builder live on the scoring server;
editing this copy changes nothing except your own understanding.
"""

import jax
import jax.numpy as jnp
from jax import lax
import numpy as np

TOTAL_LABELS = 21
MAX_TOTAL_SIZE = 200
SCORE_THRESHOLD = 0.7
IOU_THRESHOLD = 0.5  # tf.image.combined_non_max_suppression default
VARIANCES = jnp.asarray([0.1, 0.1, 0.2, 0.2], dtype=jnp.float32)
NEG = -1e9


def delta_to_bbox(anchors, deltas):
    all_anc_width = anchors[..., 3] - anchors[..., 1]
    all_anc_height = anchors[..., 2] - anchors[..., 0]
    all_anc_ctr_x = anchors[..., 1] + 0.5 * all_anc_width
    all_anc_ctr_y = anchors[..., 0] + 0.5 * all_anc_height
    all_bbox_width = jnp.exp(deltas[..., 3]) * all_anc_width
    all_bbox_height = jnp.exp(deltas[..., 2]) * all_anc_height
    all_bbox_ctr_x = deltas[..., 1] * all_anc_width + all_anc_ctr_x
    all_bbox_ctr_y = deltas[..., 0] * all_anc_height + all_anc_ctr_y
    y1 = all_bbox_ctr_y - 0.5 * all_bbox_height
    x1 = all_bbox_ctr_x - 0.5 * all_bbox_width
    y2 = all_bbox_height + y1
    x2 = all_bbox_width + x1
    return jnp.stack([y1, x1, y2, x2], axis=-1)


def _iou_one_vs_all(box, boxes):
    yy1 = jnp.maximum(box[0], boxes[:, 0])
    xx1 = jnp.maximum(box[1], boxes[:, 1])
    yy2 = jnp.minimum(box[2], boxes[:, 2])
    xx2 = jnp.minimum(box[3], boxes[:, 3])
    inter = jnp.maximum(yy2 - yy1, 0.0) * jnp.maximum(xx2 - xx1, 0.0)
    area1 = jnp.maximum(box[2] - box[0], 0.0) * jnp.maximum(box[3] - box[1], 0.0)
    area2 = jnp.maximum(boxes[:, 2] - boxes[:, 0], 0.0) * jnp.maximum(boxes[:, 3] - boxes[:, 1], 0.0)
    union = area1 + area2 - inter
    union_safe = jnp.where(union > 0.0, union, 1.0)
    return jnp.where(union > 0.0, inter / union_safe, 0.0)


def _nms_single_class(boxes, scores):
    # boxes: [N,4], scores: [N]; greedy NMS selecting up to MAX_TOTAL_SIZE
    s0 = jnp.where(scores > SCORE_THRESHOLD, scores, NEG)

    def step(s, _):
        idx = jnp.argmax(s)
        best = s[idx]
        box = boxes[idx]
        valid = best > (NEG * 0.5)
        ious = _iou_one_vs_all(box, boxes)
        s_new = jnp.where(ious > IOU_THRESHOLD, NEG, s)
        s_new = s_new.at[idx].set(NEG)
        s = jnp.where(valid, s_new, s)
        out_box = jnp.where(valid, box, jnp.zeros_like(box))
        out_score = jnp.where(valid, best, NEG)
        return s, (out_box, out_score)

    _, (sel_boxes, sel_scores) = lax.scan(step, s0, None, length=MAX_TOTAL_SIZE)
    return sel_boxes, sel_scores


def combined_nms(pred_bboxes, pred_scores):
    # pred_bboxes: [B,N,C,4], pred_scores: [B,N,C]
    b = jnp.transpose(pred_bboxes, (0, 2, 1, 3))  # [B,C,N,4]
    s = jnp.transpose(pred_scores, (0, 2, 1))     # [B,C,N]
    sel_b, sel_s = jax.vmap(jax.vmap(_nms_single_class))(b, s)  # [B,C,K,4],[B,C,K]
    B, C, K = sel_s.shape
    cls = jnp.broadcast_to(jnp.arange(C)[None, :, None], (B, C, K))
    sel_b = sel_b.reshape(B, C * K, 4)
    sel_s = sel_s.reshape(B, C * K)
    cls = cls.reshape(B, C * K)
    top_s, top_i = lax.top_k(sel_s, MAX_TOTAL_SIZE)
    top_b = jnp.take_along_axis(sel_b, top_i[..., None], axis=1)
    top_c = jnp.take_along_axis(cls, top_i, axis=1)
    valid = top_s > (NEG * 0.5)
    final_bboxes = jnp.where(valid[..., None], jnp.clip(top_b, 0.0, 1.0), 0.0)
    final_scores = jnp.where(valid, top_s, 0.0)
    final_labels = jnp.where(valid, top_c.astype(jnp.float32), 0.0)
    return final_bboxes, final_labels, final_scores


def forward(roi_bboxes, pred_deltas, pred_label_probs):
    B = roi_bboxes.shape[0]
    pred_deltas = pred_deltas.reshape(B, -1, TOTAL_LABELS, 4) * VARIANCES
    expanded_roi = jnp.tile(roi_bboxes[:, :, None, :], (1, 1, TOTAL_LABELS, 1))
    pred_bboxes = delta_to_bbox(expanded_roi, pred_deltas)
    pred_labels_map = jnp.argmax(pred_label_probs, axis=-1)[..., None]
    pred_labels = jnp.where(pred_labels_map != 0, pred_label_probs, jnp.zeros_like(pred_label_probs))
    return combined_nms(pred_bboxes, pred_labels)


def setup_inputs(seed: int = 0):
    key = jax.random.key(seed)
    k1, k2, k3 = jax.random.split(key, 3)
    roi_bboxes = jax.random.uniform(k1, (4, 1000, 4), dtype=jnp.float32)
    pred_deltas = jax.random.normal(k2, (4, 1000, TOTAL_LABELS * 4), dtype=jnp.float32)
    pred_label_probs = jax.random.uniform(k3, (4, 1000, TOTAL_LABELS), dtype=jnp.float32)
    return {"roi_bboxes": roi_bboxes, "pred_deltas": pred_deltas, "pred_label_probs": pred_label_probs}


def reference(roi_bboxes, pred_deltas, pred_label_probs):
    return forward(roi_bboxes, pred_deltas, pred_label_probs)

if __name__ == "__main__":
    import jax
    _d = setup_inputs()
    print(jax.jit(kernel)(*tuple(_d.values())))

</pallas_src>

<mosaic_0001>
#map = affine_map<(d0, d1) -> (0)>
module attributes {stable_mosaic.version = 14 : i64} {
  func.func @_fused_body(%arg0: i32, %arg1: i32, %arg2: memref<86016xf32, #tpu.memory_space<hbm>>, %arg3: memref<344064xf32, #tpu.memory_space<hbm>>, %arg4: memref<3328xf32, #tpu.memory_space<hbm>>, %arg5: memref<832xf32, #tpu.memory_space<hbm>>, %arg6: memref<832xf32, #tpu.memory_space<hbm>>, %arg7: memref<1024xf32, #tpu.memory_space<vmem>>, %arg8: memref<1024xf32, #tpu.memory_space<vmem>>, %arg9: memref<1024xf32, #tpu.memory_space<vmem>>, %arg10: memref<1024xf32, #tpu.memory_space<vmem>>, %arg11: memref<1024xf32, #tpu.memory_space<vmem>>, %arg12: memref<1072xf32, #tpu.memory_space<vmem>>, %arg13: memref<1072xf32, #tpu.memory_space<vmem>>, %arg14: memref<1072xf32, #tpu.memory_space<vmem>>, %arg15: memref<1072xf32, #tpu.memory_space<vmem>>, %arg16: memref<1072xf32, #tpu.memory_space<vmem>>, %arg17: memref<1072xf32, #tpu.memory_space<vmem>>, %arg18: memref<224xf32, #tpu.memory_space<vmem>>, %arg19: memref<224xf32, #tpu.memory_space<vmem>>, %arg20: memref<224xf32, #tpu.memory_space<vmem>>, %arg21: memref<224xf32, #tpu.memory_space<vmem>>, %arg22: memref<224xf32, #tpu.memory_space<vmem>>, %arg23: memref<21840xf32, #tpu.memory_space<vmem>>, %arg24: memref<48xf32, #tpu.memory_space<vmem>>, %arg25: memref<48xi32, #tpu.memory_space<vmem>>, %arg26: memref<224xf32, #tpu.memory_space<vmem>>, %arg27: memref<224xf32, #tpu.memory_space<vmem>>, %arg28: memref<224xf32, #tpu.memory_space<vmem>>, %arg29: memref<224xf32, #tpu.memory_space<vmem>>, %arg30: memref<224xf32, #tpu.memory_space<vmem>>, %arg31: memref<224xf32, #tpu.memory_space<vmem>>, %arg32: memref<43680xf32, #tpu.memory_space<vmem_shared>>, %arg33: memref<1xi32, #tpu.memory_space<smem>>) attributes {dimension_semantics = [#tpu.dimension_semantics<core_parallel>, #tpu.dimension_semantics<subcore_parallel>], iteration_bounds = array<i64: 2, 16>, scalar_prefetch = 0 : i64, scratch_operands = 27 : i64, tpu.core_type = #tpu.core_type<sc_vector_subcore>, window_params = [{transform_indices = #map}, {transform_indices = #map}, {transform_indices = #map}, {transform_indices = #map}, {transform_indices = #map}]} {
    %iota3A = tpu.iota {dimensions = array<i32: 0>} : vector<16xi32>
    %eq3A = arith.constant 0 : i32
    %eq3A_0 = vector.broadcast %eq3A : i32 to vector<16xi32>
    %eq3A_1 = arith.cmpi eq, %iota3A, %eq3A_0 : vector<16xi32>
    %broadcast_in_dim3A = arith.constant -1.000000e+09 : f32
    %broadcast_in_dim3A_2 = vector.broadcast %broadcast_in_dim3A : f32 to vector<16xf32>
    %broadcast_in_dim3A_3 = arith.constant 0.000000e+00 : f32
    %broadcast_in_dim3A_4 = vector.broadcast %broadcast_in_dim3A_3 : f32 to vector<16xf32>
    %eq3A_5 = arith.constant 0 : i32
    %eq3A_6 = arith.cmpi eq, %arg1, %eq3A_5 : i32
    %convert_element_type3A = arith.extui %eq3A_6 : i1 to i32
    %cond3A = arith.constant 0 : i32
    %cond3A_7 = arith.cmpi ne, %convert_element_type3A, %cond3A : i32
    scf.if %cond3A_7 {
      %swap3A = arith.constant 0 : i32
      %swap3A_16 = arith.constant 0 : i32
      %swap3A_17 = arith.index_cast %swap3A_16 : i32 to index
      %swap3A_18 = memref.load %arg33[%swap3A_17] : memref<1xi32, #tpu.memory_space<smem>>
      memref.store %swap3A, %arg33[%swap3A_17] : memref<1xi32, #tpu.memory_space<smem>>
    } else {
    }
    %barrier3A = arith.constant 0 : index
    tpu.barrier barrier_id(%barrier3A)
    %sc_fetch_and_add3A = arith.constant 1 : i32
    %sc_fetch_and_add3A_8 = arith.constant 0 : i32
    %sc_fetch_and_add3A_9 = arith.constant 0 : i32
    %sc_fetch_and_add3A_10 = tpu.fetch_and_add_sync %arg33[%sc_fetch_and_add3A_8], %sc_fetch_and_add3A, %sc_fetch_and_add3A_9 : memref<1xi32, #tpu.memory_space<smem>>, i32 -> i32
    %while3A = scf.while (%while3A_16 = %sc_fetch_and_add3A_10) : (i32) -> i32 {
      %lt3A_17 = arith.constant 42 : i32
      %lt3A_18 = arith.cmpi slt, %while3A_16, %lt3A_17 : i32
      scf.condition(%lt3A_18) %while3A_16 : i32
    } do {
    ^bb0(%while3A_16: i32):
      %mul3A = arith.constant 42 : i32
      %mul3A_17 = arith.muli %arg0, %mul3A : i32
      %add3A = arith.addi %mul3A_17, %while3A_16 : i32
      %mul3A_18 = arith.constant 1024 : i32
      %mul3A_19 = arith.muli %add3A, %mul3A_18 : i32
      "tpu.region"() ({
        %run_scoped3A = tpu.sem_alloc : memref<!tpu.dma_semaphore, #tpu.memory_space<semaphore_mem>>
        %dma_start3A = tpu.memref_slice %arg2[%mul3A_19] : memref<86016xf32, #tpu.memory_space<hbm>> -> memref<1024xf32, #tpu.memory_space<hbm>>
        %dma_start3A_381 = tpu.memref_slice %arg2[%mul3A_19] : memref<86016xf32, #tpu.memory_space<hbm>> -> memref<1024xf32, #tpu.memory_space<hbm>>
        tpu.enqueue_dma source(%dma_start3A_381 : memref<1024xf32, #tpu.memory_space<hbm>>) target(%arg7 : memref<1024xf32, #tpu.memory_space<vmem>>) target_semaphore(%run_scoped3A : memref<!tpu.dma_semaphore, #tpu.memory_space<semaphore_mem>>)
        %dma_wait3A = tpu.memref_slice %arg2[%mul3A_19] : memref<86016xf32, #tpu.memory_space<hbm>> -> memref<1024xf32, #tpu.memory_space<hbm>>
        %dma_wait3A_382 = tpu.memref_slice %arg2[%mul3A_19] : memref<86016xf32, #tpu.memory_space<hbm>> -> memref<1024xf32, #tpu.memory_space<hbm>>
        tpu.wait_dma2 semaphore(%run_scoped3A : memref<!tpu.dma_semaphore, #tpu.memory_space<semaphore_mem>>) src(%dma_wait3A_382 : memref<1024xf32, #tpu.memory_space<hbm>>) dst(%arg7 : memref<1024xf32, #tpu.memory_space<vmem>>)
        tpu.yield
      }) : () -> ()
      %mul3A_20 = arith.constant 4 : i32
      %mul3A_21 = arith.muli %add3A, %mul3A_20 : i32
      %add3A_22 = arith.constant 0 : i32
      %add3A_23 = arith.addi %mul3A_21, %add3A_22 : i32
      %mul3A_24 = arith.constant 1024 : i32
      %mul3A_25 = arith.muli %add3A_23, %mul3A_24 : i32
      "tpu.region"() ({
        %run_scoped3A = tpu.sem_alloc : memref<!tpu.dma_semaphore, #tpu.memory_space<semaphore_mem>>
        %dma_start3A = tpu.memref_slice %arg3[%mul3A_25] : memref<344064xf32, #tpu.memory_space<hbm>> -> memref<1024xf32, #tpu.memory_space<hbm>>
        %dma_start3A_381 = tpu.memref_slice %arg3[%mul3A_25] : memref<344064xf32, #tpu.memory_space<hbm>> -> memref<1024xf32, #tpu.memory_space<hbm>>
        tpu.enqueue_dma source(%dma_start3A_381 : memref<1024xf32, #tpu.memory_space<hbm>>) target(%arg8 : memref<1024xf32, #tpu.memory_space<vmem>>) target_semaphore(%run_scoped3A : memref<!tpu.dma_semaphore, #tpu.memory_space<semaphore_mem>>)
        %dma_wait3A = tpu.memref_slice %arg3[%mul3A_25] : memref<344064xf32, #tpu.memory_space<hbm>> -> memref<1024xf32, #tpu.memory_space<hbm>>
        %dma_wait3A_382 = tpu.memref_slice %arg3[%mul3A_25] : memref<344064xf32, #tpu.memory_space<hbm>> -> memref<1024xf32, #tpu.memory_space<hbm>>
        tpu.wait_dma2 semaphore(%run_scoped3A : memref<!tpu.dma_semaphore, #tpu.memory_space<semaphore_mem>>) src(%dma_wait3A_382 : memref<1024xf32, #tpu.memory_space<hbm>>) dst(%arg8 : memref<1024xf32, #tpu.memory_space<vmem>>)
        tpu.yield
      }) : () -> ()
      %mul3A_26 = arith.constant 4 : i32
      %mul3A_27 = arith.muli %add3A, %mul3A_26 : i32
      %add3A_28 = arith.constant 1 : i32
      %add3A_29 = arith.addi %mul3A_27, %add3A_28 : i32
      %mul3A_30 = arith.constant 1024 : i32
      %mul3A_31 = arith.muli %add3A_29, %mul3A_30 : i32
      "tpu.region"() ({
        %run_scoped3A = tpu.sem_alloc : memref<!tpu.dma_semaphore, #tpu.memory_space<semaphore_mem>>
        %dma_start3A = tpu.memref_slice %arg3[%mul3A_31] : memref<344064xf32, #tpu.memory_space<hbm>> -> memref<1024xf32, #tpu.memory_space<hbm>>
        %dma_start3A_381 = tpu.memref_slice %arg3[%mul3A_31] : memref<344064xf32, #tpu.memory_space<hbm>> -> memref<1024xf32, #tpu.memory_space<hbm>>
        tpu.enqueue_dma source(%dma_start3A_381 : memref<1024xf32, #tpu.memory_space<hbm>>) target(%arg9 : memref<1024xf32, #tpu.memory_space<vmem>>) target_semaphore(%run_scoped3A : memref<!tpu.dma_semaphore, #tpu.memory_space<semaphore_mem>>)
        %dma_wait3A = tpu.memref_slice %arg3[%mul3A_31] : memref<344064xf32, #tpu.memory_space<hbm>> -> memref<1024xf32, #tpu.memory_space<hbm>>
        %dma_wait3A_382 = tpu.memref_slice %arg3[%mul3A_31] : memref<344064xf32, #tpu.memory_space<hbm>> -> memref<1024xf32, #tpu.memory_space<hbm>>
        tpu.wait_dma2 semaphore(%run_scoped3A : memref<!tpu.dma_semaphore, #tpu.memory_space<semaphore_mem>>) src(%dma_wait3A_382 : memref<1024xf32, #tpu.memory_space<hbm>>) dst(%arg9 : memref<1024xf32, #tpu.memory_space<vmem>>)
        tpu.yield
      }) : () -> ()
      %mul3A_32 = arith.constant 4 : i32
      %mul3A_33 = arith.muli %add3A, %mul3A_32 : i32
      %add3A_34 = arith.constant 2 : i32
      %add3A_35 = arith.addi %mul3A_33, %add3A_34 : i32
      %mul3A_36 = arith.constant 1024 : i32
      %mul3A_37 = arith.muli %add3A_35, %mul3A_36 : i32
      "tpu.region"() ({
        %run_scoped3A = tpu.sem_alloc : memref<!tpu.dma_semaphore, #tpu.memory_space<semaphore_mem>>
        %dma_start3A = tpu.memref_slice %arg3[%mul3A_37] : memref<344064xf32, #tpu.memory_space<hbm>> -> memref<1024xf32, #tpu.memory_space<hbm>>
        %dma_start3A_381 = tpu.memref_slice %arg3[%mul3A_37] : memref<344064xf32, #tpu.memory_space<hbm>> -> memref<1024xf32, #tpu.memory_space<hbm>>
        tpu.enqueue_dma source(%dma_start3A_381 : memref<1024xf32, #tpu.memory_space<hbm>>) target(%arg10 : memref<1024xf32, #tpu.memory_space<vmem>>) target_semaphore(%run_scoped3A : memref<!tpu.dma_semaphore, #tpu.memory_space<semaphore_mem>>)
        %dma_wait3A = tpu.memref_slice %arg3[%mul3A_37] : memref<344064xf32, #tpu.memory_space<hbm>> -> memref<1024xf32, #tpu.memory_space<hbm>>
        %dma_wait3A_382 = tpu.memref_slice %arg3[%mul3A_37] : memref<344064xf32, #tpu.memory_space<hbm>> -> memref<1024xf32, #tpu.memory_space<hbm>>
        tpu.wait_dma2 semaphore(%run_scoped3A : memref<!tpu.dma_semaphore, #tpu.memory_space<semaphore_mem>>) src(%dma_wait3A_382 : memref<1024xf32, #tpu.memory_space<hbm>>) dst(%arg10 : memref<1024xf32, #tpu.memory_space<vmem>>)
        tpu.yield
      }) : () -> ()
      %mul3A_38 = arith.constant 4 : i32
      %mul3A_39 = arith.muli %add3A, %mul3A_38 : i32
      %add3A_40 = arith.constant 3 : i32
      %add3A_41 = arith.addi %mul3A_39, %add3A_40 : i32
      %mul3A_42 = arith.constant 1024 : i32
      %mul3A_43 = arith.muli %add3A_41, %mul3A_42 : i32
      "tpu.region"() ({
        %run_scoped3A = tpu.sem_alloc : memref<!tpu.dma_semaphore, #tpu.memory_space<semaphore_mem>>
        %dma_start3A = tpu.memref_slice %arg3[%mul3A_43] : memref<344064xf32, #tpu.memory_space<hbm>> -> memref<1024xf32, #tpu.memory_space<hbm>>
        %dma_start3A_381 = tpu.memref_slice %arg3[%mul3A_43] : memref<344064xf32, #tpu.memory_space<hbm>> -> memref<1024xf32, #tpu.memory_space<hbm>>
        tpu.enqueue_dma source(%dma_start3A_381 : memref<1024xf32, #tpu.memory_space<hbm>>) target(%arg11 : memref<1024xf32, #tpu.memory_space<vmem>>) target_semaphore(%run_scoped3A : memref<!tpu.dma_semaphore, #tpu.memory_space<semaphore_mem>>)
        %dma_wait3A = tpu.memref_slice %arg3[%mul3A_43] : memref<344064xf32, #tpu.memory_space<hbm>> -> memref<1024xf32, #tpu.memory_space<hbm>>
        %dma_wait3A_382 = tpu.memref_slice %arg3[%mul3A_43] : memref<344064xf32, #tpu.memory_space<hbm>> -> memref<1024xf32, #tpu.memory_space<hbm>>
        tpu.wait_dma2 semaphore(%run_scoped3A : memref<!tpu.dma_semaphore, #tpu.memory_space<semaphore_mem>>) src(%dma_wait3A_382 : memref<1024xf32, #tpu.memory_space<hbm>>) dst(%arg11 : memref<1024xf32, #tpu.memory_space<vmem>>)
        tpu.yield
      }) : () -> ()
      %scan3A = arith.constant 0 : i32
      %scan3A_44 = arith.constant 0 : i32
      %scan3A_45 = arith.constant 64 : i32
      %scan3A_46 = arith.addi %scan3A_44, %scan3A_45 : i32
      %scan3A_47 = arith.constant 1 : i32
      %scan3A_48 = scf.for %scan3A_381 = %scan3A_44 to %scan3A_46 step %scan3A_47 iter_args(%scan3A_382 = %scan3A) -> (i32)  : i32 {
        %mul3A_383 = arith.constant 16 : i32
        %mul3A_384 = arith.muli %scan3A_381, %mul3A_383 : i32
        %get3A = arith.index_cast %mul3A_384 : i32 to index
        %get3A_385 = tpu.vector_load %arg7[%get3A] {strides = array<i32>} : memref<1024xf32, #tpu.memory_space<vmem>>, vector<16xf32>,
        %gt3A = arith.constant -5.000000e+08 : f32
        %gt3A_386 = vector.broadcast %gt3A : f32 to vector<16xf32>
        %gt3A_387 = arith.cmpf ogt, %get3A_385, %gt3A_386 : vector<16xf32>
        %convert_element_type3A_388 = arith.extui %gt3A_387 : vector<16xi1> to vector<16xi32>
        %broadcast_in_dim3A_389 = arith.constant true
        %broadcast_in_dim3A_390 = vector.broadcast %broadcast_in_dim3A_389 : i1 to vector<16xi1>
        %masked_cumsum3A = tpu.scan <sum>, %convert_element_type3A_388 masked %broadcast_in_dim3A_390 : vector<16xi32>, vector<16xi1> -> vector<16xi32>
        %add3A_391 = vector.broadcast %scan3A_382 : i32 to vector<16xi32>
        %add3A_392 = arith.addi %add3A_391, %masked_cumsum3A : vector<16xi32>
        %sub3A_393 = arith.constant 1 : i32
        %sub3A_394 = vector.broadcast %sub3A_393 : i32 to vector<16xi32>
        %sub3A_395 = arith.subi %add3A_392, %sub3A_394 : vector<16xi32>
        %jit3A_396 = arith.constant 1040 : i32
        %broadcast_in_dim3A_397 = vector.broadcast %jit3A_396 : i32 to vector<16xi32>
        %select_n3A_398 = arith.select %gt3A_387, %sub3A_395, %broadcast_in_dim3A_397 : vector<16xi1>, vector<16xi32>
        tpu.vector_store_idx %arg12[%select_n3A_398], %get3A_385 : memref<1072xf32, #tpu.memory_space<vmem>>[vector<16xi32>], vector<16xf32>,
        %mul3A_399 = arith.constant 16 : i32
        %mul3A_400 = arith.muli %scan3A_381, %mul3A_399 : i32
        %get3A_401 = arith.index_cast %mul3A_400 : i32 to index
        %get3A_402 = tpu.vector_load %arg8[%get3A_401] {strides = array<i32>} : memref<1024xf32, #tpu.memory_space<vmem>>, vector<16xf32>,
        %mul3A_403 = arith.constant 16 : i32
        %mul3A_404 = arith.muli %scan3A_381, %mul3A_403 : i32
        %get3A_405 = arith.index_cast %mul3A_404 : i32 to index
        %get3A_406 = tpu.vector_load %arg9[%get3A_405] {strides = array<i32>} : memref<1024xf32, #tpu.memory_space<vmem>>, vector<16xf32>,
        %mul3A_407 = arith.constant 16 : i32
        %mul3A_408 = arith.muli %scan3A_381, %mul3A_407 : i32
        %get3A_409 = arith.index_cast %mul3A_408 : i32 to index
        %get3A_410 = tpu.vector_load %arg10[%get3A_409] {strides = array<i32>} : memref<1024xf32, #tpu.memory_space<vmem>>, vector<16xf32>,
        %mul3A_411 = arith.constant 16 : i32
        %mul3A_412 = arith.muli %scan3A_381, %mul3A_411 : i32
        %get3A_413 = arith.index_cast %mul3A_412 : i32 to index
        %get3A_414 = tpu.vector_load %arg11[%get3A_413] {strides = array<i32>} : memref<1024xf32, #tpu.memory_space<vmem>>, vector<16xf32>,
        tpu.vector_store_idx %arg13[%select_n3A_398], %get3A_402 : memref<1072xf32, #tpu.memory_space<vmem>>[vector<16xi32>], vector<16xf32>,
        tpu.vector_store_idx %arg14[%select_n3A_398], %get3A_406 : memref<1072xf32, #tpu.memory_space<vmem>>[vector<16xi32>], vector<16xf32>,
        tpu.vector_store_idx %arg15[%select_n3A_398], %get3A_410 : memref<1072xf32, #tpu.memory_space<vmem>>[vector<16xi32>], vector<16xf32>,
        tpu.vector_store_idx %arg16[%select_n3A_398], %get3A_414 : memref<1072xf32, #tpu.memory_space<vmem>>[vector<16xi32>], vector<16xf32>,
        %sub3A_415 = arith.subf %get3A_410, %get3A_402 : vector<16xf32>
        %max3A = arith.constant 0.000000e+00 : f32
        %max3A_416 = vector.broadcast %max3A : f32 to vector<16xf32>
        %max3A_417 = arith.maximumf %sub3A_415, %max3A_416 : vector<16xf32>
        %sub3A_418 = arith.subf %get3A_414, %get3A_406 : vector<16xf32>
        %max3A_419 = arith.constant 0.000000e+00 : f32
        %max3A_420 = vector.broadcast %max3A_419 : f32 to vector<16xf32>
        %max3A_421 = arith.maximumf %sub3A_418, %max3A_420 : vector<16xf32>
        %mul3A_422 = arith.mulf %max3A_417, %max3A_421 : vector<16xf32>
        tpu.vector_store_idx %arg17[%select_n3A_398], %mul3A_422 : memref<1072xf32, #tpu.memory_space<vmem>>[vector<16xi32>], vector<16xf32>,
        %reduce_max3A_423 = arith.constant true
        %reduce_max3A_424 = vector.broadcast %reduce_max3A_423 : i1 to vector<16xi1>
        %reduce_max3A_425 = arith.constant -2147483648 : i32
        %reduce_max3A_426 = vector.broadcast %reduce_max3A_425 : i32 to vector<16xi32>
        %reduce_max3A_427 = arith.xori %masked_cumsum3A, %reduce_max3A_426 : vector<16xi32>
        %reduce_max3A_428 = tpu.scan <max>, %reduce_max3A_427 masked %reduce_max3A_424 : vector<16xi32>, vector<16xi1> -> vector<16xi32>
        %reduce_max3A_429 = arith.xori %reduce_max3A_428, %reduce_max3A_426 : vector<16xi32>
        %reduce_max3A_430 = vector.extract %reduce_max3A_429[15] : i32 from vector<16xi32>
        %add3A_431 = arith.addi %scan3A_382, %reduce_max3A_430 : i32
        scf.yield %add3A_431 : i32
      }
      %scan3A_49 = arith.constant 64 : i32
      %swap3A = arith.index_cast %scan3A_48 : i32 to index
      %swap3A_50 = tpu.vector_load %arg12[%swap3A] {strides = array<i32>} : memref<1072xf32, #tpu.memory_space<vmem>>, vector<16xf32>,
      tpu.vector_store %arg12[%swap3A], %broadcast_in_dim3A_2 {strides = array<i32>} : memref<1072xf32, #tpu.memory_space<vmem>>, vector<16xf32>,
      %add3A_51 = arith.constant 16 : i32
      %add3A_52 = arith.addi %scan3A_48, %add3A_51 : i32
      %swap3A_53 = arith.index_cast %add3A_52 : i32 to index
      %swap3A_54 = tpu.vector_load %arg12[%swap3A_53] {strides = array<i32>} : memref<1072xf32, #tpu.memory_space<vmem>>, vector<16xf32>,
      tpu.vector_store %arg12[%swap3A_53], %broadcast_in_dim3A_2 {strides = array<i32>} : memref<1072xf32, #tpu.memory_space<vmem>>, vector<16xf32>,
      %swap3A_55 = arith.constant 0 : index
      %swap3A_56 = tpu.vector_load %arg18[%swap3A_55] {strides = array<i32>} : memref<224xf32, #tpu.memory_space<vmem>>, vector<16xf32>,
      tpu.vector_store %arg18[%swap3A_55], %broadcast_in_dim3A_2 {strides = array<i32>} : memref<224xf32, #tpu.memory_space<vmem>>, vector<16xf32>,
      %broadcast_in_dim3A_57 = arith.constant 0.000000e+00 : f32
      %broadcast_in_dim3A_58 = vector.broadcast %broadcast_in_dim3A_57 : f32 to vector<16xf32>
      %swap3A_59 = arith.constant 0 : index
      %swap3A_60 = tpu.vector_load %arg19[%swap3A_59] {strides = array<i32>} : memref<224xf32, #tpu.memory_space<vmem>>, vector<16xf32>,
      tpu.vector_store %arg19[%swap3A_59], %broadcast_in_dim3A_58 {strides = array<i32>} : memref<224xf32, #tpu.memory_space<vmem>>, vector<16xf32>,
      %broadcast_in_dim3A_61 = arith.constant 0.000000e+00 : f32
      %broadcast_in_dim3A_62 = vector.broadcast %broadcast_in_dim3A_61 : f32 to vector<16xf32>
      %swap3A_63 = arith.constant 0 : index
      %swap3A_64 = tpu.vector_load %arg20[%swap3A_63] {strides = array<i32>} : memref<224xf32, #tpu.memory_space<vmem>>, vector<16xf32>,
      tpu.vector_store %arg20[%swap3A_63], %broadcast_in_dim3A_62 {strides = array<i32>} : memref<224xf32, #tpu.memory_space<vmem>>, vector<16xf32>,
      %broadcast_in_dim3A_65 = arith.constant 0.000000e+00 : f32
      %broadcast_in_dim3A_66 = vector.broadcast %broadcast_in_dim3A_65 : f32 to vector<16xf32>
      %swap3A_67 = arith.constant 0 : index
      %swap3A_68 = tpu.vector_load %arg21[%swap3A_67] {strides = array<i32>} : memref<224xf32, #tpu.memory_space<vmem>>, vector<16xf32>,
      tpu.vector_store %arg21[%swap3A_67], %broadcast_in_dim3A_66 {strides = array<i32>} : memref<224xf32, #tpu.memory_space<vmem>>, vector<16xf32>,
      %broadcast_in_dim3A_69 = arith.constant 0.000000e+00 : f32
      %broadcast_in_dim3A_70 = vector.broadcast %broadcast_in_dim3A_69 : f32 to vector<16xf32>
      %swap3A_71 = arith.constant 0 : index
      %swap3A_72 = tpu.vector_load %arg22[%swap3A_71] {strides = array<i32>} : memref<224xf32, #tpu.memory_space<vmem>>, vector<16xf32>,
      tpu.vector_store %arg22[%swap3A_71], %broadcast_in_dim3A_70 {strides = array<i32>} : memref<224xf32, #tpu.memory_space<vmem>>, vector<16xf32>,
      %swap3A_73 = arith.constant 16 : index
      %swap3A_74 = tpu.vector_load %arg18[%swap3A_73] {strides = array<i32>} : memref<224xf32, #tpu.memory_space<vmem>>, vector<16xf32>,
      tpu.vector_store %arg18[%swap3A_73], %broadcast_in_dim3A_2 {strides = array<i32>} : memref<224xf32, #tpu.memory_space<vmem>>, vector<16xf32>,
      %broadcast_in_dim3A_75 = arith.constant 0.000000e+00 : f32
      %broadcast_in_dim3A_76 = vector.broadcast %broadcast_in_dim3A_75 : f32 to vector<16xf32>
      %swap3A_77 = arith.constant 16 : index
      %swap3A_78 = tpu.vector_load %arg19[%swap3A_77] {strides = array<i32>} : memref<224xf32, #tpu.memory_space<vmem>>, vector<16xf32>,
      tpu.vector_store %arg19[%swap3A_77], %broadcast_in_dim3A_76 {strides = array<i32>} : memref<224xf32, #tpu.memory_space<vmem>>, vector<16xf32>,
      %broadcast_in_dim3A_79 = arith.constant 0.000000e+00 : f32
      %broadcast_in_dim3A_80 = vector.broadcast %broadcast_in_dim3A_79 : f32 to vector<16xf32>
      %swap3A_81 = arith.constant 16 : index
      %swap3A_82 = tpu.vector_load %arg20[%swap3A_81] {strides = array<i32>} : memref<224xf32, #tpu.memory_space<vmem>>, vector<16xf32>,
      tpu.vector_store %arg20[%swap3A_81], %broadcast_in_dim3A_80 {strides = array<i32>} : memref<224xf32, #tpu.memory_space<vmem>>, vector<16xf32>,
      %broadcast_in_dim3A_83 = arith.constant 0.000000e+00 : f32
      %broadcast_in_dim3A_84 = vector.broadcast %broadcast_in_dim3A_83 : f32 to vector<16xf32>
      %swap3A_85 = arith.constant 16 : index
      %swap3A_86 = tpu.vector_load %arg21[%swap3A_85] {strides = array<i32>} : memref<224xf32, #tpu.memory_space<vmem>>, vector<16xf32>,
      tpu.vector_store %arg21[%swap3A_85], %broadcast_in_dim3A_84 {strides = array<i32>} : memref<224xf32, #tpu.memory_space<vmem>>, vector<16xf32>,
      %broadcast_in_dim3A_87 = arith.constant 0.000000e+00 : f32
      %broadcast_in_dim3A_88 = vector.broadcast %broadcast_in_dim3A_87 : f32 to vector<16xf32>
      %swap3A_89 = arith.constant 16 : index
      %swap3A_90 = tpu.vector_load %arg22[%swap3A_89] {strides = array<i32>} : memref<224xf32, #tpu.memory_space<vmem>>, vector<16xf32>,
      tpu.vector_store %arg22[%swap3A_89], %broadcast_in_dim3A_88 {strides = array<i32>} : memref<224xf32, #tpu.memory_space<vmem>>, vector<16xf32>,
      %swap3A_91 = arith.constant 32 : index
      %swap3A_92 = tpu.vector_load %arg18[%swap3A_91] {strides = array<i32>} : memref<224xf32, #tpu.memory_space<vmem>>, vector<16xf32>,
      tpu.vector_store %arg18[%swap3A_91], %broadcast_in_dim3A_2 {strides = array<i32>} : memref<224xf32, #tpu.memory_space<vmem>>, vector<16xf32>,
      %broadcast_in_dim3A_93 = arith.constant 0.000000e+00 : f32
      %broadcast_in_dim3A_94 = vector.broadcast %broadcast_in_dim3A_93 : f32 to vector<16xf32>
      %swap3A_95 = arith.constant 32 : index
      %swap3A_96 = tpu.vector_load %arg19[%swap3A_95] {strides = array<i32>} : memref<224xf32, #tpu.memory_space<vmem>>, vector<16xf32>,
      tpu.vector_store %arg19[%swap3A_95], %broadcast_in_dim3A_94 {strides = array<i32>} : memref<224xf32, #tpu.memory_space<vmem>>, vector<16xf32>,
      %broadcast_in_dim3A_97 = arith.constant 0.000000e+00 : f32
      %broadcast_in_dim3A_98 = vector.broadcast %broadcast_in_dim3A_97 : f32 to vector<16xf32>
      %swap3A_99 = arith.constant 32 : index
      %swap3A_100 = tpu.vector_load %arg20[%swap3A_99] {strides = array<i32>} : memref<224xf32, #tpu.memory_space<vmem>>, vector<16xf32>,
      tpu.vector_store %arg20[%swap3A_99], %broadcast_in_dim3A_98 {strides = array<i32>} : memref<224xf32, #tpu.memory_space<vmem>>, vector<16xf32>,
      %broadcast_in_dim3A_101 = arith.constant 0.000000e+00 : f32
      %broadcast_in_dim3A_102 = vector.broadcast %broadcast_in_dim3A_101 : f32 to vector<16xf32>
      %swap3A_103 = arith.constant 32 : index
      %swap3A_104 = tpu.vector_load %arg21[%swap3A_103] {strides = array<i32>} : memref<224xf32, #tpu.memory_space<vmem>>, vector<16xf32>,
      tpu.vector_store %arg21[%swap3A_103], %broadcast_in_dim3A_102 {strides = array<i32>} : memref<224xf32, #tpu.memory_space<vmem>>, vector<16xf32>,
      %broadcast_in_dim3A_105 = arith.constant 0.000000e+00 : f32
      %broadcast_in_dim3A_106 = vector.broadcast %broadcast_in_dim3A_105 : f32 to vector<16xf32>
      %swap3A_107 = arith.constant 32 : index
      %swap3A_108 = tpu.vector_load %arg22[%swap3A_107] {strides = array<i32>} : memref<224xf32, #tpu.memory_space<vmem>>, vector<16xf32>,
      tpu.vector_store %arg22[%swap3A_107], %broadcast_in_dim3A_106 {strides = array<i32>} : memref<224xf32, #tpu.memory_space<vmem>>, vector<16xf32>,
      %swap3A_109 = arith.constant 48 : index
      %swap3A_110 = tpu.vector_load %arg18[%swap3A_109] {strides = array<i32>} : memref<224xf32, #tpu.memory_space<vmem>>, vector<16xf32>,
      tpu.vector_store %arg18[%swap3A_109], %broadcast_in_dim3A_2 {strides = array<i32>} : memref<224xf32, #tpu.memory_space<vmem>>, vector<16xf32>,
      %broadcast_in_dim3A_111 = arith.constant 0.000000e+00 : f32
      %broadcast_in_dim3A_112 = vector.broadcast %broadcast_in_dim3A_111 : f32 to vector<16xf32>
      %swap3A_113 = arith.constant 48 : index
      %swap3A_114 = tpu.vector_load %arg19[%swap3A_113] {strides = array<i32>} : memref<224xf32, #tpu.memory_space<vmem>>, vector<16xf32>,
      tpu.vector_store %arg19[%swap3A_113], %broadcast_in_dim3A_112 {strides = array<i32>} : memref<224xf32, #tpu.memory_space<vmem>>, vector<16xf32>,
      %broadcast_in_dim3A_115 = arith.constant 0.000000e+00 : f32
      %broadcast_in_dim3A_116 = vector.broadcast %broadcast_in_dim3A_115 : f32 to vector<16xf32>
      %swap3A_117 = arith.constant 48 : index
      %swap3A_118 = tpu.vector_load %arg20[%swap3A_117] {strides = array<i32>} : memref<224xf32, #tpu.memory_space<vmem>>, vector<16xf32>,
      tpu.vector_store %arg20[%swap3A_117], %broadcast_in_dim3A_116 {strides = array<i32>} : memref<224xf32, #tpu.memory_space<vmem>>, vector<16xf32>,
      %broadcast_in_dim3A_119 = arith.constant 0.000000e+00 : f32
      %broadcast_in_dim3A_120 = vector.broadcast %broadcast_in_dim3A_119 : f32 to vector<16xf32>
      %swap3A_121 = arith.constant 48 : index
      %swap3A_122 = tpu.vector_load %arg21[%swap3A_121] {strides = array<i32>} : memref<224xf32, #tpu.memory_space<vmem>>, vector<16xf32>,
      tpu.vector_store %arg21[%swap3A_121], %broadcast_in_dim3A_120 {strides = array<i32>} : memref<224xf32, #tpu.memory_space<vmem>>, vector<16xf32>,
      %broadcast_in_dim3A_123 = arith.constant 0.000000e+00 : f32
      %broadcast_in_dim3A_124 = vector.broadcast %broadcast_in_dim3A_123 : f32 to vector<16xf32>
      %swap3A_125 = arith.constant 48 : index
      %swap3A_126 = tpu.vector_load %arg22[%swap3A_125] {strides = array<i32>} : memref<224xf32, #tpu.memory_space<vmem>>, vector<16xf32>,
      tpu.vector_store %arg22[%swap3A_125], %broadcast_in_dim3A_124 {strides = array<i32>} : memref<224xf32, #tpu.memory_space<vmem>>, vector<16xf32>,
      %swap3A_127 = arith.constant 64 : index
      %swap3A_128 = tpu.vector_load %arg18[%swap3A_127] {strides = array<i32>} : memref<224xf32, #tpu.memory_space<vmem>>, vector<16xf32>,
      tpu.vector_store %arg18[%swap3A_127], %broadcast_in_dim3A_2 {strides = array<i32>} : memref<224xf32, #tpu.memory_space<vmem>>, vector<16xf32>,
      %broadcast_in_dim3A_129 = arith.constant 0.000000e+00 : f32
      %broadcast_in_dim3A_130 = vector.broadcast %broadcast_in_dim3A_129 : f32 to vector<16xf32>
      %swap3A_131 = arith.constant 64 : index
      %swap3A_132 = tpu.vector_load %arg19[%swap3A_131] {strides = array<i32>} : memref<224xf32, #tpu.memory_space<vmem>>, vector<16xf32>,
      tpu.vector_store %arg19[%swap3A_131], %broadcast_in_dim3A_130 {strides = array<i32>} : memref<224xf32, #tpu.memory_space<vmem>>, vector<16xf32>,
      %broadcast_in_dim3A_133 = arith.constant 0.000000e+00 : f32
      %broadcast_in_dim3A_134 = vector.broadcast %broadcast_in_dim3A_133 : f32 to vector<16xf32>
      %swap3A_135 = arith.constant 64 : index
      %swap3A_136 = tpu.vector_load %arg20[%swap3A_135] {strides = array<i32>} : memref<224xf32, #tpu.memory_space<vmem>>, vector<16xf32>,
      tpu.vector_store %arg20[%swap3A_135], %broadcast_in_dim3A_134 {strides = array<i32>} : memref<224xf32, #tpu.memory_space<vmem>>, vector<16xf32>,
      %broadcast_in_dim3A_137 = arith.constant 0.000000e+00 : f32
      %broadcast_in_dim3A_138 = vector.broadcast %broadcast_in_dim3A_137 : f32 to vector<16xf32>
      %swap3A_139 = arith.constant 64 : index
      %swap3A_140 = tpu.vector_load %arg21[%swap3A_139] {strides = array<i32>} : memref<224xf32, #tpu.memory_space<vmem>>, vector<16xf32>,
      tpu.vector_store %arg21[%swap3A_139], %broadcast_in_dim3A_138 {strides = array<i32>} : memref<224xf32, #tpu.memory_space<vmem>>, vector<16xf32>,
      %broadcast_in_dim3A_141 = arith.constant 0.000000e+00 : f32
      %broadcast_in_dim3A_142 = vector.broadcast %broadcast_in_dim3A_141 : f32 to vector<16xf32>
      %swap3A_143 = arith.constant 64 : index
      %swap3A_144 = tpu.vector_load %arg22[%swap3A_143] {strides = array<i32>} : memref<224xf32, #tpu.memory_space<vmem>>, vector<16xf32>,
      tpu.vector_store %arg22[%swap3A_143], %broadcast_in_dim3A_142 {strides = array<i32>} : memref<224xf32, #tpu.memory_space<vmem>>, vector<16xf32>,
      %swap3A_145 = arith.constant 80 : index
      %swap3A_146 = tpu.vector_load %arg18[%swap3A_145] {strides = array<i32>} : memref<224xf32, #tpu.memory_space<vmem>>, vector<16xf32>,
      tpu.vector_store %arg18[%swap3A_145], %broadcast_in_dim3A_2 {strides = array<i32>} : memref<224xf32, #tpu.memory_space<vmem>>, vector<16xf32>,
      %broadcast_in_dim3A_147 = arith.constant 0.000000e+00 : f32
      %broadcast_in_dim3A_148 = vector.broadcast %broadcast_in_dim3A_147 : f32 to vector<16xf32>
      %swap3A_149 = arith.constant 80 : index
      %swap3A_150 = tpu.vector_load %arg19[%swap3A_149] {strides = array<i32>} : memref<224xf32, #tpu.memory_space<vmem>>, vector<16xf32>,
      tpu.vector_store %arg19[%swap3A_149], %broadcast_in_dim3A_148 {strides = array<i32>} : memref<224xf32, #tpu.memory_space<vmem>>, vector<16xf32>,
      %broadcast_in_dim3A_151 = arith.constant 0.000000e+00 : f32
      %broadcast_in_dim3A_152 = vector.broadcast %broadcast_in_dim3A_151 : f32 to vector<16xf32>
      %swap3A_153 = arith.constant 80 : index
      %swap3A_154 = tpu.vector_load %arg20[%swap3A_153] {strides = array<i32>} : memref<224xf32, #tpu.memory_space<vmem>>, vector<16xf32>,
      tpu.vector_store %arg20[%swap3A_153], %broadcast_in_dim3A_152 {strides = array<i32>} : memref<224xf32, #tpu.memory_space<vmem>>, vector<16xf32>,
      %broadcast_in_dim3A_155 = arith.constant 0.000000e+00 : f32
      %broadcast_in_dim3A_156 = vector.broadcast %broadcast_in_dim3A_155 : f32 to vector<16xf32>
      %swap3A_157 = arith.constant 80 : index
      %swap3A_158 = tpu.vector_load %arg21[%swap3A_157] {strides = array<i32>} : memref<224xf32, #tpu.memory_space<vmem>>, vector<16xf32>,
      tpu.vector_store %arg21[%swap3A_157], %broadcast_in_dim3A_156 {strides = array<i32>} : memref<224xf32, #tpu.memory_space<vmem>>, vector<16xf32>,
      %broadcast_in_dim3A_159 = arith.constant 0.000000e+00 : f32
      %broadcast_in_dim3A_160 = vector.broadcast %broadcast_in_dim3A_159 : f32 to vector<16xf32>
      %swap3A_161 = arith.constant 80 : index
      %swap3A_162 = tpu.vector_load %arg22[%swap3A_161] {strides = array<i32>} : memref<224xf32, #tpu.memory_space<vmem>>, vector<16xf32>,
      tpu.vector_store %arg22[%swap3A_161], %broadcast_in_dim3A_160 {strides = array<i32>} : memref<224xf32, #tpu.memory_space<vmem>>, vector<16xf32>,
      %swap3A_163 = arith.constant 96 : index
      %swap3A_164 = tpu.vector_load %arg18[%swap3A_163] {strides = array<i32>} : memref<224xf32, #tpu.memory_space<vmem>>, vector<16xf32>,
      tpu.vector_store %arg18[%swap3A_163], %broadcast_in_dim3A_2 {strides = array<i32>} : memref<224xf32, #tpu.memory_space<vmem>>, vector<16xf32>,
      %broadcast_in_dim3A_165 = arith.constant 0.000000e+00 : f32
      %broadcast_in_dim3A_166 = vector.broadcast %broadcast_in_dim3A_165 : f32 to vector<16xf32>
      %swap3A_167 = arith.constant 96 : index
      %swap3A_168 = tpu.vector_load %arg19[%swap3A_167] {strides = array<i32>} : memref<224xf32, #tpu.memory_space<vmem>>, vector<16xf32>,
      tpu.vector_store %arg19[%swap3A_167], %broadcast_in_dim3A_166 {strides = array<i32>} : memref<224xf32, #tpu.memory_space<vmem>>, vector<16xf32>,
      %broadcast_in_dim3A_169 = arith.constant 0.000000e+00 : f32
      %broadcast_in_dim3A_170 = vector.broadcast %broadcast_in_dim3A_169 : f32 to vector<16xf32>
      %swap3A_171 = arith.constant 96 : index
      %swap3A_172 = tpu.vector_load %arg20[%swap3A_171] {strides = array<i32>} : memref<224xf32, #tpu.memory_space<vmem>>, vector<16xf32>,
      tpu.vector_store %arg20[%swap3A_171], %broadcast_in_dim3A_170 {strides = array<i32>} : memref<224xf32, #tpu.memory_space<vmem>>, vector<16xf32>,
      %broadcast_in_dim3A_173 = arith.constant 0.000000e+00 : f32
      %broadcast_in_dim3A_174 = vector.broadcast %broadcast_in_dim3A_173 : f32 to vector<16xf32>
      %swap3A_175 = arith.constant 96 : index
      %swap3A_176 = tpu.vector_load %arg21[%swap3A_175] {strides = array<i32>} : memref<224xf32, #tpu.memory_space<vmem>>, vector<16xf32>,
      tpu.vector_store %arg21[%swap3A_175], %broadcast_in_dim3A_174 {strides = array<i32>} : memref<224xf32, #tpu.memory_space<vmem>>, vector<16xf32>,
      %broadcast_in_dim3A_177 = arith.constant 0.000000e+00 : f32
      %broadcast_in_dim3A_178 = vector.broadcast %broadcast_in_dim3A_177 : f32 to vector<16xf32>
      %swap3A_179 = arith.constant 96 : index
      %swap3A_180 = tpu.vector_load %arg22[%swap3A_179] {strides = array<i32>} : memref<224xf32, #tpu.memory_space<vmem>>, vector<16xf32>,
      tpu.vector_store %arg22[%swap3A_179], %broadcast_in_dim3A_178 {strides = array<i32>} : memref<224xf32, #tpu.memory_space<vmem>>, vector<16xf32>,
      %swap3A_181 = arith.constant 112 : index
      %swap3A_182 = tpu.vector_load %arg18[%swap3A_181] {strides = array<i32>} : memref<224xf32, #tpu.memory_space<vmem>>, vector<16xf32>,
      tpu.vector_store %arg18[%swap3A_181], %broadcast_in_dim3A_2 {strides = array<i32>} : memref<224xf32, #tpu.memory_space<vmem>>, vector<16xf32>,
      %broadcast_in_dim3A_183 = arith.constant 0.000000e+00 : f32
      %broadcast_in_dim3A_184 = vector.broadcast %broadcast_in_dim3A_183 : f32 to vector<16xf32>
      %swap3A_185 = arith.constant 112 : index
      %swap3A_186 = tpu.vector_load %arg19[%swap3A_185] {strides = array<i32>} : memref<224xf32, #tpu.memory_space<vmem>>, vector<16xf32>,
      tpu.vector_store %arg19[%swap3A_185], %broadcast_in_dim3A_184 {strides = array<i32>} : memref<224xf32, #tpu.memory_space<vmem>>, vector<16xf32>,
      %broadcast_in_dim3A_187 = arith.constant 0.000000e+00 : f32
      %broadcast_in_dim3A_188 = vector.broadcast %broadcast_in_dim3A_187 : f32 to vector<16xf32>
      %swap3A_189 = arith.constant 112 : index
      %swap3A_190 = tpu.vector_load %arg20[%swap3A_189] {strides = array<i32>} : memref<224xf32, #tpu.memory_space<vmem>>, vector<16xf32>,
      tpu.vector_store %arg20[%swap3A_189], %broadcast_in_dim3A_188 {strides = array<i32>} : memref<224xf32, #tpu.memory_space<vmem>>, vector<16xf32>,
      %broadcast_in_dim3A_191 = arith.constant 0.000000e+00 : f32
      %broadcast_in_dim3A_192 = vector.broadcast %broadcast_in_dim3A_191 : f32 to vector<16xf32>
      %swap3A_193 = arith.constant 112 : index
      %swap3A_194 = tpu.vector_load %arg21[%swap3A_193] {strides = array<i32>} : memref<224xf32, #tpu.memory_space<vmem>>, vector<16xf32>,
      tpu.vector_store %arg21[%swap3A_193], %broadcast_in_dim3A_192 {strides = array<i32>} : memref<224xf32, #tpu.memory_space<vmem>>, vector<16xf32>,
      %broadcast_in_dim3A_195 = arith.constant 0.000000e+00 : f32
      %broadcast_in_dim3A_196 = vector.broadcast %broadcast_in_dim3A_195 : f32 to vector<16xf32>
      %swap3A_197 = arith.constant 112 : index
      %swap3A_198 = tpu.vector_load %arg22[%swap3A_197] {strides = array<i32>} : memref<224xf32, #tpu.memory_space<vmem>>, vector<16xf32>,
      tpu.vector_store %arg22[%swap3A_197], %broadcast_in_dim3A_196 {strides = array<i32>} : memref<224xf32, #tpu.memory_space<vmem>>, vector<16xf32>,
      %swap3A_199 = arith.constant 128 : index
      %swap3A_200 = tpu.vector_load %arg18[%swap3A_199] {strides = array<i32>} : memref<224xf32, #tpu.memory_space<vmem>>, vector<16xf32>,
      tpu.vector_store %arg18[%swap3A_199], %broadcast_in_dim3A_2 {strides = array<i32>} : memref<224xf32, #tpu.memory_space<vmem>>, vector<16xf32>,
      %broadcast_in_dim3A_201 = arith.constant 0.000000e+00 : f32
      %broadcast_in_dim3A_202 = vector.broadcast %broadcast_in_dim3A_201 : f32 to vector<16xf32>
      %swap3A_203 = arith.constant 128 : index
      %swap3A_204 = tpu.vector_load %arg19[%swap3A_203] {strides = array<i32>} : memref<224xf32, #tpu.memory_space<vmem>>, vector<16xf32>,
      tpu.vector_store %arg19[%swap3A_203], %broadcast_in_dim3A_202 {strides = array<i32>} : memref<224xf32, #tpu.memory_space<vmem>>, vector<16xf32>,
      %broadcast_in_dim3A_205 = arith.constant 0.000000e+00 : f32
      %broadcast_in_dim3A_206 = vector.broadcast %broadcast_in_dim3A_205 : f32 to vector<16xf32>
      %swap3A_207 = arith.constant 128 : index
      %swap3A_208 = tpu.vector_load %arg20[%swap3A_207] {strides = array<i32>} : memref<224xf32, #tpu.memory_space<vmem>>, vector<16xf32>,
      tpu.vector_store %arg20[%swap3A_207], %broadcast_in_dim3A_206 {strides = array<i32>} : memref<224xf32, #tpu.memory_space<vmem>>, vector<16xf32>,
      %broadcast_in_dim3A_209 = arith.constant 0.000000e+00 : f32
      %broadcast_in_dim3A_210 = vector.broadcast %broadcast_in_dim3A_209 : f32 to vector<16xf32>
      %swap3A_211 = arith.constant 128 : index
      %swap3A_212 = tpu.vector_load %arg21[%swap3A_211] {strides = array<i32>} : memref<224xf32, #tpu.memory_space<vmem>>, vector<16xf32>,
      tpu.vector_store %arg21[%swap3A_211], %broadcast_in_dim3A_210 {strides = array<i32>} : memref<224xf32, #tpu.memory_space<vmem>>, vector<16xf32>,
      %broadcast_in_dim3A_213 = arith.constant 0.000000e+00 : f32
      %broadcast_in_dim3A_214 = vector.broadcast %broadcast_in_dim3A_213 : f32 to vector<16xf32>
      %swap3A_215 = arith.constant 128 : index
      %swap3A_216 = tpu.vector_load %arg22[%swap3A_215] {strides = array<i32>} : memref<224xf32, #tpu.memory_space<vmem>>, vector<16xf32>,
      tpu.vector_store %arg22[%swap3A_215], %broadcast_in_dim3A_214 {strides = array<i32>} : memref<224xf32, #tpu.memory_space<vmem>>, vector<16xf32>,
      %swap3A_217 = arith.constant 144 : index
      %swap3A_218 = tpu.vector_load %arg18[%swap3A_217] {strides = array<i32>} : memref<224xf32, #tpu.memory_space<vmem>>, vector<16xf32>,
      tpu.vector_store %arg18[%swap3A_217], %broadcast_in_dim3A_2 {strides = array<i32>} : memref<224xf32, #tpu.memory_space<vmem>>, vector<16xf32>,
      %broadcast_in_dim3A_219 = arith.constant 0.000000e+00 : f32
      %broadcast_in_dim3A_220 = vector.broadcast %broadcast_in_dim3A_219 : f32 to vector<16xf32>
      %swap3A_221 = arith.constant 144 : index
      %swap3A_222 = tpu.vector_load %arg19[%swap3A_221] {strides = array<i32>} : memref<224xf32, #tpu.memory_space<vmem>>, vector<16xf32>,
      tpu.vector_store %arg19[%swap3A_221], %broadcast_in_dim3A_220 {strides = array<i32>} : memref<224xf32, #tpu.memory_space<vmem>>, vector<16xf32>,
      %broadcast_in_dim3A_223 = arith.constant 0.000000e+00 : f32
      %broadcast_in_dim3A_224 = vector.broadcast %broadcast_in_dim3A_223 : f32 to vector<16xf32>
      %swap3A_225 = arith.constant 144 : index
      %swap3A_226 = tpu.vector_load %arg20[%swap3A_225] {strides = array<i32>} : memref<224xf32, #tpu.memory_space<vmem>>, vector<16xf32>,
      tpu.vector_store %arg20[%swap3A_225], %broadcast_in_dim3A_224 {strides = array<i32>} : memref<224xf32, #tpu.memory_space<vmem>>, vector<16xf32>,
      %broadcast_in_dim3A_227 = arith.constant 0.000000e+00 : f32
      %broadcast_in_dim3A_228 = vector.broadcast %broadcast_in_dim3A_227 : f32 to vector<16xf32>
      %swap3A_229 = arith.constant 144 : index
      %swap3A_230 = tpu.vector_load %arg21[%swap3A_229] {strides = array<i32>} : memref<224xf32, #tpu.memory_space<vmem>>, vector<16xf32>,
      tpu.vector_store %arg21[%swap3A_229], %broadcast_in_dim3A_228 {strides = array<i32>} : memref<224xf32, #tpu.memory_space<vmem>>, vector<16xf32>,
      %broadcast_in_dim3A_231 = arith.constant 0.000000e+00 : f32
      %broadcast_in_dim3A_232 = vector.broadcast %broadcast_in_dim3A_231 : f32 to vector<16xf32>
      %swap3A_233 = arith.constant 144 : index
      %swap3A_234 = tpu.vector_load %arg22[%swap3A_233] {strides = array<i32>} : memref<224xf32, #tpu.memory_space<vmem>>, vector<16xf32>,
      tpu.vector_store %arg22[%swap3A_233], %broadcast_in_dim3A_232 {strides = array<i32>} : memref<224xf32, #tpu.memory_space<vmem>>, vector<16xf32>,
      %swap3A_235 = arith.constant 160 : index
      %swap3A_236 = tpu.vector_load %arg18[%swap3A_235] {strides = array<i32>} : memref<224xf32, #tpu.memory_space<vmem>>, vector<16xf32>,
      tpu.vector_store %arg18[%swap3A_235], %broadcast_in_dim3A_2 {strides = array<i32>} : memref<224xf32, #tpu.memory_space<vmem>>, vector<16xf32>,
      %broadcast_in_dim3A_237 = arith.constant 0.000000e+00 : f32
      %broadcast_in_dim3A_238 = vector.broadcast %broadcast_in_dim3A_237 : f32 to vector<16xf32>
      %swap3A_239 = arith.constant 160 : index
      %swap3A_240 = tpu.vector_load %arg19[%swap3A_239] {strides = array<i32>} : memref<224xf32, #tpu.memory_space<vmem>>, vector<16xf32>,
      tpu.vector_store %arg19[%swap3A_239], %broadcast_in_dim3A_238 {strides = array<i32>} : memref<224xf32, #tpu.memory_space<vmem>>, vector<16xf32>,
      %broadcast_in_dim3A_241 = arith.constant 0.000000e+00 : f32
      %broadcast_in_dim3A_242 = vector.broadcast %broadcast_in_dim3A_241 : f32 to vector<16xf32>
      %swap3A_243 = arith.constant 160 : index
      %swap3A_244 = tpu.vector_load %arg20[%swap3A_243] {strides = array<i32>} : memref<224xf32, #tpu.memory_space<vmem>>, vector<16xf32>,
      tpu.vector_store %arg20[%swap3A_243], %broadcast_in_dim3A_242 {strides = array<i32>} : memref<224xf32, #tpu.memory_space<vmem>>, vector<16xf32>,
      %broadcast_in_dim3A_245 = arith.constant 0.000000e+00 : f32
      %broadcast_in_dim3A_246 = vector.broadcast %broadcast_in_dim3A_245 : f32 to vector<16xf32>
      %swap3A_247 = arith.constant 160 : index
      %swap3A_248 = tpu.vector_load %arg21[%swap3A_247] {strides = array<i32>} : memref<224xf32, #tpu.memory_space<vmem>>, vector<16xf32>,
      tpu.vector_store %arg21[%swap3A_247], %broadcast_in_dim3A_246 {strides = array<i32>} : memref<224xf32, #tpu.memory_space<vmem>>, vector<16xf32>,
      %broadcast_in_dim3A_249 = arith.constant 0.000000e+00 : f32
      %broadcast_in_dim3A_250 = vector.broadcast %broadcast_in_dim3A_249 : f32 to vector<16xf32>
      %swap3A_251 = arith.constant 160 : index
      %swap3A_252 = tpu.vector_load %arg22[%swap3A_251] {strides = array<i32>} : memref<224xf32, #tpu.memory_space<vmem>>, vector<16xf32>,
      tpu.vector_store %arg22[%swap3A_251], %broadcast_in_dim3A_250 {strides = array<i32>} : memref<224xf32, #tpu.memory_space<vmem>>, vector<16xf32>,
      %swap3A_253 = arith.constant 176 : index
      %swap3A_254 = tpu.vector_load %arg18[%swap3A_253] {strides = array<i32>} : memref<224xf32, #tpu.memory_space<vmem>>, vector<16xf32>,
      tpu.vector_store %arg18[%swap3A_253], %broadcast_in_dim3A_2 {strides = array<i32>} : memref<224xf32, #tpu.memory_space<vmem>>, vector<16xf32>,
      %broadcast_in_dim3A_255 = arith.constant 0.000000e+00 : f32
      %broadcast_in_dim3A_256 = vector.broadcast %broadcast_in_dim3A_255 : f32 to vector<16xf32>
      %swap3A_257 = arith.constant 176 : index
      %swap3A_258 = tpu.vector_load %arg19[%swap3A_257] {strides = array<i32>} : memref<224xf32, #tpu.memory_space<vmem>>, vector<16xf32>,
      tpu.vector_store %arg19[%swap3A_257], %broadcast_in_dim3A_256 {strides = array<i32>} : memref<224xf32, #tpu.memory_space<vmem>>, vector<16xf32>,
      %broadcast_in_dim3A_259 = arith.constant 0.000000e+00 : f32
      %broadcast_in_dim3A_260 = vector.broadcast %broadcast_in_dim3A_259 : f32 to vector<16xf32>
      %swap3A_261 = arith.constant 176 : index
      %swap3A_262 = tpu.vector_load %arg20[%swap3A_261] {strides = array<i32>} : memref<224xf32, #tpu.memory_space<vmem>>, vector<16xf32>,
      tpu.vector_store %arg20[%swap3A_261], %broadcast_in_dim3A_260 {strides = array<i32>} : memref<224xf32, #tpu.memory_space<vmem>>, vector<16xf32>,
      %broadcast_in_dim3A_263 = arith.constant 0.000000e+00 : f32
      %broadcast_in_dim3A_264 = vector.broadcast %broadcast_in_dim3A_263 : f32 to vector<16xf32>
      %swap3A_265 = arith.constant 176 : index
      %swap3A_266 = tpu.vector_load %arg21[%swap3A_265] {strides = array<i32>} : memref<224xf32, #tpu.memory_space<vmem>>, vector<16xf32>,
      tpu.vector_store %arg21[%swap3A_265], %broadcast_in_dim3A_264 {strides = array<i32>} : memref<224xf32, #tpu.memory_space<vmem>>, vector<16xf32>,
      %broadcast_in_dim3A_267 = arith.constant 0.000000e+00 : f32
      %broadcast_in_dim3A_268 = vector.broadcast %broadcast_in_dim3A_267 : f32 to vector<16xf32>
      %swap3A_269 = arith.constant 176 : index
      %swap3A_270 = tpu.vector_load %arg22[%swap3A_269] {strides = array<i32>} : memref<224xf32, #tpu.memory_space<vmem>>, vector<16xf32>,
      tpu.vector_store %arg22[%swap3A_269], %broadcast_in_dim3A_268 {strides = array<i32>} : memref<224xf32, #tpu.memory_space<vmem>>, vector<16xf32>,
      %swap3A_271 = arith.constant 192 : index
      %swap3A_272 = tpu.vector_load %arg18[%swap3A_271] {strides = array<i32>} : memref<224xf32, #tpu.memory_space<vmem>>, vector<16xf32>,
      tpu.vector_store %arg18[%swap3A_271], %broadcast_in_dim3A_2 {strides = array<i32>} : memref<224xf32, #tpu.memory_space<vmem>>, vector<16xf32>,
      %broadcast_in_dim3A_273 = arith.constant 0.000000e+00 : f32
      %broadcast_in_dim3A_274 = vector.broadcast %broadcast_in_dim3A_273 : f32 to vector<16xf32>
      %swap3A_275 = arith.constant 192 : index
      %swap3A_276 = tpu.vector_load %arg19[%swap3A_275] {strides = array<i32>} : memref<224xf32, #tpu.memory_space<vmem>>, vector<16xf32>,
      tpu.vector_store %arg19[%swap3A_275], %broadcast_in_dim3A_274 {strides = array<i32>} : memref<224xf32, #tpu.memory_space<vmem>>, vector<16xf32>,
      %broadcast_in_dim3A_277 = arith.constant 0.000000e+00 : f32
      %broadcast_in_dim3A_278 = vector.broadcast %broadcast_in_dim3A_277 : f32 to vector<16xf32>
      %swap3A_279 = arith.constant 192 : index
      %swap3A_280 = tpu.vector_load %arg20[%swap3A_279] {strides = array<i32>} : memref<224xf32, #tpu.memory_space<vmem>>, vector<16xf32>,
      tpu.vector_store %arg20[%swap3A_279], %broadcast_in_dim3A_278 {strides = array<i32>} : memref<224xf32, #tpu.memory_space<vmem>>, vector<16xf32>,
      %broadcast_in_dim3A_281 = arith.constant 0.000000e+00 : f32
      %broadcast_in_dim3A_282 = vector.broadcast %broadcast_in_dim3A_281 : f32 to vector<16xf32>
      %swap3A_283 = arith.constant 192 : index
      %swap3A_284 = tpu.vector_load %arg21[%swap3A_283] {strides = array<i32>} : memref<224xf32, #tpu.memory_space<vmem>>, vector<16xf32>,
      tpu.vector_store %arg21[%swap3A_283], %broadcast_in_dim3A_282 {strides = array<i32>} : memref<224xf32, #tpu.memory_space<vmem>>, vector<16xf32>,
      %broadcast_in_dim3A_285 = arith.constant 0.000000e+00 : f32
      %broadcast_in_dim3A_286 = vector.broadcast %broadcast_in_dim3A_285 : f32 to vector<16xf32>
      %swap3A_287 = arith.constant 192 : index
      %swap3A_288 = tpu.vector_load %arg22[%swap3A_287] {strides = array<i32>} : memref<224xf32, #tpu.memory_space<vmem>>, vector<16xf32>,
      tpu.vector_store %arg22[%swap3A_287], %broadcast_in_dim3A_286 {strides = array<i32>} : memref<224xf32, #tpu.memory_space<vmem>>, vector<16xf32>,
      %broadcast_in_dim3A_289 = arith.constant 0.000000e+00 : f32
      %broadcast_in_dim3A_290 = vector.broadcast %broadcast_in_dim3A_289 : f32 to vector<16xf32>
      %add3A_291 = arith.constant -1.000000e+09 : f32
      %add3A_292 = vector.broadcast %add3A_291 : f32 to vector<16xf32>
      %add3A_293 = arith.addf %broadcast_in_dim3A_290, %add3A_292 : vector<16xf32>
      %mul3A_294 = arith.constant 2.000000e+00 : f32
      %mul3A_295 = vector.broadcast %mul3A_294 : f32 to vector<16xf32>
      %mul3A_296 = arith.mulf %add3A_293, %mul3A_295 : vector<16xf32>
      %broadcast_in_dim3A_297 = arith.constant 0 : i32
      %broadcast_in_dim3A_298 = vector.broadcast %broadcast_in_dim3A_297 : i32 to vector<16xi32>
      %add3A_299 = arith.constant 0 : i32
      %add3A_300 = vector.broadcast %add3A_299 : i32 to vector<16xi32>
      %add3A_301 = arith.addi %broadcast_in_dim3A_298, %add3A_300 : vector<16xi32>
      %add3A_302 = arith.constant 15 : i32
      %add3A_303 = arith.addi %scan3A_48, %add3A_302 : i32
      %jit3A = arith.constant 16 : i32
      %div3A = arith.divsi %add3A_303, %jit3A : i32
      %sign3A = arith.constant 0 : i32
      %sign3A_304 = arith.cmpi sgt, %add3A_303, %sign3A : i32
      %sign3A_305 = arith.extui %sign3A_304 : i1 to i32
      %sign3A_306 = arith.constant 0 : i32
      %sign3A_307 = arith.cmpi slt, %add3A_303, %sign3A_306 : i32
      %sign3A_308 = arith.extui %sign3A_307 : i1 to i32
      %sign3A_309 = arith.subi %sign3A_305, %sign3A_308 : i32
      %sign3A_310 = arith.constant 0 : i32
      %sign3A_311 = arith.cmpi sgt, %jit3A, %sign3A_310 : i32
      %sign3A_312 = arith.extui %sign3A_311 : i1 to i32
      %sign3A_313 = arith.constant 0 : i32
      %sign3A_314 = arith.cmpi slt, %jit3A, %sign3A_313 : i32
      %sign3A_315 = arith.extui %sign3A_314 : i1 to i32
      %sign3A_316 = arith.subi %sign3A_312, %sign3A_315 : i32
      %ne3A = arith.cmpi ne, %sign3A_309, %sign3A_316 : i32
      %rem3A = arith.remsi %add3A_303, %jit3A : i32
      %ne3A_317 = arith.constant 0 : i32
      %ne3A_318 = arith.cmpi ne, %rem3A, %ne3A_317 : i32
      %and3A = arith.andi %ne3A, %ne3A_318 : i1
      %sub3A = arith.constant 1 : i32
      %sub3A_319 = arith.subi %div3A, %sub3A : i32
      %select_n3A = arith.select %and3A, %sub3A_319, %div3A : i32
      %mul3A_320 = arith.constant 16 : i32
      %mul3A_321 = arith.muli %select_n3A, %mul3A_320 : i32
      %parallel_loop3A = arith.constant 0 : i32
      %parallel_loop3A_322 = arith.constant 16 : i32
      %parallel_loop3A_323:2 = scf.for %parallel_loop3A_381 = %parallel_loop3A to %mul3A_321 step %parallel_loop3A_322 iter_args(%parallel_loop3A_382 = %mul3A_296, %parallel_loop3A_383 = %add3A_301) -> (vector<16xf32>, vector<16xi32>)  : i32 {
        %parallel_loop3A_384 = arith.index_cast %parallel_loop3A_381 : i32 to index
        %parallel_loop3A_385 = tpu.vector_load %arg12[%parallel_loop3A_384] {strides = array<i32>} : memref<1072xf32, #tpu.memory_space<vmem>>, vector<16xf32>,
        %parallel_loop3A_386 = arith.constant 0 : i32
        %parallel_loop3A_387 = vector.broadcast %parallel_loop3A_386 : i32 to vector<16xi32>
        %parallel_loop3A_388 = vector.broadcast %parallel_loop3A_381 : i32 to vector<16xi32>
        %parallel_loop3A_389 = arith.addi %parallel_loop3A_387, %parallel_loop3A_388 : vector<16xi32>
        %parallel_loop3A_390 = arith.addi %parallel_loop3A_389, %iota3A : vector<16xi32>
        %parallel_loop3A_391 = arith.cmpf ogt, %parallel_loop3A_385, %parallel_loop3A_382 : vector<16xf32>
        %parallel_loop3A_392 = arith.select %parallel_loop3A_391, %parallel_loop3A_385, %parallel_loop3A_382 : vector<16xi1>, vector<16xf32>
        %parallel_loop3A_393 = arith.select %parallel_loop3A_391, %parallel_loop3A_390, %parallel_loop3A_383 : vector<16xi1>, vector<16xi32>
        scf.yield %parallel_loop3A_392, %parallel_loop3A_393 : vector<16xf32>, vector<16xi32>
      } {sc.loop_unroll_factor = 2 : i64, sc.parallel_access}
      %reduce_max3A = arith.constant true
      %reduce_max3A_324 = vector.broadcast %reduce_max3A : i1 to vector<16xi1>
      %reduce_max3A_325 = tpu.scan <max>, %parallel_loop3A_323#0 masked %reduce_max3A_324 : vector<16xf32>, vector<16xi1> -> vector<16xf32>
      %reduce_max3A_326 = vector.extract %reduce_max3A_325[15] : f32 from vector<16xf32>
      %eq3A_327 = vector.broadcast %reduce_max3A_326 : f32 to vector<16xf32>
      %eq3A_328 = arith.cmpf oeq, %parallel_loop3A_323#0, %eq3A_327 : vector<16xf32>
      %jit3A_329 = arith.constant 1073741824 : i32
      %broadcast_in_dim3A_330 = vector.broadcast %jit3A_329 : i32 to vector<16xi32>
      %select_n3A_331 = arith.select %eq3A_328, %parallel_loop3A_323#1, %broadcast_in_dim3A_330 : vector<16xi1>, vector<16xi32>
      %reduce_min3A = arith.constant true
      %reduce_min3A_332 = vector.broadcast %reduce_min3A : i1 to vector<16xi1>
      %reduce_min3A_333 = arith.constant -2147483648 : i32
      %reduce_min3A_334 = vector.broadcast %reduce_min3A_333 : i32 to vector<16xi32>
      %reduce_min3A_335 = arith.xori %select_n3A_331, %reduce_min3A_334 : vector<16xi32>
      %reduce_min3A_336 = tpu.scan <min>, %reduce_min3A_335 masked %reduce_min3A_332 : vector<16xi32>, vector<16xi1> -> vector<16xi32>
      %reduce_min3A_337 = arith.xori %reduce_min3A_336, %reduce_min3A_334 : vector<16xi32>
      %reduce_min3A_338 = vector.extract %reduce_min3A_337[15] : i32 from vector<16xi32>
      %while3A_339 = arith.constant 0 : i32
      %while3A_340:4 = scf.while (%while3A_381 = %while3A_339, %while3A_382 = %reduce_max3A_326, %while3A_383 = %reduce_min3A_338, %while3A_384 = %scan3A_48) : (i32, f32, i32, i32) -> (i32, f32, i32, i32) {
        %gt3A = arith.constant -5.000000e+08 : f32
        %gt3A_385 = arith.cmpf ogt, %while3A_382, %gt3A : f32
        %lt3A_386 = arith.constant 200 : i32
        %lt3A_387 = arith.cmpi slt, %while3A_381, %lt3A_386 : i32
        %and3A_388 = arith.andi %gt3A_385, %lt3A_387 : i1
        scf.condition(%and3A_388) %while3A_381, %while3A_382, %while3A_383, %while3A_384 : i32, f32, i32, i32
      } do {
      ^bb0(%while3A_381: i32, %while3A_382: f32, %while3A_383: i32, %while3A_384: i32):
        %gt3A = arith.constant 0 : i32
        %gt3A_385 = arith.cmpi sgt, %while3A_381, %gt3A : i32
        %jit3A_386 = arith.constant 32 : i32
        %eq3A_387 = arith.constant 0 : i32
        %eq3A_388 = arith.cmpi eq, %jit3A_386, %eq3A_387 : i32
        %jit3A_389 = arith.constant 1 : i32
        %select_n3A_390 = arith.select %eq3A_388, %jit3A_389, %jit3A_386 : i32
        %rem3A_391 = arith.remsi %while3A_381, %select_n3A_390 : i32
        %ne3A_392 = arith.constant 0 : i32
        %ne3A_393 = arith.cmpi ne, %rem3A_391, %ne3A_392 : i32
        %lt3A_394 = arith.constant 0 : i32
        %lt3A_395 = arith.cmpi slt, %rem3A_391, %lt3A_394 : i32
        %lt3A_396 = arith.constant 0 : i32
        %lt3A_397 = arith.cmpi slt, %select_n3A_390, %lt3A_396 : i32
        %ne3A_398 = arith.xori %lt3A_395, %lt3A_397 : i1
        %and3A_399 = arith.andi %ne3A_398, %ne3A_393 : i1
        %add3A_400 = arith.addi %rem3A_391, %select_n3A_390 : i32
        %select_n3A_401 = arith.select %and3A_399, %add3A_400, %rem3A_391 : i32
        %eq3A_402 = arith.constant 0 : i32
        %eq3A_403 = arith.cmpi eq, %select_n3A_401, %eq3A_402 : i32
        %and3A_404 = arith.andi %gt3A_385, %eq3A_403 : i1
        %convert_element_type3A_405 = arith.extui %and3A_404 : i1 to i32
        %cond3A_406 = arith.constant 0 : i32
        %cond3A_407 = arith.cmpi ne, %convert_element_type3A_405, %cond3A_406 : i32
        %cond3A_408:2 = scf.if %cond3A_407 -> (i32, i32) {
          %add3A_531 = arith.constant 15 : i32
          %add3A_532 = arith.addi %while3A_384, %add3A_531 : i32
          %jit3A_533 = arith.constant 16 : i32
          %div3A_534 = arith.divsi %add3A_532, %jit3A_533 : i32
          %sign3A_535 = arith.constant 0 : i32
          %sign3A_536 = arith.cmpi sgt, %add3A_532, %sign3A_535 : i32
          %sign3A_537 = arith.extui %sign3A_536 : i1 to i32
          %sign3A_538 = arith.constant 0 : i32
          %sign3A_539 = arith.cmpi slt, %add3A_532, %sign3A_538 : i32
          %sign3A_540 = arith.extui %sign3A_539 : i1 to i32
          %sign3A_541 = arith.subi %sign3A_537, %sign3A_540 : i32
          %sign3A_542 = arith.constant 0 : i32
          %sign3A_543 = arith.cmpi sgt, %jit3A_533, %sign3A_542 : i32
          %sign3A_544 = arith.extui %sign3A_543 : i1 to i32
          %sign3A_545 = arith.constant 0 : i32
          %sign3A_546 = arith.cmpi slt, %jit3A_533, %sign3A_545 : i32
          %sign3A_547 = arith.extui %sign3A_546 : i1 to i32
          %sign3A_548 = arith.subi %sign3A_544, %sign3A_547 : i32
          %ne3A_549 = arith.cmpi ne, %sign3A_541, %sign3A_548 : i32
          %rem3A_550 = arith.remsi %add3A_532, %jit3A_533 : i32
          %ne3A_551 = arith.constant 0 : i32
          %ne3A_552 = arith.cmpi ne, %rem3A_550, %ne3A_551 : i32
          %and3A_553 = arith.andi %ne3A_549, %ne3A_552 : i1
          %sub3A_554 = arith.constant 1 : i32
          %sub3A_555 = arith.subi %div3A_534, %sub3A_554 : i32
          %select_n3A_556 = arith.select %and3A_553, %sub3A_555, %div3A_534 : i32
          %while3A_557 = arith.constant 0 : i32
          %while3A_558 = arith.constant 0 : i32
          %while3A_559 = arith.subi %select_n3A_556, %while3A_557 : i32
          %while3A_560 = arith.addi %while3A_557, %while3A_559 : i32
          %while3A_561 = arith.constant 1 : i32
          %while3A_562 = arith.divsi %while3A_559, %while3A_561 : i32
          %while3A_563 = arith.muli %while3A_562, %while3A_561 : i32
          %while3A_564 = arith.addi %while3A_557, %while3A_563 : i32
          %while3A_565 = arith.constant 1 : i32
          %while3A_566 = scf.for %while3A_623 = %while3A_557 to %while3A_564 step %while3A_565 iter_args(%while3A_624 = %while3A_558) -> (i32)  : i32 {
            %mul3A_625 = arith.constant 16 : i32
            %mul3A_626 = arith.muli %while3A_623, %mul3A_625 : i32
            %get3A = arith.index_cast %mul3A_626 : i32 to index
            %get3A_627 = tpu.vector_load %arg12[%get3A] {strides = array<i32>} : memref<1072xf32, #tpu.memory_space<vmem>>, vector<16xf32>,
            %mul3A_628 = arith.constant 16 : i32
            %mul3A_629 = arith.muli %while3A_623, %mul3A_628 : i32
            %get3A_630 = arith.index_cast %mul3A_629 : i32 to index
            %get3A_631 = tpu.vector_load %arg13[%get3A_630] {strides = array<i32>} : memref<1072xf32, #tpu.memory_space<vmem>>, vector<16xf32>,
            %mul3A_632 = arith.constant 16 : i32
            %mul3A_633 = arith.muli %while3A_623, %mul3A_632 : i32
            %get3A_634 = arith.index_cast %mul3A_633 : i32 to index
            %get3A_635 = tpu.vector_load %arg14[%get3A_634] {strides = array<i32>} : memref<1072xf32, #tpu.memory_space<vmem>>, vector<16xf32>,
            %mul3A_636 = arith.constant 16 : i32
            %mul3A_637 = arith.muli %while3A_623, %mul3A_636 : i32
            %get3A_638 = arith.index_cast %mul3A_637 : i32 to index
            %get3A_639 = tpu.vector_load %arg15[%get3A_638] {strides = array<i32>} : memref<1072xf32, #tpu.memory_space<vmem>>, vector<16xf32>,
            %mul3A_640 = arith.constant 16 : i32
            %mul3A_641 = arith.muli %while3A_623, %mul3A_640 : i32
            %get3A_642 = arith.index_cast %mul3A_641 : i32 to index
            %get3A_643 = tpu.vector_load %arg16[%get3A_642] {strides = array<i32>} : memref<1072xf32, #tpu.memory_space<vmem>>, vector<16xf32>,
            %mul3A_644 = arith.constant 16 : i32
            %mul3A_645 = arith.muli %while3A_623, %mul3A_644 : i32
            %get3A_646 = arith.index_cast %mul3A_645 : i32 to index
            %get3A_647 = tpu.vector_load %arg17[%get3A_646] {strides = array<i32>} : memref<1072xf32, #tpu.memory_space<vmem>>, vector<16xf32>,
            %gt3A_648 = arith.constant -5.000000e+08 : f32
            %gt3A_649 = vector.broadcast %gt3A_648 : f32 to vector<16xf32>
            %gt3A_650 = arith.cmpf ogt, %get3A_627, %gt3A_649 : vector<16xf32>
            %convert_element_type3A_651 = arith.extui %gt3A_650 : vector<16xi1> to vector<16xi32>
            %broadcast_in_dim3A_652 = arith.constant true
            %broadcast_in_dim3A_653 = vector.broadcast %broadcast_in_dim3A_652 : i1 to vector<16xi1>
            %masked_cumsum3A = tpu.scan <sum>, %convert_element_type3A_651 masked %broadcast_in_dim3A_653 : vector<16xi32>, vector<16xi1> -> vector<16xi32>
            %add3A_654 = vector.broadcast %while3A_624 : i32 to vector<16xi32>
            %add3A_655 = arith.addi %add3A_654, %masked_cumsum3A : vector<16xi32>
            %sub3A_656 = arith.constant 1 : i32
            %sub3A_657 = vector.broadcast %sub3A_656 : i32 to vector<16xi32>
            %sub3A_658 = arith.subi %add3A_655, %sub3A_657 : vector<16xi32>
            %jit3A_659 = arith.constant 1040 : i32
            %broadcast_in_dim3A_660 = vector.broadcast %jit3A_659 : i32 to vector<16xi32>
            %select_n3A_661 = arith.select %gt3A_650, %sub3A_658, %broadcast_in_dim3A_660 : vector<16xi1>, vector<16xi32>
            tpu.vector_store_idx %arg12[%select_n3A_661], %get3A_627 : memref<1072xf32, #tpu.memory_space<vmem>>[vector<16xi32>], vector<16xf32>,
            tpu.vector_store_idx %arg13[%select_n3A_661], %get3A_631 : memref<1072xf32, #tpu.memory_space<vmem>>[vector<16xi32>], vector<16xf32>,
            tpu.vector_store_idx %arg14[%select_n3A_661], %get3A_635 : memref<1072xf32, #tpu.memory_space<vmem>>[vector<16xi32>], vector<16xf32>,
            tpu.vector_store_idx %arg15[%select_n3A_661], %get3A_639 : memref<1072xf32, #tpu.memory_space<vmem>>[vector<16xi32>], vector<16xf32>,
            tpu.vector_store_idx %arg16[%select_n3A_661], %get3A_643 : memref<1072xf32, #tpu.memory_space<vmem>>[vector<16xi32>], vector<16xf32>,
            tpu.vector_store_idx %arg17[%select_n3A_661], %get3A_647 : memref<1072xf32, #tpu.memory_space<vmem>>[vector<16xi32>], vector<16xf32>,
            %reduce_max3A_662 = arith.constant true
            %reduce_max3A_663 = vector.broadcast %reduce_max3A_662 : i1 to vector<16xi1>
            %reduce_max3A_664 = arith.constant -2147483648 : i32
            %reduce_max3A_665 = vector.broadcast %reduce_max3A_664 : i32 to vector<16xi32>
            %reduce_max3A_666 = arith.xori %masked_cumsum3A, %reduce_max3A_665 : vector<16xi32>
            %reduce_max3A_667 = tpu.scan <max>, %reduce_max3A_666 masked %reduce_max3A_663 : vector<16xi32>, vector<16xi1> -> vector<16xi32>
            %reduce_max3A_668 = arith.xori %reduce_max3A_667, %reduce_max3A_665 : vector<16xi32>
            %reduce_max3A_669 = vector.extract %reduce_max3A_668[15] : i32 from vector<16xi32>
            %add3A_670 = arith.addi %while3A_624, %reduce_max3A_669 : i32
            scf.yield %add3A_670 : i32
          }
          %while3A_567 = arith.constant 1 : i32
          %while3A_568 = scf.for %while3A_623 = %while3A_564 to %while3A_560 step %while3A_567 iter_args(%while3A_624 = %while3A_566) -> (i32)  : i32 {
            %mul3A_625 = arith.constant 16 : i32
            %mul3A_626 = arith.muli %while3A_623, %mul3A_625 : i32
            %get3A = arith.index_cast %mul3A_626 : i32 to index
            %get3A_627 = tpu.vector_load %arg12[%get3A] {strides = array<i32>} : memref<1072xf32, #tpu.memory_space<vmem>>, vector<16xf32>,
            %mul3A_628 = arith.constant 16 : i32
            %mul3A_629 = arith.muli %while3A_623, %mul3A_628 : i32
            %get3A_630 = arith.index_cast %mul3A_629 : i32 to index
            %get3A_631 = tpu.vector_load %arg13[%get3A_630] {strides = array<i32>} : memref<1072xf32, #tpu.memory_space<vmem>>, vector<16xf32>,
            %mul3A_632 = arith.constant 16 : i32
            %mul3A_633 = arith.muli %while3A_623, %mul3A_632 : i32
            %get3A_634 = arith.index_cast %mul3A_633 : i32 to index
            %get3A_635 = tpu.vector_load %arg14[%get3A_634] {strides = array<i32>} : memref<1072xf32, #tpu.memory_space<vmem>>, vector<16xf32>,
            %mul3A_636 = arith.constant 16 : i32
            %mul3A_637 = arith.muli %while3A_623, %mul3A_636 : i32
            %get3A_638 = arith.index_cast %mul3A_637 : i32 to index
            %get3A_639 = tpu.vector_load %arg15[%get3A_638] {strides = array<i32>} : memref<1072xf32, #tpu.memory_space<vmem>>, vector<16xf32>,
            %mul3A_640 = arith.constant 16 : i32
            %mul3A_641 = arith.muli %while3A_623, %mul3A_640 : i32
            %get3A_642 = arith.index_cast %mul3A_641 : i32 to index
            %get3A_643 = tpu.vector_load %arg16[%get3A_642] {strides = array<i32>} : memref<1072xf32, #tpu.memory_space<vmem>>, vector<16xf32>,
            %mul3A_644 = arith.constant 16 : i32
            %mul3A_645 = arith.muli %while3A_623, %mul3A_644 : i32
            %get3A_646 = arith.index_cast %mul3A_645 : i32 to index
            %get3A_647 = tpu.vector_load %arg17[%get3A_646] {strides = array<i32>} : memref<1072xf32, #tpu.memory_space<vmem>>, vector<16xf32>,
            %gt3A_648 = arith.constant -5.000000e+08 : f32
            %gt3A_649 = vector.broadcast %gt3A_648 : f32 to vector<16xf32>
            %gt3A_650 = arith.cmpf ogt, %get3A_627, %gt3A_649 : vector<16xf32>
            %convert_element_type3A_651 = arith.extui %gt3A_650 : vector<16xi1> to vector<16xi32>
            %broadcast_in_dim3A_652 = arith.constant true
            %broadcast_in_dim3A_653 = vector.broadcast %broadcast_in_dim3A_652 : i1 to vector<16xi1>
            %masked_cumsum3A = tpu.scan <sum>, %convert_element_type3A_651 masked %broadcast_in_dim3A_653 : vector<16xi32>, vector<16xi1> -> vector<16xi32>
            %add3A_654 = vector.broadcast %while3A_624 : i32 to vector<16xi32>
            %add3A_655 = arith.addi %add3A_654, %masked_cumsum3A : vector<16xi32>
            %sub3A_656 = arith.constant 1 : i32
            %sub3A_657 = vector.broadcast %sub3A_656 : i32 to vector<16xi32>
            %sub3A_658 = arith.subi %add3A_655, %sub3A_657 : vector<16xi32>
            %jit3A_659 = arith.constant 1040 : i32
            %broadcast_in_dim3A_660 = vector.broadcast %jit3A_659 : i32 to vector<16xi32>
            %select_n3A_661 = arith.select %gt3A_650, %sub3A_658, %broadcast_in_dim3A_660 : vector<16xi1>, vector<16xi32>
            tpu.vector_store_idx %arg12[%select_n3A_661], %get3A_627 : memref<1072xf32, #tpu.memory_space<vmem>>[vector<16xi32>], vector<16xf32>,
            tpu.vector_store_idx %arg13[%select_n3A_661], %get3A_631 : memref<1072xf32, #tpu.memory_space<vmem>>[vector<16xi32>], vector<16xf32>,
            tpu.vector_store_idx %arg14[%select_n3A_661], %get3A_635 : memref<1072xf32, #tpu.memory_space<vmem>>[vector<16xi32>], vector<16xf32>,
            tpu.vector_store_idx %arg15[%select_n3A_661], %get3A_639 : memref<1072xf32, #tpu.memory_space<vmem>>[vector<16xi32>], vector<16xf32>,
            tpu.vector_store_idx %arg16[%select_n3A_661], %get3A_643 : memref<1072xf32, #tpu.memory_space<vmem>>[vector<16xi32>], vector<16xf32>,
            tpu.vector_store_idx %arg17[%select_n3A_661], %get3A_647 : memref<1072xf32, #tpu.memory_space<vmem>>[vector<16xi32>], vector<16xf32>,
            %reduce_max3A_662 = arith.constant true
            %reduce_max3A_663 = vector.broadcast %reduce_max3A_662 : i1 to vector<16xi1>
            %reduce_max3A_664 = arith.constant -2147483648 : i32
            %reduce_max3A_665 = vector.broadcast %reduce_max3A_664 : i32 to vector<16xi32>
            %reduce_max3A_666 = arith.xori %masked_cumsum3A, %reduce_max3A_665 : vector<16xi32>
            %reduce_max3A_667 = tpu.scan <max>, %reduce_max3A_666 masked %reduce_max3A_663 : vector<16xi32>, vector<16xi1> -> vector<16xi32>
            %reduce_max3A_668 = arith.xori %reduce_max3A_667, %reduce_max3A_665 : vector<16xi32>
            %reduce_max3A_669 = vector.extract %reduce_max3A_668[15] : i32 from vector<16xi32>
            %add3A_670 = arith.addi %while3A_624, %reduce_max3A_669 : i32
            scf.yield %add3A_670 : i32
          }
          %swap3A_569 = arith.index_cast %while3A_568 : i32 to index
          %swap3A_570 = tpu.vector_load %arg12[%swap3A_569] {strides = array<i32>} : memref<1072xf32, #tpu.memory_space<vmem>>, vector<16xf32>,
          tpu.vector_store %arg12[%swap3A_569], %broadcast_in_dim3A_2 {strides = array<i32>} : memref<1072xf32, #tpu.memory_space<vmem>>, vector<16xf32>,
          %add3A_571 = arith.constant 16 : i32
          %add3A_572 = arith.addi %while3A_568, %add3A_571 : i32
          %swap3A_573 = arith.index_cast %add3A_572 : i32 to index
          %swap3A_574 = tpu.vector_load %arg12[%swap3A_573] {strides = array<i32>} : memref<1072xf32, #tpu.memory_space<vmem>>, vector<16xf32>,
          tpu.vector_store %arg12[%swap3A_573], %broadcast_in_dim3A_2 {strides = array<i32>} : memref<1072xf32, #tpu.memory_space<vmem>>, vector<16xf32>,
          %add3A_575 = arith.constant 15 : i32
          %add3A_576 = arith.addi %while3A_568, %add3A_575 : i32
          %jit3A_577 = arith.constant 16 : i32
          %div3A_578 = arith.divsi %add3A_576, %jit3A_577 : i32
          %sign3A_579 = arith.constant 0 : i32
          %sign3A_580 = arith.cmpi sgt, %add3A_576, %sign3A_579 : i32
          %sign3A_581 = arith.extui %sign3A_580 : i1 to i32
          %sign3A_582 = arith.constant 0 : i32
          %sign3A_583 = arith.cmpi slt, %add3A_576, %sign3A_582 : i32
          %sign3A_584 = arith.extui %sign3A_583 : i1 to i32
          %sign3A_585 = arith.subi %sign3A_581, %sign3A_584 : i32
          %sign3A_586 = arith.constant 0 : i32
          %sign3A_587 = arith.cmpi sgt, %jit3A_577, %sign3A_586 : i32
          %sign3A_588 = arith.extui %sign3A_587 : i1 to i32
          %sign3A_589 = arith.constant 0 : i32
          %sign3A_590 = arith.cmpi slt, %jit3A_577, %sign3A_589 : i32
          %sign3A_591 = arith.extui %sign3A_590 : i1 to i32
          %sign3A_592 = arith.subi %sign3A_588, %sign3A_591 : i32
          %ne3A_593 = arith.cmpi ne, %sign3A_585, %sign3A_592 : i32
          %rem3A_594 = arith.remsi %add3A_576, %jit3A_577 : i32
          %ne3A_595 = arith.constant 0 : i32
          %ne3A_596 = arith.cmpi ne, %rem3A_594, %ne3A_595 : i32
          %and3A_597 = arith.andi %ne3A_593, %ne3A_596 : i1
          %sub3A_598 = arith.constant 1 : i32
          %sub3A_599 = arith.subi %div3A_578, %sub3A_598 : i32
          %select_n3A_600 = arith.select %and3A_597, %sub3A_599, %div3A_578 : i32
          %mul3A_601 = arith.constant 16 : i32
          %mul3A_602 = arith.muli %select_n3A_600, %mul3A_601 : i32
          %parallel_loop3A_603 = arith.constant 0 : i32
          %parallel_loop3A_604 = arith.constant 16 : i32
          %parallel_loop3A_605:2 = scf.for %parallel_loop3A_623 = %parallel_loop3A_603 to %mul3A_602 step %parallel_loop3A_604 iter_args(%parallel_loop3A_624 = %mul3A_296, %parallel_loop3A_625 = %add3A_301) -> (vector<16xf32>, vector<16xi32>)  : i32 {
            %parallel_loop3A_626 = arith.index_cast %parallel_loop3A_623 : i32 to index
            %parallel_loop3A_627 = tpu.vector_load %arg12[%parallel_loop3A_626] {strides = array<i32>} : memref<1072xf32, #tpu.memory_space<vmem>>, vector<16xf32>,
            %parallel_loop3A_628 = arith.constant 0 : i32
            %parallel_loop3A_629 = vector.broadcast %parallel_loop3A_628 : i32 to vector<16xi32>
            %parallel_loop3A_630 = vector.broadcast %parallel_loop3A_623 : i32 to vector<16xi32>
            %parallel_loop3A_631 = arith.addi %parallel_loop3A_629, %parallel_loop3A_630 : vector<16xi32>
            %parallel_loop3A_632 = arith.addi %parallel_loop3A_631, %iota3A : vector<16xi32>
            %parallel_loop3A_633 = arith.cmpf ogt, %parallel_loop3A_627, %parallel_loop3A_624 : vector<16xf32>
            %parallel_loop3A_634 = arith.select %parallel_loop3A_633, %parallel_loop3A_627, %parallel_loop3A_624 : vector<16xi1>, vector<16xf32>
            %parallel_loop3A_635 = arith.select %parallel_loop3A_633, %parallel_loop3A_632, %parallel_loop3A_625 : vector<16xi1>, vector<16xi32>
            scf.yield %parallel_loop3A_634, %parallel_loop3A_635 : vector<16xf32>, vector<16xi32>
          } {sc.loop_unroll_factor = 2 : i64, sc.parallel_access}
          %reduce_max3A_606 = arith.constant true
          %reduce_max3A_607 = vector.broadcast %reduce_max3A_606 : i1 to vector<16xi1>
          %reduce_max3A_608 = tpu.scan <max>, %parallel_loop3A_605#0 masked %reduce_max3A_607 : vector<16xf32>, vector<16xi1> -> vector<16xf32>
          %reduce_max3A_609 = vector.extract %reduce_max3A_608[15] : f32 from vector<16xf32>
          %eq3A_610 = vector.broadcast %reduce_max3A_609 : f32 to vector<16xf32>
          %eq3A_611 = arith.cmpf oeq, %parallel_loop3A_605#0, %eq3A_610 : vector<16xf32>
          %jit3A_612 = arith.constant 1073741824 : i32
          %broadcast_in_dim3A_613 = vector.broadcast %jit3A_612 : i32 to vector<16xi32>
          %select_n3A_614 = arith.select %eq3A_611, %parallel_loop3A_605#1, %broadcast_in_dim3A_613 : vector<16xi1>, vector<16xi32>
          %reduce_min3A_615 = arith.constant true
          %reduce_min3A_616 = vector.broadcast %reduce_min3A_615 : i1 to vector<16xi1>
          %reduce_min3A_617 = arith.constant -2147483648 : i32
          %reduce_min3A_618 = vector.broadcast %reduce_min3A_617 : i32 to vector<16xi32>
          %reduce_min3A_619 = arith.xori %select_n3A_614, %reduce_min3A_618 : vector<16xi32>
          %reduce_min3A_620 = tpu.scan <min>, %reduce_min3A_619 masked %reduce_min3A_616 : vector<16xi32>, vector<16xi1> -> vector<16xi32>
          %reduce_min3A_621 = arith.xori %reduce_min3A_620, %reduce_min3A_618 : vector<16xi32>
          %reduce_min3A_622 = vector.extract %reduce_min3A_621[15] : i32 from vector<16xi32>
          scf.yield %reduce_min3A_622, %while3A_568 : i32, i32
        } else {
          scf.yield %while3A_383, %while3A_384 : i32, i32
        }
        %broadcast_in_dim3A_409 = arith.constant 0 : i32
        %broadcast_in_dim3A_410 = vector.broadcast %broadcast_in_dim3A_409 : i32 to vector<16xi32>
        %add3A_411 = vector.broadcast %cond3A_408#0 : i32 to vector<16xi32>
        %add3A_412 = arith.addi %broadcast_in_dim3A_410, %add3A_411 : vector<16xi32>
        %gather3A = tpu.vector_load_idx %arg13[%add3A_412] : memref<1072xf32, #tpu.memory_space<vmem>>[vector<16xi32>], vector<16xf32>,
        %gather3A_413 = tpu.vector_load_idx %arg14[%add3A_412] : memref<1072xf32, #tpu.memory_space<vmem>>[vector<16xi32>], vector<16xf32>,
        %gather3A_414 = tpu.vector_load_idx %arg15[%add3A_412] : memref<1072xf32, #tpu.memory_space<vmem>>[vector<16xi32>], vector<16xf32>,
        %gather3A_415 = tpu.vector_load_idx %arg16[%add3A_412] : memref<1072xf32, #tpu.memory_space<vmem>>[vector<16xi32>], vector<16xf32>,
        %broadcast_in_dim3A_416 = arith.constant 0.000000e+00 : f32
        %broadcast_in_dim3A_417 = vector.broadcast %broadcast_in_dim3A_416 : f32 to vector<16xf32>
        %add3A_418 = vector.broadcast %while3A_382 : f32 to vector<16xf32>
        %add3A_419 = arith.addf %broadcast_in_dim3A_417, %add3A_418 : vector<16xf32>
        %broadcast_in_dim3A_420 = arith.constant 0 : i32
        %broadcast_in_dim3A_421 = vector.broadcast %broadcast_in_dim3A_420 : i32 to vector<16xi32>
        %add3A_422 = vector.broadcast %while3A_381 : i32 to vector<16xi32>
        %add3A_423 = arith.addi %broadcast_in_dim3A_421, %add3A_422 : vector<16xi32>
        %broadcast_in_dim3A_424 = arith.constant 0 : i32
        %broadcast_in_dim3A_425 = vector.broadcast %broadcast_in_dim3A_424 : i32 to vector<16xi32>
        %add3A_426 = arith.constant 208 : i32
        %add3A_427 = vector.broadcast %add3A_426 : i32 to vector<16xi32>
        %add3A_428 = arith.addi %broadcast_in_dim3A_425, %add3A_427 : vector<16xi32>
        %select_n3A_429 = arith.select %eq3A_1, %add3A_423, %add3A_428 : vector<16xi1>, vector<16xi32>
        tpu.vector_store_idx %arg18[%select_n3A_429], %add3A_419 : memref<224xf32, #tpu.memory_space<vmem>>[vector<16xi32>], vector<16xf32>,
        %broadcast_in_dim3A_430 = arith.constant 0 : i32
        %broadcast_in_dim3A_431 = vector.broadcast %broadcast_in_dim3A_430 : i32 to vector<16xi32>
        %add3A_432 = vector.broadcast %while3A_381 : i32 to vector<16xi32>
        %add3A_433 = arith.addi %broadcast_in_dim3A_431, %add3A_432 : vector<16xi32>
        %broadcast_in_dim3A_434 = arith.constant 0 : i32
        %broadcast_in_dim3A_435 = vector.broadcast %broadcast_in_dim3A_434 : i32 to vector<16xi32>
        %add3A_436 = arith.constant 208 : i32
        %add3A_437 = vector.broadcast %add3A_436 : i32 to vector<16xi32>
        %add3A_438 = arith.addi %broadcast_in_dim3A_435, %add3A_437 : vector<16xi32>
        %select_n3A_439 = arith.select %eq3A_1, %add3A_433, %add3A_438 : vector<16xi1>, vector<16xi32>
        tpu.vector_store_idx %arg19[%select_n3A_439], %gather3A : memref<224xf32, #tpu.memory_space<vmem>>[vector<16xi32>], vector<16xf32>,
        %broadcast_in_dim3A_440 = arith.constant 0 : i32
        %broadcast_in_dim3A_441 = vector.broadcast %broadcast_in_dim3A_440 : i32 to vector<16xi32>
        %add3A_442 = vector.broadcast %while3A_381 : i32 to vector<16xi32>
        %add3A_443 = arith.addi %broadcast_in_dim3A_441, %add3A_442 : vector<16xi32>
        %broadcast_in_dim3A_444 = arith.constant 0 : i32
        %broadcast_in_dim3A_445 = vector.broadcast %broadcast_in_dim3A_444 : i32 to vector<16xi32>
        %add3A_446 = arith.constant 208 : i32
        %add3A_447 = vector.broadcast %add3A_446 : i32 to vector<16xi32>
        %add3A_448 = arith.addi %broadcast_in_dim3A_445, %add3A_447 : vector<16xi32>
        %select_n3A_449 = arith.select %eq3A_1, %add3A_443, %add3A_448 : vector<16xi1>, vector<16xi32>
        tpu.vector_store_idx %arg20[%select_n3A_449], %gather3A_413 : memref<224xf32, #tpu.memory_space<vmem>>[vector<16xi32>], vector<16xf32>,
        %broadcast_in_dim3A_450 = arith.constant 0 : i32
        %broadcast_in_dim3A_451 = vector.broadcast %broadcast_in_dim3A_450 : i32 to vector<16xi32>
        %add3A_452 = vector.broadcast %while3A_381 : i32 to vector<16xi32>
        %add3A_453 = arith.addi %broadcast_in_dim3A_451, %add3A_452 : vector<16xi32>
        %broadcast_in_dim3A_454 = arith.constant 0 : i32
        %broadcast_in_dim3A_455 = vector.broadcast %broadcast_in_dim3A_454 : i32 to vector<16xi32>
        %add3A_456 = arith.constant 208 : i32
        %add3A_457 = vector.broadcast %add3A_456 : i32 to vector<16xi32>
        %add3A_458 = arith.addi %broadcast_in_dim3A_455, %add3A_457 : vector<16xi32>
        %select_n3A_459 = arith.select %eq3A_1, %add3A_453, %add3A_458 : vector<16xi1>, vector<16xi32>
        tpu.vector_store_idx %arg21[%select_n3A_459], %gather3A_414 : memref<224xf32, #tpu.memory_space<vmem>>[vector<16xi32>], vector<16xf32>,
        %broadcast_in_dim3A_460 = arith.constant 0 : i32
        %broadcast_in_dim3A_461 = vector.broadcast %broadcast_in_dim3A_460 : i32 to vector<16xi32>
        %add3A_462 = vector.broadcast %while3A_381 : i32 to vector<16xi32>
        %add3A_463 = arith.addi %broadcast_in_dim3A_461, %add3A_462 : vector<16xi32>
        %broadcast_in_dim3A_464 = arith.constant 0 : i32
        %broadcast_in_dim3A_465 = vector.broadcast %broadcast_in_dim3A_464 : i32 to vector<16xi32>
        %add3A_466 = arith.constant 208 : i32
        %add3A_467 = vector.broadcast %add3A_466 : i32 to vector<16xi32>
        %add3A_468 = arith.addi %broadcast_in_dim3A_465, %add3A_467 : vector<16xi32>
        %select_n3A_469 = arith.select %eq3A_1, %add3A_463, %add3A_468 : vector<16xi1>, vector<16xi32>
        tpu.vector_store_idx %arg22[%select_n3A_469], %gather3A_415 : memref<224xf32, #tpu.memory_space<vmem>>[vector<16xi32>], vector<16xf32>,
        %broadcast_in_dim3A_470 = arith.constant 0 : i32
        %broadcast_in_dim3A_471 = vector.broadcast %broadcast_in_dim3A_470 : i32 to vector<16xi32>
        %add3A_472 = vector.broadcast %cond3A_408#0 : i32 to vector<16xi32>
        %add3A_473 = arith.addi %broadcast_in_dim3A_471, %add3A_472 : vector<16xi32>
        %broadcast_in_dim3A_474 = arith.constant 0 : i32
        %broadcast_in_dim3A_475 = vector.broadcast %broadcast_in_dim3A_474 : i32 to vector<16xi32>
        %add3A_476 = arith.constant 1040 : i32
        %add3A_477 = vector.broadcast %add3A_476 : i32 to vector<16xi32>
        %add3A_478 = arith.addi %broadcast_in_dim3A_475, %add3A_477 : vector<16xi32>
        %select_n3A_479 = arith.select %eq3A_1, %add3A_473, %add3A_478 : vector<16xi1>, vector<16xi32>
        tpu.vector_store_idx %arg12[%select_n3A_479], %broadcast_in_dim3A_2 : memref<1072xf32, #tpu.memory_space<vmem>>[vector<16xi32>], vector<16xf32>,
        %gather3A_480 = tpu.vector_load_idx %arg17[%add3A_412] : memref<1072xf32, #tpu.memory_space<vmem>>[vector<16xi32>], vector<16xf32>,
        %add3A_481 = arith.constant 15 : i32
        %add3A_482 = arith.addi %cond3A_408#1, %add3A_481 : i32
        %jit3A_483 = arith.constant 16 : i32
        %div3A_484 = arith.divsi %add3A_482, %jit3A_483 : i32
        %sign3A_485 = arith.constant 0 : i32
        %sign3A_486 = arith.cmpi sgt, %add3A_482, %sign3A_485 : i32
        %sign3A_487 = arith.extui %sign3A_486 : i1 to i32
        %sign3A_488 = arith.constant 0 : i32
        %sign3A_489 = arith.cmpi slt, %add3A_482, %sign3A_488 : i32
        %sign3A_490 = arith.extui %sign3A_489 : i1 to i32
        %sign3A_491 = arith.subi %sign3A_487, %sign3A_490 : i32
        %sign3A_492 = arith.constant 0 : i32
        %sign3A_493 = arith.cmpi sgt, %jit3A_483, %sign3A_492 : i32
        %sign3A_494 = arith.extui %sign3A_493 : i1 to i32
        %sign3A_495 = arith.constant 0 : i32
        %sign3A_496 = arith.cmpi slt, %jit3A_483, %sign3A_495 : i32
        %sign3A_497 = arith.extui %sign3A_496 : i1 to i32
        %sign3A_498 = arith.subi %sign3A_494, %sign3A_497 : i32
        %ne3A_499 = arith.cmpi ne, %sign3A_491, %sign3A_498 : i32
        %rem3A_500 = arith.remsi %add3A_482, %jit3A_483 : i32
        %ne3A_501 = arith.constant 0 : i32
        %ne3A_502 = arith.cmpi ne, %rem3A_500, %ne3A_501 : i32
        %and3A_503 = arith.andi %ne3A_499, %ne3A_502 : i1
        %sub3A_504 = arith.constant 1 : i32
        %sub3A_505 = arith.subi %div3A_484, %sub3A_504 : i32
        %select_n3A_506 = arith.select %and3A_503, %sub3A_505, %div3A_484 : i32
        %mul3A_507 = arith.constant 16 : i32
        %mul3A_508 = arith.muli %select_n3A_506, %mul3A_507 : i32
        %parallel_loop3A_509 = arith.constant 0 : i32
        %parallel_loop3A_510 = arith.constant 16 : i32
        %parallel_loop3A_511:2 = scf.for %parallel_loop3A_531 = %parallel_loop3A_509 to %mul3A_508 step %parallel_loop3A_510 iter_args(%parallel_loop3A_532 = %mul3A_296, %parallel_loop3A_533 = %add3A_301) -> (vector<16xf32>, vector<16xi32>)  : i32 {
          %parallel_loop3A_534 = arith.index_cast %parallel_loop3A_531 : i32 to index
          %parallel_loop3A_535 = tpu.vector_load %arg12[%parallel_loop3A_534] {strides = array<i32>} : memref<1072xf32, #tpu.memory_space<vmem>>, vector<16xf32>,
          %parallel_loop3A_536 = arith.index_cast %parallel_loop3A_531 : i32 to index
          %parallel_loop3A_537 = tpu.vector_load %arg13[%parallel_loop3A_536] {strides = array<i32>} : memref<1072xf32, #tpu.memory_space<vmem>>, vector<16xf32>,
          %parallel_loop3A_538 = arith.index_cast %parallel_loop3A_531 : i32 to index
          %parallel_loop3A_539 = tpu.vector_load %arg14[%parallel_loop3A_538] {strides = array<i32>} : memref<1072xf32, #tpu.memory_space<vmem>>, vector<16xf32>,
          %parallel_loop3A_540 = arith.index_cast %parallel_loop3A_531 : i32 to index
          %parallel_loop3A_541 = tpu.vector_load %arg15[%parallel_loop3A_540] {strides = array<i32>} : memref<1072xf32, #tpu.memory_space<vmem>>, vector<16xf32>,
          %parallel_loop3A_542 = arith.index_cast %parallel_loop3A_531 : i32 to index
          %parallel_loop3A_543 = tpu.vector_load %arg16[%parallel_loop3A_542] {strides = array<i32>} : memref<1072xf32, #tpu.memory_space<vmem>>, vector<16xf32>,
          %parallel_loop3A_544 = arith.maximumf %gather3A, %parallel_loop3A_537 : vector<16xf32>
          %parallel_loop3A_545 = arith.maximumf %gather3A_413, %parallel_loop3A_539 : vector<16xf32>
          %parallel_loop3A_546 = arith.minimumf %gather3A_414, %parallel_loop3A_541 : vector<16xf32>
          %parallel_loop3A_547 = arith.minimumf %gather3A_415, %parallel_loop3A_543 : vector<16xf32>
          %parallel_loop3A_548 = arith.subf %parallel_loop3A_546, %parallel_loop3A_544 : vector<16xf32>
          %parallel_loop3A_549 = arith.constant 0.000000e+00 : f32
          %parallel_loop3A_550 = vector.broadcast %parallel_loop3A_549 : f32 to vector<16xf32>
          %parallel_loop3A_551 = arith.maximumf %parallel_loop3A_548, %parallel_loop3A_550 : vector<16xf32>
          %parallel_loop3A_552 = arith.subf %parallel_loop3A_547, %parallel_loop3A_545 : vector<16xf32>
          %parallel_loop3A_553 = arith.constant 0.000000e+00 : f32
          %parallel_loop3A_554 = vector.broadcast %parallel_loop3A_553 : f32 to vector<16xf32>
          %parallel_loop3A_555 = arith.maximumf %parallel_loop3A_552, %parallel_loop3A_554 : vector<16xf32>
          %parallel_loop3A_556 = arith.mulf %parallel_loop3A_551, %parallel_loop3A_555 : vector<16xf32>
          %parallel_loop3A_557 = arith.index_cast %parallel_loop3A_531 : i32 to index
          %parallel_loop3A_558 = tpu.vector_load %arg17[%parallel_loop3A_557] {strides = array<i32>} : memref<1072xf32, #tpu.memory_space<vmem>>, vector<16xf32>,
          %parallel_loop3A_559 = arith.addf %gather3A_480, %parallel_loop3A_558 : vector<16xf32>
          %parallel_loop3A_560 = arith.subf %parallel_loop3A_559, %parallel_loop3A_556 : vector<16xf32>
          %parallel_loop3A_561 = arith.constant 0.000000e+00 : f32
          %parallel_loop3A_562 = vector.broadcast %parallel_loop3A_561 : f32 to vector<16xf32>
          %parallel_loop3A_563 = arith.cmpf ogt, %parallel_loop3A_560, %parallel_loop3A_562 : vector<16xf32>
          %parallel_loop3A_564 = arith.constant 1.000000e+00 : f32
          %parallel_loop3A_565 = vector.broadcast %parallel_loop3A_564 : f32 to vector<16xf32>
          %parallel_loop3A_566 = arith.select %parallel_loop3A_563, %parallel_loop3A_560, %parallel_loop3A_565 : vector<16xi1>, vector<16xf32>
          %parallel_loop3A_567 = arith.divf %parallel_loop3A_556, %parallel_loop3A_566 : vector<16xf32>
          %parallel_loop3A_568 = arith.constant 0.000000e+00 : f32
          %parallel_loop3A_569 = vector.broadcast %parallel_loop3A_568 : f32 to vector<16xf32>
          %parallel_loop3A_570 = arith.select %parallel_loop3A_563, %parallel_loop3A_567, %parallel_loop3A_569 : vector<16xi1>, vector<16xf32>
          %parallel_loop3A_571 = arith.constant 5.000000e-01 : f32
          %parallel_loop3A_572 = vector.broadcast %parallel_loop3A_571 : f32 to vector<16xf32>
          %parallel_loop3A_573 = arith.cmpf ogt, %parallel_loop3A_570, %parallel_loop3A_572 : vector<16xf32>
          %parallel_loop3A_574 = arith.select %parallel_loop3A_573, %broadcast_in_dim3A_2, %parallel_loop3A_535 : vector<16xi1>, vector<16xf32>
          %parallel_loop3A_575 = arith.index_cast %parallel_loop3A_531 : i32 to index
          %parallel_loop3A_576 = tpu.vector_load %arg12[%parallel_loop3A_575] {strides = array<i32>} : memref<1072xf32, #tpu.memory_space<vmem>>, vector<16xf32>,
          tpu.vector_store %arg12[%parallel_loop3A_575], %parallel_loop3A_574 {strides = array<i32>} : memref<1072xf32, #tpu.memory_space<vmem>>, vector<16xf32>,
          %parallel_loop3A_577 = arith.cmpf ogt, %parallel_loop3A_574, %parallel_loop3A_532 : vector<16xf32>
          %parallel_loop3A_578 = arith.constant 0 : i32
          %parallel_loop3A_579 = vector.broadcast %parallel_loop3A_578 : i32 to vector<16xi32>
          %parallel_loop3A_580 = vector.broadcast %parallel_loop3A_531 : i32 to vector<16xi32>
          %parallel_loop3A_581 = arith.addi %parallel_loop3A_579, %parallel_loop3A_580 : vector<16xi32>
          %parallel_loop3A_582 = arith.addi %parallel_loop3A_581, %iota3A : vector<16xi32>
          %parallel_loop3A_583 = arith.select %parallel_loop3A_577, %parallel_loop3A_574, %parallel_loop3A_532 : vector<16xi1>, vector<16xf32>
          %parallel_loop3A_584 = arith.select %parallel_loop3A_577, %parallel_loop3A_582, %parallel_loop3A_533 : vector<16xi1>, vector<16xi32>
          scf.yield %parallel_loop3A_583, %parallel_loop3A_584 : vector<16xf32>, vector<16xi32>
        } {sc.loop_unroll_factor = 2 : i64, sc.parallel_access}
        %reduce_max3A_512 = arith.constant true
        %reduce_max3A_513 = vector.broadcast %reduce_max3A_512 : i1 to vector<16xi1>
        %reduce_max3A_514 = tpu.scan <max>, %parallel_loop3A_511#0 masked %reduce_max3A_513 : vector<16xf32>, vector<16xi1> -> vector<16xf32>
        %reduce_max3A_515 = vector.extract %reduce_max3A_514[15] : f32 from vector<16xf32>
        %eq3A_516 = vector.broadcast %reduce_max3A_515 : f32 to vector<16xf32>
        %eq3A_517 = arith.cmpf oeq, %parallel_loop3A_511#0, %eq3A_516 : vector<16xf32>
        %jit3A_518 = arith.constant 1073741824 : i32
        %broadcast_in_dim3A_519 = vector.broadcast %jit3A_518 : i32 to vector<16xi32>
        %select_n3A_520 = arith.select %eq3A_517, %parallel_loop3A_511#1, %broadcast_in_dim3A_519 : vector<16xi1>, vector<16xi32>
        %reduce_min3A_521 = arith.constant true
        %reduce_min3A_522 = vector.broadcast %reduce_min3A_521 : i1 to vector<16xi1>
        %reduce_min3A_523 = arith.constant -2147483648 : i32
        %reduce_min3A_524 = vector.broadcast %reduce_min3A_523 : i32 to vector<16xi32>
        %reduce_min3A_525 = arith.xori %select_n3A_520, %reduce_min3A_524 : vector<16xi32>
        %reduce_min3A_526 = tpu.scan <min>, %reduce_min3A_525 masked %reduce_min3A_522 : vector<16xi32>, vector<16xi1> -> vector<16xi32>
        %reduce_min3A_527 = arith.xori %reduce_min3A_526, %reduce_min3A_524 : vector<16xi32>
        %reduce_min3A_528 = vector.extract %reduce_min3A_527[15] : i32 from vector<16xi32>
        %add3A_529 = arith.constant 1 : i32
        %add3A_530 = arith.addi %while3A_381, %add3A_529 : i32
        scf.yield %add3A_530, %reduce_max3A_515, %reduce_min3A_528, %cond3A_408#1 : i32, f32, i32, i32
      }
      %mul3A_341 = arith.constant 5 : i32
      %mul3A_342 = arith.muli %while3A_16, %mul3A_341 : i32
      %mul3A_343 = arith.constant 208 : i32
      %mul3A_344 = arith.muli %mul3A_342, %mul3A_343 : i32
      "tpu.region"() ({
        %run_scoped3A = tpu.sem_alloc : memref<!tpu.dma_semaphore, #tpu.memory_space<semaphore_mem>>
        %dma_start3A = arith.constant 0 : i32
        %dma_start3A_381 = tpu.memref_slice %arg18[%dma_start3A] : memref<224xf32, #tpu.memory_space<vmem>> -> memref<208xf32, #tpu.memory_space<vmem>>
        %dma_start3A_382 = tpu.memref_slice %arg32[%mul3A_344] : memref<43680xf32, #tpu.memory_space<vmem_shared>> -> memref<208xf32, #tpu.memory_space<vmem_shared>>
        %dma_start3A_383 = tpu.memref_slice %arg32[%mul3A_344] : memref<43680xf32, #tpu.memory_space<vmem_shared>> -> memref<208xf32, #tpu.memory_space<vmem_shared>>
        %dma_start3A_384 = arith.constant 0 : i32
        %dma_start3A_385 = tpu.memref_slice %arg18[%dma_start3A_384] : memref<224xf32, #tpu.memory_space<vmem>> -> memref<208xf32, #tpu.memory_space<vmem>>
        tpu.enqueue_dma source(%dma_start3A_385 : memref<208xf32, #tpu.memory_space<vmem>>) target(%dma_start3A_383 : memref<208xf32, #tpu.memory_space<vmem_shared>>) target_semaphore(%run_scoped3A : memref<!tpu.dma_semaphore, #tpu.memory_space<semaphore_mem>>)
        %dma_wait3A = arith.constant 0 : i32
        %dma_wait3A_386 = tpu.memref_slice %arg18[%dma_wait3A] : memref<224xf32, #tpu.memory_space<vmem>> -> memref<208xf32, #tpu.memory_space<vmem>>
        %dma_wait3A_387 = tpu.memref_slice %arg32[%mul3A_344] : memref<43680xf32, #tpu.memory_space<vmem_shared>> -> memref<208xf32, #tpu.memory_space<vmem_shared>>
        %dma_wait3A_388 = tpu.memref_slice %arg32[%mul3A_344] : memref<43680xf32, #tpu.memory_space<vmem_shared>> -> memref<208xf32, #tpu.memory_space<vmem_shared>>
        %dma_wait3A_389 = arith.constant 0 : i32
        %dma_wait3A_390 = tpu.memref_slice %arg18[%dma_wait3A_389] : memref<224xf32, #tpu.memory_space<vmem>> -> memref<208xf32, #tpu.memory_space<vmem>>
        tpu.wait_dma2 semaphore(%run_scoped3A : memref<!tpu.dma_semaphore, #tpu.memory_space<semaphore_mem>>) src(%dma_wait3A_390 : memref<208xf32, #tpu.memory_space<vmem>>) dst(%dma_wait3A_388 : memref<208xf32, #tpu.memory_space<vmem_shared>>)
        tpu.yield
      }) : () -> ()
      %mul3A_345 = arith.constant 5 : i32
      %mul3A_346 = arith.muli %while3A_16, %mul3A_345 : i32
      %add3A_347 = arith.constant 1 : i32
      %add3A_348 = arith.addi %mul3A_346, %add3A_347 : i32
      %add3A_349 = arith.constant 0 : i32
      %add3A_350 = arith.addi %add3A_348, %add3A_349 : i32
      %mul3A_351 = arith.constant 208 : i32
      %mul3A_352 = arith.muli %add3A_350, %mul3A_351 : i32
      "tpu.region"() ({
        %run_scoped3A = tpu.sem_alloc : memref<!tpu.dma_semaphore, #tpu.memory_space<semaphore_mem>>
        %dma_start3A = arith.constant 0 : i32
        %dma_start3A_381 = tpu.memref_slice %arg19[%dma_start3A] : memref<224xf32, #tpu.memory_space<vmem>> -> memref<208xf32, #tpu.memory_space<vmem>>
        %dma_start3A_382 = tpu.memref_slice %arg32[%mul3A_352] : memref<43680xf32, #tpu.memory_space<vmem_shared>> -> memref<208xf32, #tpu.memory_space<vmem_shared>>
        %dma_start3A_383 = tpu.memref_slice %arg32[%mul3A_352] : memref<43680xf32, #tpu.memory_space<vmem_shared>> -> memref<208xf32, #tpu.memory_space<vmem_shared>>
        %dma_start3A_384 = arith.constant 0 : i32
        %dma_start3A_385 = tpu.memref_slice %arg19[%dma_start3A_384] : memref<224xf32, #tpu.memory_space<vmem>> -> memref<208xf32, #tpu.memory_space<vmem>>
        tpu.enqueue_dma source(%dma_start3A_385 : memref<208xf32, #tpu.memory_space<vmem>>) target(%dma_start3A_383 : memref<208xf32, #tpu.memory_space<vmem_shared>>) target_semaphore(%run_scoped3A : memref<!tpu.dma_semaphore, #tpu.memory_space<semaphore_mem>>)
        %dma_wait3A = arith.constant 0 : i32
        %dma_wait3A_386 = tpu.memref_slice %arg19[%dma_wait3A] : memref<224xf32, #tpu.memory_space<vmem>> -> memref<208xf32, #tpu.memory_space<vmem>>
        %dma_wait3A_387 = tpu.memref_slice %arg32[%mul3A_352] : memref<43680xf32, #tpu.memory_space<vmem_shared>> -> memref<208xf32, #tpu.memory_space<vmem_shared>>
        %dma_wait3A_388 = tpu.memref_slice %arg32[%mul3A_352] : memref<43680xf32, #tpu.memory_space<vmem_shared>> -> memref<208xf32, #tpu.memory_space<vmem_shared>>
        %dma_wait3A_389 = arith.constant 0 : i32
        %dma_wait3A_390 = tpu.memref_slice %arg19[%dma_wait3A_389] : memref<224xf32, #tpu.memory_space<vmem>> -> memref<208xf32, #tpu.memory_space<vmem>>
        tpu.wait_dma2 semaphore(%run_scoped3A : memref<!tpu.dma_semaphore, #tpu.memory_space<semaphore_mem>>) src(%dma_wait3A_390 : memref<208xf32, #tpu.memory_space<vmem>>) dst(%dma_wait3A_388 : memref<208xf32, #tpu.memory_space<vmem_shared>>)
        tpu.yield
      }) : () -> ()
      %mul3A_353 = arith.constant 5 : i32
      %mul3A_354 = arith.muli %while3A_16, %mul3A_353 : i32
      %add3A_355 = arith.constant 1 : i32
      %add3A_356 = arith.addi %mul3A_354, %add3A_355 : i32
      %add3A_357 = arith.constant 1 : i32
      %add3A_358 = arith.addi %add3A_356, %add3A_357 : i32
      %mul3A_359 = arith.constant 208 : i32
      %mul3A_360 = arith.muli %add3A_358, %mul3A_359 : i32
      "tpu.region"() ({
        %run_scoped3A = tpu.sem_alloc : memref<!tpu.dma_semaphore, #tpu.memory_space<semaphore_mem>>
        %dma_start3A = arith.constant 0 : i32
        %dma_start3A_381 = tpu.memref_slice %arg20[%dma_start3A] : memref<224xf32, #tpu.memory_space<vmem>> -> memref<208xf32, #tpu.memory_space<vmem>>
        %dma_start3A_382 = tpu.memref_slice %arg32[%mul3A_360] : memref<43680xf32, #tpu.memory_space<vmem_shared>> -> memref<208xf32, #tpu.memory_space<vmem_shared>>
        %dma_start3A_383 = tpu.memref_slice %arg32[%mul3A_360] : memref<43680xf32, #tpu.memory_space<vmem_shared>> -> memref<208xf32, #tpu.memory_space<vmem_shared>>
        %dma_start3A_384 = arith.constant 0 : i32
        %dma_start3A_385 = tpu.memref_slice %arg20[%dma_start3A_384] : memref<224xf32, #tpu.memory_space<vmem>> -> memref<208xf32, #tpu.memory_space<vmem>>
        tpu.enqueue_dma source(%dma_start3A_385 : memref<208xf32, #tpu.memory_space<vmem>>) target(%dma_start3A_383 : memref<208xf32, #tpu.memory_space<vmem_shared>>) target_semaphore(%run_scoped3A : memref<!tpu.dma_semaphore, #tpu.memory_space<semaphore_mem>>)
        %dma_wait3A = arith.constant 0 : i32
        %dma_wait3A_386 = tpu.memref_slice %arg20[%dma_wait3A] : memref<224xf32, #tpu.memory_space<vmem>> -> memref<208xf32, #tpu.memory_space<vmem>>
        %dma_wait3A_387 = tpu.memref_slice %arg32[%mul3A_360] : memref<43680xf32, #tpu.memory_space<vmem_shared>> -> memref<208xf32, #tpu.memory_space<vmem_shared>>
        %dma_wait3A_388 = tpu.memref_slice %arg32[%mul3A_360] : memref<43680xf32, #tpu.memory_space<vmem_shared>> -> memref<208xf32, #tpu.memory_space<vmem_shared>>
        %dma_wait3A_389 = arith.constant 0 : i32
        %dma_wait3A_390 = tpu.memref_slice %arg20[%dma_wait3A_389] : memref<224xf32, #tpu.memory_space<vmem>> -> memref<208xf32, #tpu.memory_space<vmem>>
        tpu.wait_dma2 semaphore(%run_scoped3A : memref<!tpu.dma_semaphore, #tpu.memory_space<semaphore_mem>>) src(%dma_wait3A_390 : memref<208xf32, #tpu.memory_space<vmem>>) dst(%dma_wait3A_388 : memref<208xf32, #tpu.memory_space<vmem_shared>>)
        tpu.yield
      }) : () -> ()
      %mul3A_361 = arith.constant 5 : i32
      %mul3A_362 = arith.muli %while3A_16, %mul3A_361 : i32
      %add3A_363 = arith.constant 1 : i32
      %add3A_364 = arith.addi %mul3A_362, %add3A_363 : i32
      %add3A_365 = arith.constant 2 : i32
      %add3A_366 = arith.addi %add3A_364, %add3A_365 : i32
      %mul3A_367 = arith.constant 208 : i32
      %mul3A_368 = arith.muli %add3A_366, %mul3A_367 : i32
      "tpu.region"() ({
        %run_scoped3A = tpu.sem_alloc : memref<!tpu.dma_semaphore, #tpu.memory_space<semaphore_mem>>
        %dma_start3A = arith.constant 0 : i32
        %dma_start3A_381 = tpu.memref_slice %arg21[%dma_start3A] : memref<224xf32, #tpu.memory_space<vmem>> -> memref<208xf32, #tpu.memory_space<vmem>>
        %dma_start3A_382 = tpu.memref_slice %arg32[%mul3A_368] : memref<43680xf32, #tpu.memory_space<vmem_shared>> -> memref<208xf32, #tpu.memory_space<vmem_shared>>
        %dma_start3A_383 = tpu.memref_slice %arg32[%mul3A_368] : memref<43680xf32, #tpu.memory_space<vmem_shared>> -> memref<208xf32, #tpu.memory_space<vmem_shared>>
        %dma_start3A_384 = arith.constant 0 : i32
        %dma_start3A_385 = tpu.memref_slice %arg21[%dma_start3A_384] : memref<224xf32, #tpu.memory_space<vmem>> -> memref<208xf32, #tpu.memory_space<vmem>>
        tpu.enqueue_dma source(%dma_start3A_385 : memref<208xf32, #tpu.memory_space<vmem>>) target(%dma_start3A_383 : memref<208xf32, #tpu.memory_space<vmem_shared>>) target_semaphore(%run_scoped3A : memref<!tpu.dma_semaphore, #tpu.memory_space<semaphore_mem>>)
        %dma_wait3A = arith.constant 0 : i32
        %dma_wait3A_386 = tpu.memref_slice %arg21[%dma_wait3A] : memref<224xf32, #tpu.memory_space<vmem>> -> memref<208xf32, #tpu.memory_space<vmem>>
        %dma_wait3A_387 = tpu.memref_slice %arg32[%mul3A_368] : memref<43680xf32, #tpu.memory_space<vmem_shared>> -> memref<208xf32, #tpu.memory_space<vmem_shared>>
        %dma_wait3A_388 = tpu.memref_slice %arg32[%mul3A_368] : memref<43680xf32, #tpu.memory_space<vmem_shared>> -> memref<208xf32, #tpu.memory_space<vmem_shared>>
        %dma_wait3A_389 = arith.constant 0 : i32
        %dma_wait3A_390 = tpu.memref_slice %arg21[%dma_wait3A_389] : memref<224xf32, #tpu.memory_space<vmem>> -> memref<208xf32, #tpu.memory_space<vmem>>
        tpu.wait_dma2 semaphore(%run_scoped3A : memref<!tpu.dma_semaphore, #tpu.memory_space<semaphore_mem>>) src(%dma_wait3A_390 : memref<208xf32, #tpu.memory_space<vmem>>) dst(%dma_wait3A_388 : memref<208xf32, #tpu.memory_space<vmem_shared>>)
        tpu.yield
      }) : () -> ()
      %mul3A_369 = arith.constant 5 : i32
      %mul3A_370 = arith.muli %while3A_16, %mul3A_369 : i32
      %add3A_371 = arith.constant 1 : i32
      %add3A_372 = arith.addi %mul3A_370, %add3A_371 : i32
      %add3A_373 = arith.constant 3 : i32
      %add3A_374 = arith.addi %add3A_372, %add3A_373 : i32
      %mul3A_375 = arith.constant 208 : i32
      %mul3A_376 = arith.muli %add3A_374, %mul3A_375 : i32
      "tpu.region"() ({
        %run_scoped3A = tpu.sem_alloc : memref<!tpu.dma_semaphore, #tpu.memory_space<semaphore_mem>>
        %dma_start3A = arith.constant 0 : i32
        %dma_start3A_381 = tpu.memref_slice %arg22[%dma_start3A] : memref<224xf32, #tpu.memory_space<vmem>> -> memref<208xf32, #tpu.memory_space<vmem>>
        %dma_start3A_382 = tpu.memref_slice %arg32[%mul3A_376] : memref<43680xf32, #tpu.memory_space<vmem_shared>> -> memref<208xf32, #tpu.memory_space<vmem_shared>>
        %dma_start3A_383 = tpu.memref_slice %arg32[%mul3A_376] : memref<43680xf32, #tpu.memory_space<vmem_shared>> -> memref<208xf32, #tpu.memory_space<vmem_shared>>
        %dma_start3A_384 = arith.constant 0 : i32
        %dma_start3A_385 = tpu.memref_slice %arg22[%dma_start3A_384] : memref<224xf32, #tpu.memory_space<vmem>> -> memref<208xf32, #tpu.memory_space<vmem>>
        tpu.enqueue_dma source(%dma_start3A_385 : memref<208xf32, #tpu.memory_space<vmem>>) target(%dma_start3A_383 : memref<208xf32, #tpu.memory_space<vmem_shared>>) target_semaphore(%run_scoped3A : memref<!tpu.dma_semaphore, #tpu.memory_space<semaphore_mem>>)
        %dma_wait3A = arith.constant 0 : i32
        %dma_wait3A_386 = tpu.memref_slice %arg22[%dma_wait3A] : memref<224xf32, #tpu.memory_space<vmem>> -> memref<208xf32, #tpu.memory_space<vmem>>
        %dma_wait3A_387 = tpu.memref_slice %arg32[%mul3A_376] : memref<43680xf32, #tpu.memory_space<vmem_shared>> -> memref<208xf32, #tpu.memory_space<vmem_shared>>
        %dma_wait3A_388 = tpu.memref_slice %arg32[%mul3A_376] : memref<43680xf32, #tpu.memory_space<vmem_shared>> -> memref<208xf32, #tpu.memory_space<vmem_shared>>
        %dma_wait3A_389 = arith.constant 0 : i32
        %dma_wait3A_390 = tpu.memref_slice %arg22[%dma_wait3A_389] : memref<224xf32, #tpu.memory_space<vmem>> -> memref<208xf32, #tpu.memory_space<vmem>>
        tpu.wait_dma2 semaphore(%run_scoped3A : memref<!tpu.dma_semaphore, #tpu.memory_space<semaphore_mem>>) src(%dma_wait3A_390 : memref<208xf32, #tpu.memory_space<vmem>>) dst(%dma_wait3A_388 : memref<208xf32, #tpu.memory_space<vmem_shared>>)
        tpu.yield
      }) : () -> ()
      %sc_fetch_and_add3A_377 = arith.constant 1 : i32
      %sc_fetch_and_add3A_378 = arith.constant 0 : i32
      %sc_fetch_and_add3A_379 = arith.constant 0 : i32
      %sc_fetch_and_add3A_380 = tpu.fetch_and_add_sync %arg33[%sc_fetch_and_add3A_378], %sc_fetch_and_add3A_377, %sc_fetch_and_add3A_379 : memref<1xi32, #tpu.memory_space<smem>>, i32 -> i32
      scf.yield %sc_fetch_and_add3A_380 : i32
    }
    %barrier3A_11 = arith.constant 0 : index
    tpu.barrier barrier_id(%barrier3A_11)
    %lt3A = arith.constant 2 : i32
    %lt3A_12 = arith.cmpi slt, %arg1, %lt3A : i32
    %convert_element_type3A_13 = arith.extui %lt3A_12 : i1 to i32
    %cond3A_14 = arith.constant 0 : i32
    %cond3A_15 = arith.cmpi ne, %convert_element_type3A_13, %cond3A_14 : i32
    scf.if %cond3A_15 {
      %mul3A = arith.constant 2 : i32
      %mul3A_16 = arith.muli %arg0, %mul3A : i32
      %add3A = arith.addi %mul3A_16, %arg1 : i32
      %mul3A_17 = arith.constant 21 : i32
      %mul3A_18 = arith.muli %arg1, %mul3A_17 : i32
      %mul3A_19 = arith.constant 5 : i32
      %mul3A_20 = arith.muli %mul3A_18, %mul3A_19 : i32
      %mul3A_21 = arith.constant 208 : i32
      %mul3A_22 = arith.muli %mul3A_20, %mul3A_21 : i32
      "tpu.region"() ({
        %run_scoped3A = tpu.sem_alloc : memref<!tpu.dma_semaphore, #tpu.memory_space<semaphore_mem>>
        %dma_start3A = tpu.memref_slice %arg32[%mul3A_22] : memref<43680xf32, #tpu.memory_space<vmem_shared>> -> memref<21840xf32, #tpu.memory_space<vmem_shared>>
        %dma_start3A_238 = tpu.memref_slice %arg32[%mul3A_22] : memref<43680xf32, #tpu.memory_space<vmem_shared>> -> memref<21840xf32, #tpu.memory_space<vmem_shared>>
        tpu.enqueue_dma source(%dma_start3A_238 : memref<21840xf32, #tpu.memory_space<vmem_shared>>) target(%arg23 : memref<21840xf32, #tpu.memory_space<vmem>>) target_semaphore(%run_scoped3A : memref<!tpu.dma_semaphore, #tpu.memory_space<semaphore_mem>>)
        %dma_wait3A = tpu.memref_slice %arg32[%mul3A_22] : memref<43680xf32, #tpu.memory_space<vmem_shared>> -> memref<21840xf32, #tpu.memory_space<vmem_shared>>
        %dma_wait3A_239 = tpu.memref_slice %arg32[%mul3A_22] : memref<43680xf32, #tpu.memory_space<vmem_shared>> -> memref<21840xf32, #tpu.memory_space<vmem_shared>>
        tpu.wait_dma2 semaphore(%run_scoped3A : memref<!tpu.dma_semaphore, #tpu.memory_space<semaphore_mem>>) src(%dma_wait3A_239 : memref<21840xf32, #tpu.memory_space<vmem_shared>>) dst(%arg23 : memref<21840xf32, #tpu.memory_space<vmem>>)
        tpu.yield
      }) : () -> ()
      %broadcast_in_dim3A_23 = arith.constant 0 : i32
      %broadcast_in_dim3A_24 = vector.broadcast %broadcast_in_dim3A_23 : i32 to vector<16xi32>
      %mul3A_25 = arith.constant 1040 : i32
      %mul3A_26 = vector.broadcast %mul3A_25 : i32 to vector<16xi32>
      %mul3A_27 = arith.muli %iota3A, %mul3A_26 : vector<16xi32>
      %gather3A = tpu.vector_load_idx %arg23[%mul3A_27] : memref<21840xf32, #tpu.memory_space<vmem>>[vector<16xi32>], vector<16xf32>,
      %swap3A = arith.constant 0 : index
      %swap3A_28 = tpu.vector_load %arg24[%swap3A] {strides = array<i32>} : memref<48xf32, #tpu.memory_space<vmem>>, vector<16xf32>,
      tpu.vector_store %arg24[%swap3A], %gather3A {strides = array<i32>} : memref<48xf32, #tpu.memory_space<vmem>>, vector<16xf32>,
      %lt3A_29 = arith.constant 5 : i32
      %lt3A_30 = vector.broadcast %lt3A_29 : i32 to vector<16xi32>
      %lt3A_31 = arith.cmpi slt, %iota3A, %lt3A_30 : vector<16xi32>
      %add3A_32 = arith.constant 16 : i32
      %add3A_33 = vector.broadcast %add3A_32 : i32 to vector<16xi32>
      %add3A_34 = arith.addi %iota3A, %add3A_33 : vector<16xi32>
      %mul3A_35 = arith.constant 1040 : i32
      %mul3A_36 = vector.broadcast %mul3A_35 : i32 to vector<16xi32>
      %mul3A_37 = arith.muli %add3A_34, %mul3A_36 : vector<16xi32>
      %jit3A = arith.constant 0 : i32
      %broadcast_in_dim3A_38 = vector.broadcast %jit3A : i32 to vector<16xi32>
      %select_n3A = arith.select %lt3A_31, %mul3A_37, %broadcast_in_dim3A_38 : vector<16xi1>, vector<16xi32>
      %gather3A_39 = tpu.vector_load_idx %arg23[%select_n3A] : memref<21840xf32, #tpu.memory_space<vmem>>[vector<16xi32>], vector<16xf32>,
      %jit3A_40 = arith.constant -1.000000e+09 : f32
      %broadcast_in_dim3A_41 = vector.broadcast %jit3A_40 : f32 to vector<16xf32>
      %select_n3A_42 = arith.select %lt3A_31, %gather3A_39, %broadcast_in_dim3A_41 : vector<16xi1>, vector<16xf32>
      %swap3A_43 = arith.constant 16 : index
      %swap3A_44 = tpu.vector_load %arg24[%swap3A_43] {strides = array<i32>} : memref<48xf32, #tpu.memory_space<vmem>>, vector<16xf32>,
      tpu.vector_store %arg24[%swap3A_43], %select_n3A_42 {strides = array<i32>} : memref<48xf32, #tpu.memory_space<vmem>>, vector<16xf32>,
      %swap3A_45 = arith.constant 0 : index
      %swap3A_46 = tpu.vector_load %arg25[%swap3A_45] {strides = array<i32>} : memref<48xi32, #tpu.memory_space<vmem>>, vector<16xi32>,
      tpu.vector_store %arg25[%swap3A_45], %broadcast_in_dim3A_24 {strides = array<i32>} : memref<48xi32, #tpu.memory_space<vmem>>, vector<16xi32>,
      %swap3A_47 = arith.constant 16 : index
      %swap3A_48 = tpu.vector_load %arg25[%swap3A_47] {strides = array<i32>} : memref<48xi32, #tpu.memory_space<vmem>>, vector<16xi32>,
      tpu.vector_store %arg25[%swap3A_47], %broadcast_in_dim3A_24 {strides = array<i32>} : memref<48xi32, #tpu.memory_space<vmem>>, vector<16xi32>,
      %swap3A_49 = arith.constant 0 : index
      %swap3A_50 = tpu.vector_load %arg26[%swap3A_49] {strides = array<i32>} : memref<224xf32, #tpu.memory_space<vmem>>, vector<16xf32>,
      tpu.vector_store %arg26[%swap3A_49], %broadcast_in_dim3A_4 {strides = array<i32>} : memref<224xf32, #tpu.memory_space<vmem>>, vector<16xf32>,
      %swap3A_51 = arith.constant 0 : index
      %swap3A_52 = tpu.vector_load %arg27[%swap3A_51] {strides = array<i32>} : memref<224xf32, #tpu.memory_space<vmem>>, vector<16xf32>,
      tpu.vector_store %arg27[%swap3A_51], %broadcast_in_dim3A_4 {strides = array<i32>} : memref<224xf32, #tpu.memory_space<vmem>>, vector<16xf32>,
      %swap3A_53 = arith.constant 0 : index
      %swap3A_54 = tpu.vector_load %arg28[%swap3A_53] {strides = array<i32>} : memref<224xf32, #tpu.memory_space<vmem>>, vector<16xf32>,
      tpu.vector_store %arg28[%swap3A_53], %broadcast_in_dim3A_4 {strides = array<i32>} : memref<224xf32, #tpu.memory_space<vmem>>, vector<16xf32>,
      %swap3A_55 = arith.constant 0 : index
      %swap3A_56 = tpu.vector_load %arg29[%swap3A_55] {strides = array<i32>} : memref<224xf32, #tpu.memory_space<vmem>>, vector<16xf32>,
      tpu.vector_store %arg29[%swap3A_55], %broadcast_in_dim3A_4 {strides = array<i32>} : memref<224xf32, #tpu.memory_space<vmem>>, vector<16xf32>,
      %swap3A_57 = arith.constant 0 : index
      %swap3A_58 = tpu.vector_load %arg30[%swap3A_57] {strides = array<i32>} : memref<224xf32, #tpu.memory_space<vmem>>, vector<16xf32>,
      tpu.vector_store %arg30[%swap3A_57], %broadcast_in_dim3A_4 {strides = array<i32>} : memref<224xf32, #tpu.memory_space<vmem>>, vector<16xf32>,
      %swap3A_59 = arith.constant 0 : index
      %swap3A_60 = tpu.vector_load %arg31[%swap3A_59] {strides = array<i32>} : memref<224xf32, #tpu.memory_space<vmem>>, vector<16xf32>,
      tpu.vector_store %arg31[%swap3A_59], %broadcast_in_dim3A_4 {strides = array<i32>} : memref<224xf32, #tpu.memory_space<vmem>>, vector<16xf32>,
      %swap3A_61 = arith.constant 16 : index
      %swap3A_62 = tpu.vector_load %arg26[%swap3A_61] {strides = array<i32>} : memref<224xf32, #tpu.memory_space<vmem>>, vector<16xf32>,
      tpu.vector_store %arg26[%swap3A_61], %broadcast_in_dim3A_4 {strides = array<i32>} : memref<224xf32, #tpu.memory_space<vmem>>, vector<16xf32>,
      %swap3A_63 = arith.constant 16 : index
      %swap3A_64 = tpu.vector_load %arg27[%swap3A_63] {strides = array<i32>} : memref<224xf32, #tpu.memory_space<vmem>>, vector<16xf32>,
      tpu.vector_store %arg27[%swap3A_63], %broadcast_in_dim3A_4 {strides = array<i32>} : memref<224xf32, #tpu.memory_space<vmem>>, vector<16xf32>,
      %swap3A_65 = arith.constant 16 : index
      %swap3A_66 = tpu.vector_load %arg28[%swap3A_65] {strides = array<i32>} : memref<224xf32, #tpu.memory_space<vmem>>, vector<16xf32>,
      tpu.vector_store %arg28[%swap3A_65], %broadcast_in_dim3A_4 {strides = array<i32>} : memref<224xf32, #tpu.memory_space<vmem>>, vector<16xf32>,
      %swap3A_67 = arith.constant 16 : index
      %swap3A_68 = tpu.vector_load %arg29[%swap3A_67] {strides = array<i32>} : memref<224xf32, #tpu.memory_space<vmem>>, vector<16xf32>,
      tpu.vector_store %arg29[%swap3A_67], %broadcast_in_dim3A_4 {strides = array<i32>} : memref<224xf32, #tpu.memory_space<vmem>>, vector<16xf32>,
      %swap3A_69 = arith.constant 16 : index
      %swap3A_70 = tpu.vector_load %arg30[%swap3A_69] {strides = array<i32>} : memref<224xf32, #tpu.memory_space<vmem>>, vector<16xf32>,
      tpu.vector_store %arg30[%swap3A_69], %broadcast_in_dim3A_4 {strides = array<i32>} : memref<224xf32, #tpu.memory_space<vmem>>, vector<16xf32>,
      %swap3A_71 = arith.constant 16 : index
      %swap3A_72 = tpu.vector_load %arg31[%swap3A_71] {strides = array<i32>} : memref<224xf32, #tpu.memory_space<vmem>>, vector<16xf32>,
      tpu.vector_store %arg31[%swap3A_71], %broadcast_in_dim3A_4 {strides = array<i32>} : memref<224xf32, #tpu.memory_space<vmem>>, vector<16xf32>,
      %swap3A_73 = arith.constant 32 : index
      %swap3A_74 = tpu.vector_load %arg26[%swap3A_73] {strides = array<i32>} : memref<224xf32, #tpu.memory_space<vmem>>, vector<16xf32>,
      tpu.vector_store %arg26[%swap3A_73], %broadcast_in_dim3A_4 {strides = array<i32>} : memref<224xf32, #tpu.memory_space<vmem>>, vector<16xf32>,
      %swap3A_75 = arith.constant 32 : index
      %swap3A_76 = tpu.vector_load %arg27[%swap3A_75] {strides = array<i32>} : memref<224xf32, #tpu.memory_space<vmem>>, vector<16xf32>,
      tpu.vector_store %arg27[%swap3A_75], %broadcast_in_dim3A_4 {strides = array<i32>} : memref<224xf32, #tpu.memory_space<vmem>>, vector<16xf32>,
      %swap3A_77 = arith.constant 32 : index
      %swap3A_78 = tpu.vector_load %arg28[%swap3A_77] {strides = array<i32>} : memref<224xf32, #tpu.memory_space<vmem>>, vector<16xf32>,
      tpu.vector_store %arg28[%swap3A_77], %broadcast_in_dim3A_4 {strides = array<i32>} : memref<224xf32, #tpu.memory_space<vmem>>, vector<16xf32>,
      %swap3A_79 = arith.constant 32 : index
      %swap3A_80 = tpu.vector_load %arg29[%swap3A_79] {strides = array<i32>} : memref<224xf32, #tpu.memory_space<vmem>>, vector<16xf32>,
      tpu.vector_store %arg29[%swap3A_79], %broadcast_in_dim3A_4 {strides = array<i32>} : memref<224xf32, #tpu.memory_space<vmem>>, vector<16xf32>,
      %swap3A_81 = arith.constant 32 : index
      %swap3A_82 = tpu.vector_load %arg30[%swap3A_81] {strides = array<i32>} : memref<224xf32, #tpu.memory_space<vmem>>, vector<16xf32>,
      tpu.vector_store %arg30[%swap3A_81], %broadcast_in_dim3A_4 {strides = array<i32>} : memref<224xf32, #tpu.memory_space<vmem>>, vector<16xf32>,
      %swap3A_83 = arith.constant 32 : index
      %swap3A_84 = tpu.vector_load %arg31[%swap3A_83] {strides = array<i32>} : memref<224xf32, #tpu.memory_space<vmem>>, vector<16xf32>,
      tpu.vector_store %arg31[%swap3A_83], %broadcast_in_dim3A_4 {strides = array<i32>} : memref<224xf32, #tpu.memory_space<vmem>>, vector<16xf32>,
      %swap3A_85 = arith.constant 48 : index
      %swap3A_86 = tpu.vector_load %arg26[%swap3A_85] {strides = array<i32>} : memref<224xf32, #tpu.memory_space<vmem>>, vector<16xf32>,
      tpu.vector_store %arg26[%swap3A_85], %broadcast_in_dim3A_4 {strides = array<i32>} : memref<224xf32, #tpu.memory_space<vmem>>, vector<16xf32>,
      %swap3A_87 = arith.constant 48 : index
      %swap3A_88 = tpu.vector_load %arg27[%swap3A_87] {strides = array<i32>} : memref<224xf32, #tpu.memory_space<vmem>>, vector<16xf32>,
      tpu.vector_store %arg27[%swap3A_87], %broadcast_in_dim3A_4 {strides = array<i32>} : memref<224xf32, #tpu.memory_space<vmem>>, vector<16xf32>,
      %swap3A_89 = arith.constant 48 : index
      %swap3A_90 = tpu.vector_load %arg28[%swap3A_89] {strides = array<i32>} : memref<224xf32, #tpu.memory_space<vmem>>, vector<16xf32>,
      tpu.vector_store %arg28[%swap3A_89], %broadcast_in_dim3A_4 {strides = array<i32>} : memref<224xf32, #tpu.memory_space<vmem>>, vector<16xf32>,
      %swap3A_91 = arith.constant 48 : index
      %swap3A_92 = tpu.vector_load %arg29[%swap3A_91] {strides = array<i32>} : memref<224xf32, #tpu.memory_space<vmem>>, vector<16xf32>,
      tpu.vector_store %arg29[%swap3A_91], %broadcast_in_dim3A_4 {strides = array<i32>} : memref<224xf32, #tpu.memory_space<vmem>>, vector<16xf32>,
      %swap3A_93 = arith.constant 48 : index
      %swap3A_94 = tpu.vector_load %arg30[%swap3A_93] {strides = array<i32>} : memref<224xf32, #tpu.memory_space<vmem>>, vector<16xf32>,
      tpu.vector_store %arg30[%swap3A_93], %broadcast_in_dim3A_4 {strides = array<i32>} : memref<224xf32, #tpu.memory_space<vmem>>, vector<16xf32>,
      %swap3A_95 = arith.constant 48 : index
      %swap3A_96 = tpu.vector_load %arg31[%swap3A_95] {strides = array<i32>} : memref<224xf32, #tpu.memory_space<vmem>>, vector<16xf32>,
      tpu.vector_store %arg31[%swap3A_95], %broadcast_in_dim3A_4 {strides = array<i32>} : memref<224xf32, #tpu.memory_space<vmem>>, vector<16xf32>,
      %swap3A_97 = arith.constant 64 : index
      %swap3A_98 = tpu.vector_load %arg26[%swap3A_97] {strides = array<i32>} : memref<224xf32, #tpu.memory_space<vmem>>, vector<16xf32>,
      tpu.vector_store %arg26[%swap3A_97], %broadcast_in_dim3A_4 {strides = array<i32>} : memref<224xf32, #tpu.memory_space<vmem>>, vector<16xf32>,
      %swap3A_99 = arith.constant 64 : index
      %swap3A_100 = tpu.vector_load %arg27[%swap3A_99] {strides = array<i32>} : memref<224xf32, #tpu.memory_space<vmem>>, vector<16xf32>,
      tpu.vector_store %arg27[%swap3A_99], %broadcast_in_dim3A_4 {strides = array<i32>} : memref<224xf32, #tpu.memory_space<vmem>>, vector<16xf32>,
      %swap3A_101 = arith.constant 64 : index
      %swap3A_102 = tpu.vector_load %arg28[%swap3A_101] {strides = array<i32>} : memref<224xf32, #tpu.memory_space<vmem>>, vector<16xf32>,
      tpu.vector_store %arg28[%swap3A_101], %broadcast_in_dim3A_4 {strides = array<i32>} : memref<224xf32, #tpu.memory_space<vmem>>, vector<16xf32>,
      %swap3A_103 = arith.constant 64 : index
      %swap3A_104 = tpu.vector_load %arg29[%swap3A_103] {strides = array<i32>} : memref<224xf32, #tpu.memory_space<vmem>>, vector<16xf32>,
      tpu.vector_store %arg29[%swap3A_103], %broadcast_in_dim3A_4 {strides = array<i32>} : memref<224xf32, #tpu.memory_space<vmem>>, vector<16xf32>,
      %swap3A_105 = arith.constant 64 : index
      %swap3A_106 = tpu.vector_load %arg30[%swap3A_105] {strides = array<i32>} : memref<224xf32, #tpu.memory_space<vmem>>, vector<16xf32>,
      tpu.vector_store %arg30[%swap3A_105], %broadcast_in_dim3A_4 {strides = array<i32>} : memref<224xf32, #tpu.memory_space<vmem>>, vector<16xf32>,
      %swap3A_107 = arith.constant 64 : index
      %swap3A_108 = tpu.vector_load %arg31[%swap3A_107] {strides = array<i32>} : memref<224xf32, #tpu.memory_space<vmem>>, vector<16xf32>,
      tpu.vector_store %arg31[%swap3A_107], %broadcast_in_dim3A_4 {strides = array<i32>} : memref<224xf32, #tpu.memory_space<vmem>>, vector<16xf32>,
      %swap3A_109 = arith.constant 80 : index
      %swap3A_110 = tpu.vector_load %arg26[%swap3A_109] {strides = array<i32>} : memref<224xf32, #tpu.memory_space<vmem>>, vector<16xf32>,
      tpu.vector_store %arg26[%swap3A_109], %broadcast_in_dim3A_4 {strides = array<i32>} : memref<224xf32, #tpu.memory_space<vmem>>, vector<16xf32>,
      %swap3A_111 = arith.constant 80 : index
      %swap3A_112 = tpu.vector_load %arg27[%swap3A_111] {strides = array<i32>} : memref<224xf32, #tpu.memory_space<vmem>>, vector<16xf32>,
      tpu.vector_store %arg27[%swap3A_111], %broadcast_in_dim3A_4 {strides = array<i32>} : memref<224xf32, #tpu.memory_space<vmem>>, vector<16xf32>,
      %swap3A_113 = arith.constant 80 : index
      %swap3A_114 = tpu.vector_load %arg28[%swap3A_113] {strides = array<i32>} : memref<224xf32, #tpu.memory_space<vmem>>, vector<16xf32>,
      tpu.vector_store %arg28[%swap3A_113], %broadcast_in_dim3A_4 {strides = array<i32>} : memref<224xf32, #tpu.memory_space<vmem>>, vector<16xf32>,
      %swap3A_115 = arith.constant 80 : index
      %swap3A_116 = tpu.vector_load %arg29[%swap3A_115] {strides = array<i32>} : memref<224xf32, #tpu.memory_space<vmem>>, vector<16xf32>,
      tpu.vector_store %arg29[%swap3A_115], %broadcast_in_dim3A_4 {strides = array<i32>} : memref<224xf32, #tpu.memory_space<vmem>>, vector<16xf32>,
      %swap3A_117 = arith.constant 80 : index
      %swap3A_118 = tpu.vector_load %arg30[%swap3A_117] {strides = array<i32>} : memref<224xf32, #tpu.memory_space<vmem>>, vector<16xf32>,
      tpu.vector_store %arg30[%swap3A_117], %broadcast_in_dim3A_4 {strides = array<i32>} : memref<224xf32, #tpu.memory_space<vmem>>, vector<16xf32>,
      %swap3A_119 = arith.constant 80 : index
      %swap3A_120 = tpu.vector_load %arg31[%swap3A_119] {strides = array<i32>} : memref<224xf32, #tpu.memory_space<vmem>>, vector<16xf32>,
      tpu.vector_store %arg31[%swap3A_119], %broadcast_in_dim3A_4 {strides = array<i32>} : memref<224xf32, #tpu.memory_space<vmem>>, vector<16xf32>,
      %swap3A_121 = arith.constant 96 : index
      %swap3A_122 = tpu.vector_load %arg26[%swap3A_121] {strides = array<i32>} : memref<224xf32, #tpu.memory_space<vmem>>, vector<16xf32>,
      tpu.vector_store %arg26[%swap3A_121], %broadcast_in_dim3A_4 {strides = array<i32>} : memref<224xf32, #tpu.memory_space<vmem>>, vector<16xf32>,
      %swap3A_123 = arith.constant 96 : index
      %swap3A_124 = tpu.vector_load %arg27[%swap3A_123] {strides = array<i32>} : memref<224xf32, #tpu.memory_space<vmem>>, vector<16xf32>,
      tpu.vector_store %arg27[%swap3A_123], %broadcast_in_dim3A_4 {strides = array<i32>} : memref<224xf32, #tpu.memory_space<vmem>>, vector<16xf32>,
      %swap3A_125 = arith.constant 96 : index
      %swap3A_126 = tpu.vector_load %arg28[%swap3A_125] {strides = array<i32>} : memref<224xf32, #tpu.memory_space<vmem>>, vector<16xf32>,
      tpu.vector_store %arg28[%swap3A_125], %broadcast_in_dim3A_4 {strides = array<i32>} : memref<224xf32, #tpu.memory_space<vmem>>, vector<16xf32>,
      %swap3A_127 = arith.constant 96 : index
      %swap3A_128 = tpu.vector_load %arg29[%swap3A_127] {strides = array<i32>} : memref<224xf32, #tpu.memory_space<vmem>>, vector<16xf32>,
      tpu.vector_store %arg29[%swap3A_127], %broadcast_in_dim3A_4 {strides = array<i32>} : memref<224xf32, #tpu.memory_space<vmem>>, vector<16xf32>,
      %swap3A_129 = arith.constant 96 : index
      %swap3A_130 = tpu.vector_load %arg30[%swap3A_129] {strides = array<i32>} : memref<224xf32, #tpu.memory_space<vmem>>, vector<16xf32>,
      tpu.vector_store %arg30[%swap3A_129], %broadcast_in_dim3A_4 {strides = array<i32>} : memref<224xf32, #tpu.memory_space<vmem>>, vector<16xf32>,
      %swap3A_131 = arith.constant 96 : index
      %swap3A_132 = tpu.vector_load %arg31[%swap3A_131] {strides = array<i32>} : memref<224xf32, #tpu.memory_space<vmem>>, vector<16xf32>,
      tpu.vector_store %arg31[%swap3A_131], %broadcast_in_dim3A_4 {strides = array<i32>} : memref<224xf32, #tpu.memory_space<vmem>>, vector<16xf32>,
      %swap3A_133 = arith.constant 112 : index
      %swap3A_134 = tpu.vector_load %arg26[%swap3A_133] {strides = array<i32>} : memref<224xf32, #tpu.memory_space<vmem>>, vector<16xf32>,
      tpu.vector_store %arg26[%swap3A_133], %broadcast_in_dim3A_4 {strides = array<i32>} : memref<224xf32, #tpu.memory_space<vmem>>, vector<16xf32>,
      %swap3A_135 = arith.constant 112 : index
      %swap3A_136 = tpu.vector_load %arg27[%swap3A_135] {strides = array<i32>} : memref<224xf32, #tpu.memory_space<vmem>>, vector<16xf32>,
      tpu.vector_store %arg27[%swap3A_135], %broadcast_in_dim3A_4 {strides = array<i32>} : memref<224xf32, #tpu.memory_space<vmem>>, vector<16xf32>,
      %swap3A_137 = arith.constant 112 : index
      %swap3A_138 = tpu.vector_load %arg28[%swap3A_137] {strides = array<i32>} : memref<224xf32, #tpu.memory_space<vmem>>, vector<16xf32>,
      tpu.vector_store %arg28[%swap3A_137], %broadcast_in_dim3A_4 {strides = array<i32>} : memref<224xf32, #tpu.memory_space<vmem>>, vector<16xf32>,
      %swap3A_139 = arith.constant 112 : index
      %swap3A_140 = tpu.vector_load %arg29[%swap3A_139] {strides = array<i32>} : memref<224xf32, #tpu.memory_space<vmem>>, vector<16xf32>,
      tpu.vector_store %arg29[%swap3A_139], %broadcast_in_dim3A_4 {strides = array<i32>} : memref<224xf32, #tpu.memory_space<vmem>>, vector<16xf32>,
      %swap3A_141 = arith.constant 112 : index
      %swap3A_142 = tpu.vector_load %arg30[%swap3A_141] {strides = array<i32>} : memref<224xf32, #tpu.memory_space<vmem>>, vector<16xf32>,
      tpu.vector_store %arg30[%swap3A_141], %broadcast_in_dim3A_4 {strides = array<i32>} : memref<224xf32, #tpu.memory_space<vmem>>, vector<16xf32>,
      %swap3A_143 = arith.constant 112 : index
      %swap3A_144 = tpu.vector_load %arg31[%swap3A_143] {strides = array<i32>} : memref<224xf32, #tpu.memory_space<vmem>>, vector<16xf32>,
      tpu.vector_store %arg31[%swap3A_143], %broadcast_in_dim3A_4 {strides = array<i32>} : memref<224xf32, #tpu.memory_space<vmem>>, vector<16xf32>,
      %swap3A_145 = arith.constant 128 : index
      %swap3A_146 = tpu.vector_load %arg26[%swap3A_145] {strides = array<i32>} : memref<224xf32, #tpu.memory_space<vmem>>, vector<16xf32>,
      tpu.vector_store %arg26[%swap3A_145], %broadcast_in_dim3A_4 {strides = array<i32>} : memref<224xf32, #tpu.memory_space<vmem>>, vector<16xf32>,
      %swap3A_147 = arith.constant 128 : index
      %swap3A_148 = tpu.vector_load %arg27[%swap3A_147] {strides = array<i32>} : memref<224xf32, #tpu.memory_space<vmem>>, vector<16xf32>,
      tpu.vector_store %arg27[%swap3A_147], %broadcast_in_dim3A_4 {strides = array<i32>} : memref<224xf32, #tpu.memory_space<vmem>>, vector<16xf32>,
      %swap3A_149 = arith.constant 128 : index
      %swap3A_150 = tpu.vector_load %arg28[%swap3A_149] {strides = array<i32>} : memref<224xf32, #tpu.memory_space<vmem>>, vector<16xf32>,
      tpu.vector_store %arg28[%swap3A_149], %broadcast_in_dim3A_4 {strides = array<i32>} : memref<224xf32, #tpu.memory_space<vmem>>, vector<16xf32>,
      %swap3A_151 = arith.constant 128 : index
      %swap3A_152 = tpu.vector_load %arg29[%swap3A_151] {strides = array<i32>} : memref<224xf32, #tpu.memory_space<vmem>>, vector<16xf32>,
      tpu.vector_store %arg29[%swap3A_151], %broadcast_in_dim3A_4 {strides = array<i32>} : memref<224xf32, #tpu.memory_space<vmem>>, vector<16xf32>,
      %swap3A_153 = arith.constant 128 : index
      %swap3A_154 = tpu.vector_load %arg30[%swap3A_153] {strides = array<i32>} : memref<224xf32, #tpu.memory_space<vmem>>, vector<16xf32>,
      tpu.vector_store %arg30[%swap3A_153], %broadcast_in_dim3A_4 {strides = array<i32>} : memref<224xf32, #tpu.memory_space<vmem>>, vector<16xf32>,
      %swap3A_155 = arith.constant 128 : index
      %swap3A_156 = tpu.vector_load %arg31[%swap3A_155] {strides = array<i32>} : memref<224xf32, #tpu.memory_space<vmem>>, vector<16xf32>,
      tpu.vector_store %arg31[%swap3A_155], %broadcast_in_dim3A_4 {strides = array<i32>} : memref<224xf32, #tpu.memory_space<vmem>>, vector<16xf32>,
      %swap3A_157 = arith.constant 144 : index
      %swap3A_158 = tpu.vector_load %arg26[%swap3A_157] {strides = array<i32>} : memref<224xf32, #tpu.memory_space<vmem>>, vector<16xf32>,
      tpu.vector_store %arg26[%swap3A_157], %broadcast_in_dim3A_4 {strides = array<i32>} : memref<224xf32, #tpu.memory_space<vmem>>, vector<16xf32>,
      %swap3A_159 = arith.constant 144 : index
      %swap3A_160 = tpu.vector_load %arg27[%swap3A_159] {strides = array<i32>} : memref<224xf32, #tpu.memory_space<vmem>>, vector<16xf32>,
      tpu.vector_store %arg27[%swap3A_159], %broadcast_in_dim3A_4 {strides = array<i32>} : memref<224xf32, #tpu.memory_space<vmem>>, vector<16xf32>,
      %swap3A_161 = arith.constant 144 : index
      %swap3A_162 = tpu.vector_load %arg28[%swap3A_161] {strides = array<i32>} : memref<224xf32, #tpu.memory_space<vmem>>, vector<16xf32>,
      tpu.vector_store %arg28[%swap3A_161], %broadcast_in_dim3A_4 {strides = array<i32>} : memref<224xf32, #tpu.memory_space<vmem>>, vector<16xf32>,
      %swap3A_163 = arith.constant 144 : index
      %swap3A_164 = tpu.vector_load %arg29[%swap3A_163] {strides = array<i32>} : memref<224xf32, #tpu.memory_space<vmem>>, vector<16xf32>,
      tpu.vector_store %arg29[%swap3A_163], %broadcast_in_dim3A_4 {strides = array<i32>} : memref<224xf32, #tpu.memory_space<vmem>>, vector<16xf32>,
      %swap3A_165 = arith.constant 144 : index
      %swap3A_166 = tpu.vector_load %arg30[%swap3A_165] {strides = array<i32>} : memref<224xf32, #tpu.memory_space<vmem>>, vector<16xf32>,
      tpu.vector_store %arg30[%swap3A_165], %broadcast_in_dim3A_4 {strides = array<i32>} : memref<224xf32, #tpu.memory_space<vmem>>, vector<16xf32>,
      %swap3A_167 = arith.constant 144 : index
      %swap3A_168 = tpu.vector_load %arg31[%swap3A_167] {strides = array<i32>} : memref<224xf32, #tpu.memory_space<vmem>>, vector<16xf32>,
      tpu.vector_store %arg31[%swap3A_167], %broadcast_in_dim3A_4 {strides = array<i32>} : memref<224xf32, #tpu.memory_space<vmem>>, vector<16xf32>,
      %swap3A_169 = arith.constant 160 : index
      %swap3A_170 = tpu.vector_load %arg26[%swap3A_169] {strides = array<i32>} : memref<224xf32, #tpu.memory_space<vmem>>, vector<16xf32>,
      tpu.vector_store %arg26[%swap3A_169], %broadcast_in_dim3A_4 {strides = array<i32>} : memref<224xf32, #tpu.memory_space<vmem>>, vector<16xf32>,
      %swap3A_171 = arith.constant 160 : index
      %swap3A_172 = tpu.vector_load %arg27[%swap3A_171] {strides = array<i32>} : memref<224xf32, #tpu.memory_space<vmem>>, vector<16xf32>,
      tpu.vector_store %arg27[%swap3A_171], %broadcast_in_dim3A_4 {strides = array<i32>} : memref<224xf32, #tpu.memory_space<vmem>>, vector<16xf32>,
      %swap3A_173 = arith.constant 160 : index
      %swap3A_174 = tpu.vector_load %arg28[%swap3A_173] {strides = array<i32>} : memref<224xf32, #tpu.memory_space<vmem>>, vector<16xf32>,
      tpu.vector_store %arg28[%swap3A_173], %broadcast_in_dim3A_4 {strides = array<i32>} : memref<224xf32, #tpu.memory_space<vmem>>, vector<16xf32>,
      %swap3A_175 = arith.constant 160 : index
      %swap3A_176 = tpu.vector_load %arg29[%swap3A_175] {strides = array<i32>} : memref<224xf32, #tpu.memory_space<vmem>>, vector<16xf32>,
      tpu.vector_store %arg29[%swap3A_175], %broadcast_in_dim3A_4 {strides = array<i32>} : memref<224xf32, #tpu.memory_space<vmem>>, vector<16xf32>,
      %swap3A_177 = arith.constant 160 : index
      %swap3A_178 = tpu.vector_load %arg30[%swap3A_177] {strides = array<i32>} : memref<224xf32, #tpu.memory_space<vmem>>, vector<16xf32>,
      tpu.vector_store %arg30[%swap3A_177], %broadcast_in_dim3A_4 {strides = array<i32>} : memref<224xf32, #tpu.memory_space<vmem>>, vector<16xf32>,
      %swap3A_179 = arith.constant 160 : index
      %swap3A_180 = tpu.vector_load %arg31[%swap3A_179] {strides = array<i32>} : memref<224xf32, #tpu.memory_space<vmem>>, vector<16xf32>,
      tpu.vector_store %arg31[%swap3A_179], %broadcast_in_dim3A_4 {strides = array<i32>} : memref<224xf32, #tpu.memory_space<vmem>>, vector<16xf32>,
      %swap3A_181 = arith.constant 176 : index
      %swap3A_182 = tpu.vector_load %arg26[%swap3A_181] {strides = array<i32>} : memref<224xf32, #tpu.memory_space<vmem>>, vector<16xf32>,
      tpu.vector_store %arg26[%swap3A_181], %broadcast_in_dim3A_4 {strides = array<i32>} : memref<224xf32, #tpu.memory_space<vmem>>, vector<16xf32>,
      %swap3A_183 = arith.constant 176 : index
      %swap3A_184 = tpu.vector_load %arg27[%swap3A_183] {strides = array<i32>} : memref<224xf32, #tpu.memory_space<vmem>>, vector<16xf32>,
      tpu.vector_store %arg27[%swap3A_183], %broadcast_in_dim3A_4 {strides = array<i32>} : memref<224xf32, #tpu.memory_space<vmem>>, vector<16xf32>,
      %swap3A_185 = arith.constant 176 : index
      %swap3A_186 = tpu.vector_load %arg28[%swap3A_185] {strides = array<i32>} : memref<224xf32, #tpu.memory_space<vmem>>, vector<16xf32>,
      tpu.vector_store %arg28[%swap3A_185], %broadcast_in_dim3A_4 {strides = array<i32>} : memref<224xf32, #tpu.memory_space<vmem>>, vector<16xf32>,
      %swap3A_187 = arith.constant 176 : index
      %swap3A_188 = tpu.vector_load %arg29[%swap3A_187] {strides = array<i32>} : memref<224xf32, #tpu.memory_space<vmem>>, vector<16xf32>,
      tpu.vector_store %arg29[%swap3A_187], %broadcast_in_dim3A_4 {strides = array<i32>} : memref<224xf32, #tpu.memory_space<vmem>>, vector<16xf32>,
      %swap3A_189 = arith.constant 176 : index
      %swap3A_190 = tpu.vector_load %arg30[%swap3A_189] {strides = array<i32>} : memref<224xf32, #tpu.memory_space<vmem>>, vector<16xf32>,
      tpu.vector_store %arg30[%swap3A_189], %broadcast_in_dim3A_4 {strides = array<i32>} : memref<224xf32, #tpu.memory_space<vmem>>, vector<16xf32>,
      %swap3A_191 = arith.constant 176 : index
      %swap3A_192 = tpu.vector_load %arg31[%swap3A_191] {strides = array<i32>} : memref<224xf32, #tpu.memory_space<vmem>>, vector<16xf32>,
      tpu.vector_store %arg31[%swap3A_191], %broadcast_in_dim3A_4 {strides = array<i32>} : memref<224xf32, #tpu.memory_space<vmem>>, vector<16xf32>,
      %swap3A_193 = arith.constant 192 : index
      %swap3A_194 = tpu.vector_load %arg26[%swap3A_193] {strides = array<i32>} : memref<224xf32, #tpu.memory_space<vmem>>, vector<16xf32>,
      tpu.vector_store %arg26[%swap3A_193], %broadcast_in_dim3A_4 {strides = array<i32>} : memref<224xf32, #tpu.memory_space<vmem>>, vector<16xf32>,
      %swap3A_195 = arith.constant 192 : index
      %swap3A_196 = tpu.vector_load %arg27[%swap3A_195] {strides = array<i32>} : memref<224xf32, #tpu.memory_space<vmem>>, vector<16xf32>,
      tpu.vector_store %arg27[%swap3A_195], %broadcast_in_dim3A_4 {strides = array<i32>} : memref<224xf32, #tpu.memory_space<vmem>>, vector<16xf32>,
      %swap3A_197 = arith.constant 192 : index
      %swap3A_198 = tpu.vector_load %arg28[%swap3A_197] {strides = array<i32>} : memref<224xf32, #tpu.memory_space<vmem>>, vector<16xf32>,
      tpu.vector_store %arg28[%swap3A_197], %broadcast_in_dim3A_4 {strides = array<i32>} : memref<224xf32, #tpu.memory_space<vmem>>, vector<16xf32>,
      %swap3A_199 = arith.constant 192 : index
      %swap3A_200 = tpu.vector_load %arg29[%swap3A_199] {strides = array<i32>} : memref<224xf32, #tpu.memory_space<vmem>>, vector<16xf32>,
      tpu.vector_store %arg29[%swap3A_199], %broadcast_in_dim3A_4 {strides = array<i32>} : memref<224xf32, #tpu.memory_space<vmem>>, vector<16xf32>,
      %swap3A_201 = arith.constant 192 : index
      %swap3A_202 = tpu.vector_load %arg30[%swap3A_201] {strides = array<i32>} : memref<224xf32, #tpu.memory_space<vmem>>, vector<16xf32>,
      tpu.vector_store %arg30[%swap3A_201], %broadcast_in_dim3A_4 {strides = array<i32>} : memref<224xf32, #tpu.memory_space<vmem>>, vector<16xf32>,
      %swap3A_203 = arith.constant 192 : index
      %swap3A_204 = tpu.vector_load %arg31[%swap3A_203] {strides = array<i32>} : memref<224xf32, #tpu.memory_space<vmem>>, vector<16xf32>,
      tpu.vector_store %arg31[%swap3A_203], %broadcast_in_dim3A_4 {strides = array<i32>} : memref<224xf32, #tpu.memory_space<vmem>>, vector<16xf32>,
      %scan3A = arith.constant 0 : i32
      %scan3A_205 = arith.constant 0 : i32
      %scan3A_206 = arith.constant 200 : i32
      %scan3A_207 = arith.addi %scan3A_205, %scan3A_206 : i32
      %scan3A_208 = arith.constant 1 : i32
      scf.for %scan3A_238 = %scan3A_205 to %scan3A_207 step %scan3A_208  : i32 {
        %get3A = arith.constant 0 : index
        %get3A_239 = tpu.vector_load %arg24[%get3A] {strides = array<i32>} : memref<48xf32, #tpu.memory_space<vmem>>, vector<16xf32>,
        %get3A_240 = arith.constant 16 : index
        %get3A_241 = tpu.vector_load %arg24[%get3A_240] {strides = array<i32>} : memref<48xf32, #tpu.memory_space<vmem>>, vector<16xf32>,
        %reduce_max3A = arith.constant true
        %reduce_max3A_242 = vector.broadcast %reduce_max3A : i1 to vector<16xi1>
        %reduce_max3A_243 = tpu.scan <max>, %get3A_239 masked %reduce_max3A_242 : vector<16xf32>, vector<16xi1> -> vector<16xf32>
        %reduce_max3A_244 = vector.extract %reduce_max3A_243[15] : f32 from vector<16xf32>
        %reduce_max3A_245 = arith.constant true
        %reduce_max3A_246 = vector.broadcast %reduce_max3A_245 : i1 to vector<16xi1>
        %reduce_max3A_247 = tpu.scan <max>, %get3A_241 masked %reduce_max3A_246 : vector<16xf32>, vector<16xi1> -> vector<16xf32>
        %reduce_max3A_248 = vector.extract %reduce_max3A_247[15] : f32 from vector<16xf32>
        %max3A = arith.maximumf %reduce_max3A_244, %reduce_max3A_248 : f32
        %eq3A_249 = vector.broadcast %max3A : f32 to vector<16xf32>
        %eq3A_250 = arith.cmpf oeq, %get3A_239, %eq3A_249 : vector<16xf32>
        %jit3A_251 = arith.constant 99 : i32
        %broadcast_in_dim3A_252 = vector.broadcast %jit3A_251 : i32 to vector<16xi32>
        %select_n3A_253 = arith.select %eq3A_250, %iota3A, %broadcast_in_dim3A_252 : vector<16xi1>, vector<16xi32>
        %reduce_min3A = arith.constant true
        %reduce_min3A_254 = vector.broadcast %reduce_min3A : i1 to vector<16xi1>
        %reduce_min3A_255 = arith.constant -2147483648 : i32
        %reduce_min3A_256 = vector.broadcast %reduce_min3A_255 : i32 to vector<16xi32>
        %reduce_min3A_257 = arith.xori %select_n3A_253, %reduce_min3A_256 : vector<16xi32>
        %reduce_min3A_258 = tpu.scan <min>, %reduce_min3A_257 masked %reduce_min3A_254 : vector<16xi32>, vector<16xi1> -> vector<16xi32>
        %reduce_min3A_259 = arith.xori %reduce_min3A_258, %reduce_min3A_256 : vector<16xi32>
        %reduce_min3A_260 = vector.extract %reduce_min3A_259[15] : i32 from vector<16xi32>
        %eq3A_261 = vector.broadcast %max3A : f32 to vector<16xf32>
        %eq3A_262 = arith.cmpf oeq, %get3A_241, %eq3A_261 : vector<16xf32>
        %add3A_263 = arith.constant 16 : i32
        %add3A_264 = vector.broadcast %add3A_263 : i32 to vector<16xi32>
        %add3A_265 = arith.addi %iota3A, %add3A_264 : vector<16xi32>
        %jit3A_266 = arith.constant 99 : i32
        %broadcast_in_dim3A_267 = vector.broadcast %jit3A_266 : i32 to vector<16xi32>
        %select_n3A_268 = arith.select %eq3A_262, %add3A_265, %broadcast_in_dim3A_267 : vector<16xi1>, vector<16xi32>
        %reduce_min3A_269 = arith.constant true
        %reduce_min3A_270 = vector.broadcast %reduce_min3A_269 : i1 to vector<16xi1>
        %reduce_min3A_271 = arith.constant -2147483648 : i32
        %reduce_min3A_272 = vector.broadcast %reduce_min3A_271 : i32 to vector<16xi32>
        %reduce_min3A_273 = arith.xori %select_n3A_268, %reduce_min3A_272 : vector<16xi32>
        %reduce_min3A_274 = tpu.scan <min>, %reduce_min3A_273 masked %reduce_min3A_270 : vector<16xi32>, vector<16xi1> -> vector<16xi32>
        %reduce_min3A_275 = arith.xori %reduce_min3A_274, %reduce_min3A_272 : vector<16xi32>
        %reduce_min3A_276 = vector.extract %reduce_min3A_275[15] : i32 from vector<16xi32>
        %min3A = arith.minsi %reduce_min3A_260, %reduce_min3A_276 : i32
        %gt3A = arith.constant -5.000000e+08 : f32
        %gt3A_277 = arith.cmpf ogt, %max3A, %gt3A : f32
        %convert_element_type3A_278 = arith.extui %gt3A_277 : i1 to i32
        %cond3A_279 = arith.constant 0 : i32
        %cond3A_280 = arith.cmpi ne, %convert_element_type3A_278, %cond3A_279 : i32
        scf.if %cond3A_280 {
          %broadcast_in_dim3A_281 = arith.constant 0 : i32
          %broadcast_in_dim3A_282 = vector.broadcast %broadcast_in_dim3A_281 : i32 to vector<16xi32>
          %add3A_283 = vector.broadcast %min3A : i32 to vector<16xi32>
          %add3A_284 = arith.addi %broadcast_in_dim3A_282, %add3A_283 : vector<16xi32>
          %gather3A_285 = tpu.vector_load_idx %arg25[%add3A_284] : memref<48xi32, #tpu.memory_space<vmem>>[vector<16xi32>], vector<16xi32>,
          %broadcast_in_dim3A_286 = arith.constant 0.000000e+00 : f32
          %broadcast_in_dim3A_287 = vector.broadcast %broadcast_in_dim3A_286 : f32 to vector<16xf32>
          %add3A_288 = vector.broadcast %max3A : f32 to vector<16xf32>
          %add3A_289 = arith.addf %broadcast_in_dim3A_287, %add3A_288 : vector<16xf32>
          %broadcast_in_dim3A_290 = arith.constant 0 : i32
          %broadcast_in_dim3A_291 = vector.broadcast %broadcast_in_dim3A_290 : i32 to vector<16xi32>
          %add3A_292 = vector.broadcast %scan3A_238 : i32 to vector<16xi32>
          %add3A_293 = arith.addi %broadcast_in_dim3A_291, %add3A_292 : vector<16xi32>
          %broadcast_in_dim3A_294 = arith.constant 0 : i32
          %broadcast_in_dim3A_295 = vector.broadcast %broadcast_in_dim3A_294 : i32 to vector<16xi32>
          %add3A_296 = arith.constant 208 : i32
          %add3A_297 = vector.broadcast %add3A_296 : i32 to vector<16xi32>
          %add3A_298 = arith.addi %broadcast_in_dim3A_295, %add3A_297 : vector<16xi32>
          %select_n3A_299 = arith.select %eq3A_1, %add3A_293, %add3A_298 : vector<16xi1>, vector<16xi32>
          tpu.vector_store_idx %arg27[%select_n3A_299], %add3A_289 : memref<224xf32, #tpu.memory_space<vmem>>[vector<16xi32>], vector<16xf32>,
          %convert_element_type3A_300 = arith.sitofp %min3A : i32 to f32
          %broadcast_in_dim3A_301 = arith.constant 0.000000e+00 : f32
          %broadcast_in_dim3A_302 = vector.broadcast %broadcast_in_dim3A_301 : f32 to vector<16xf32>
          %add3A_303 = vector.broadcast %convert_element_type3A_300 : f32 to vector<16xf32>
          %add3A_304 = arith.addf %broadcast_in_dim3A_302, %add3A_303 : vector<16xf32>
          %broadcast_in_dim3A_305 = arith.constant 0 : i32
          %broadcast_in_dim3A_306 = vector.broadcast %broadcast_in_dim3A_305 : i32 to vector<16xi32>
          %add3A_307 = vector.broadcast %scan3A_238 : i32 to vector<16xi32>
          %add3A_308 = arith.addi %broadcast_in_dim3A_306, %add3A_307 : vector<16xi32>
          %broadcast_in_dim3A_309 = arith.constant 0 : i32
          %broadcast_in_dim3A_310 = vector.broadcast %broadcast_in_dim3A_309 : i32 to vector<16xi32>
          %add3A_311 = arith.constant 208 : i32
          %add3A_312 = vector.broadcast %add3A_311 : i32 to vector<16xi32>
          %add3A_313 = arith.addi %broadcast_in_dim3A_310, %add3A_312 : vector<16xi32>
          %select_n3A_314 = arith.select %eq3A_1, %add3A_308, %add3A_313 : vector<16xi1>, vector<16xi32>
          tpu.vector_store_idx %arg26[%select_n3A_314], %add3A_304 : memref<224xf32, #tpu.memory_space<vmem>>[vector<16xi32>], vector<16xf32>,
          %mul3A_315 = arith.constant 1040 : i32
          %mul3A_316 = arith.muli %min3A, %mul3A_315 : i32
          %add3A_317 = arith.constant 208 : i32
          %add3A_318 = arith.addi %mul3A_316, %add3A_317 : i32
          %broadcast_in_dim3A_319 = arith.constant 0 : i32
          %broadcast_in_dim3A_320 = vector.broadcast %broadcast_in_dim3A_319 : i32 to vector<16xi32>
          %add3A_321 = vector.broadcast %add3A_318 : i32 to vector<16xi32>
          %add3A_322 = arith.addi %broadcast_in_dim3A_320, %add3A_321 : vector<16xi32>
          %add3A_323 = arith.addi %add3A_322, %gather3A_285 : vector<16xi32>
          %gather3A_324 = tpu.vector_load_idx %arg23[%add3A_323] : memref<21840xf32, #tpu.memory_space<vmem>>[vector<16xi32>], vector<16xf32>,
          %max3A_325 = arith.constant 0.000000e+00 : f32
          %max3A_326 = vector.broadcast %max3A_325 : f32 to vector<16xf32>
          %max3A_327 = arith.maximumf %gather3A_324, %max3A_326 : vector<16xf32>
          %min3A_328 = arith.constant 1.000000e+00 : f32
          %min3A_329 = vector.broadcast %min3A_328 : f32 to vector<16xf32>
          %min3A_330 = arith.minimumf %max3A_327, %min3A_329 : vector<16xf32>
          %broadcast_in_dim3A_331 = arith.constant 0 : i32
          %broadcast_in_dim3A_332 = vector.broadcast %broadcast_in_dim3A_331 : i32 to vector<16xi32>
          %add3A_333 = vector.broadcast %scan3A_238 : i32 to vector<16xi32>
          %add3A_334 = arith.addi %broadcast_in_dim3A_332, %add3A_333 : vector<16xi32>
          %broadcast_in_dim3A_335 = arith.constant 0 : i32
          %broadcast_in_dim3A_336 = vector.broadcast %broadcast_in_dim3A_335 : i32 to vector<16xi32>
          %add3A_337 = arith.constant 208 : i32
          %add3A_338 = vector.broadcast %add3A_337 : i32 to vector<16xi32>
          %add3A_339 = arith.addi %broadcast_in_dim3A_336, %add3A_338 : vector<16xi32>
          %select_n3A_340 = arith.select %eq3A_1, %add3A_334, %add3A_339 : vector<16xi1>, vector<16xi32>
          tpu.vector_store_idx %arg28[%select_n3A_340], %min3A_330 : memref<224xf32, #tpu.memory_space<vmem>>[vector<16xi32>], vector<16xf32>,
          %mul3A_341 = arith.constant 1040 : i32
          %mul3A_342 = arith.muli %min3A, %mul3A_341 : i32
          %add3A_343 = arith.constant 416 : i32
          %add3A_344 = arith.addi %mul3A_342, %add3A_343 : i32
          %broadcast_in_dim3A_345 = arith.constant 0 : i32
          %broadcast_in_dim3A_346 = vector.broadcast %broadcast_in_dim3A_345 : i32 to vector<16xi32>
          %add3A_347 = vector.broadcast %add3A_344 : i32 to vector<16xi32>
          %add3A_348 = arith.addi %broadcast_in_dim3A_346, %add3A_347 : vector<16xi32>
          %add3A_349 = arith.addi %add3A_348, %gather3A_285 : vector<16xi32>
          %gather3A_350 = tpu.vector_load_idx %arg23[%add3A_349] : memref<21840xf32, #tpu.memory_space<vmem>>[vector<16xi32>], vector<16xf32>,
          %max3A_351 = arith.constant 0.000000e+00 : f32
          %max3A_352 = vector.broadcast %max3A_351 : f32 to vector<16xf32>
          %max3A_353 = arith.maximumf %gather3A_350, %max3A_352 : vector<16xf32>
          %min3A_354 = arith.constant 1.000000e+00 : f32
          %min3A_355 = vector.broadcast %min3A_354 : f32 to vector<16xf32>
          %min3A_356 = arith.minimumf %max3A_353, %min3A_355 : vector<16xf32>
          %broadcast_in_dim3A_357 = arith.constant 0 : i32
          %broadcast_in_dim3A_358 = vector.broadcast %broadcast_in_dim3A_357 : i32 to vector<16xi32>
          %add3A_359 = vector.broadcast %scan3A_238 : i32 to vector<16xi32>
          %add3A_360 = arith.addi %broadcast_in_dim3A_358, %add3A_359 : vector<16xi32>
          %broadcast_in_dim3A_361 = arith.constant 0 : i32
          %broadcast_in_dim3A_362 = vector.broadcast %broadcast_in_dim3A_361 : i32 to vector<16xi32>
          %add3A_363 = arith.constant 208 : i32
          %add3A_364 = vector.broadcast %add3A_363 : i32 to vector<16xi32>
          %add3A_365 = arith.addi %broadcast_in_dim3A_362, %add3A_364 : vector<16xi32>
          %select_n3A_366 = arith.select %eq3A_1, %add3A_360, %add3A_365 : vector<16xi1>, vector<16xi32>
          tpu.vector_store_idx %arg29[%select_n3A_366], %min3A_356 : memref<224xf32, #tpu.memory_space<vmem>>[vector<16xi32>], vector<16xf32>,
          %mul3A_367 = arith.constant 1040 : i32
          %mul3A_368 = arith.muli %min3A, %mul3A_367 : i32
          %add3A_369 = arith.constant 624 : i32
          %add3A_370 = arith.addi %mul3A_368, %add3A_369 : i32
          %broadcast_in_dim3A_371 = arith.constant 0 : i32
          %broadcast_in_dim3A_372 = vector.broadcast %broadcast_in_dim3A_371 : i32 to vector<16xi32>
          %add3A_373 = vector.broadcast %add3A_370 : i32 to vector<16xi32>
          %add3A_374 = arith.addi %broadcast_in_dim3A_372, %add3A_373 : vector<16xi32>
          %add3A_375 = arith.addi %add3A_374, %gather3A_285 : vector<16xi32>
          %gather3A_376 = tpu.vector_load_idx %arg23[%add3A_375] : memref<21840xf32, #tpu.memory_space<vmem>>[vector<16xi32>], vector<16xf32>,
          %max3A_377 = arith.constant 0.000000e+00 : f32
          %max3A_378 = vector.broadcast %max3A_377 : f32 to vector<16xf32>
          %max3A_379 = arith.maximumf %gather3A_376, %max3A_378 : vector<16xf32>
          %min3A_380 = arith.constant 1.000000e+00 : f32
          %min3A_381 = vector.broadcast %min3A_380 : f32 to vector<16xf32>
          %min3A_382 = arith.minimumf %max3A_379, %min3A_381 : vector<16xf32>
          %broadcast_in_dim3A_383 = arith.constant 0 : i32
          %broadcast_in_dim3A_384 = vector.broadcast %broadcast_in_dim3A_383 : i32 to vector<16xi32>
          %add3A_385 = vector.broadcast %scan3A_238 : i32 to vector<16xi32>
          %add3A_386 = arith.addi %broadcast_in_dim3A_384, %add3A_385 : vector<16xi32>
          %broadcast_in_dim3A_387 = arith.constant 0 : i32
          %broadcast_in_dim3A_388 = vector.broadcast %broadcast_in_dim3A_387 : i32 to vector<16xi32>
          %add3A_389 = arith.constant 208 : i32
          %add3A_390 = vector.broadcast %add3A_389 : i32 to vector<16xi32>
          %add3A_391 = arith.addi %broadcast_in_dim3A_388, %add3A_390 : vector<16xi32>
          %select_n3A_392 = arith.select %eq3A_1, %add3A_386, %add3A_391 : vector<16xi1>, vector<16xi32>
          tpu.vector_store_idx %arg30[%select_n3A_392], %min3A_382 : memref<224xf32, #tpu.memory_space<vmem>>[vector<16xi32>], vector<16xf32>,
          %mul3A_393 = arith.constant 1040 : i32
          %mul3A_394 = arith.muli %min3A, %mul3A_393 : i32
          %add3A_395 = arith.constant 832 : i32
          %add3A_396 = arith.addi %mul3A_394, %add3A_395 : i32
          %broadcast_in_dim3A_397 = arith.constant 0 : i32
          %broadcast_in_dim3A_398 = vector.broadcast %broadcast_in_dim3A_397 : i32 to vector<16xi32>
          %add3A_399 = vector.broadcast %add3A_396 : i32 to vector<16xi32>
          %add3A_400 = arith.addi %broadcast_in_dim3A_398, %add3A_399 : vector<16xi32>
          %add3A_401 = arith.addi %add3A_400, %gather3A_285 : vector<16xi32>
          %gather3A_402 = tpu.vector_load_idx %arg23[%add3A_401] : memref<21840xf32, #tpu.memory_space<vmem>>[vector<16xi32>], vector<16xf32>,
          %max3A_403 = arith.constant 0.000000e+00 : f32
          %max3A_404 = vector.broadcast %max3A_403 : f32 to vector<16xf32>
          %max3A_405 = arith.maximumf %gather3A_402, %max3A_404 : vector<16xf32>
          %min3A_406 = arith.constant 1.000000e+00 : f32
          %min3A_407 = vector.broadcast %min3A_406 : f32 to vector<16xf32>
          %min3A_408 = arith.minimumf %max3A_405, %min3A_407 : vector<16xf32>
          %broadcast_in_dim3A_409 = arith.constant 0 : i32
          %broadcast_in_dim3A_410 = vector.broadcast %broadcast_in_dim3A_409 : i32 to vector<16xi32>
          %add3A_411 = vector.broadcast %scan3A_238 : i32 to vector<16xi32>
          %add3A_412 = arith.addi %broadcast_in_dim3A_410, %add3A_411 : vector<16xi32>
          %broadcast_in_dim3A_413 = arith.constant 0 : i32
          %broadcast_in_dim3A_414 = vector.broadcast %broadcast_in_dim3A_413 : i32 to vector<16xi32>
          %add3A_415 = arith.constant 208 : i32
          %add3A_416 = vector.broadcast %add3A_415 : i32 to vector<16xi32>
          %add3A_417 = arith.addi %broadcast_in_dim3A_414, %add3A_416 : vector<16xi32>
          %select_n3A_418 = arith.select %eq3A_1, %add3A_412, %add3A_417 : vector<16xi1>, vector<16xi32>
          tpu.vector_store_idx %arg31[%select_n3A_418], %min3A_408 : memref<224xf32, #tpu.memory_space<vmem>>[vector<16xi32>], vector<16xf32>,
          %mul3A_419 = arith.constant 1040 : i32
          %mul3A_420 = arith.muli %min3A, %mul3A_419 : i32
          %broadcast_in_dim3A_421 = arith.constant 0 : i32
          %broadcast_in_dim3A_422 = vector.broadcast %broadcast_in_dim3A_421 : i32 to vector<16xi32>
          %add3A_423 = vector.broadcast %mul3A_420 : i32 to vector<16xi32>
          %add3A_424 = arith.addi %broadcast_in_dim3A_422, %add3A_423 : vector<16xi32>
          %add3A_425 = arith.addi %add3A_424, %gather3A_285 : vector<16xi32>
          %add3A_426 = arith.constant 1 : i32
          %add3A_427 = vector.broadcast %add3A_426 : i32 to vector<16xi32>
          %add3A_428 = arith.addi %add3A_425, %add3A_427 : vector<16xi32>
          %gather3A_429 = tpu.vector_load_idx %arg23[%add3A_428] : memref<21840xf32, #tpu.memory_space<vmem>>[vector<16xi32>], vector<16xf32>,
          %broadcast_in_dim3A_430 = arith.constant 0 : i32
          %broadcast_in_dim3A_431 = vector.broadcast %broadcast_in_dim3A_430 : i32 to vector<16xi32>
          %add3A_432 = vector.broadcast %min3A : i32 to vector<16xi32>
          %add3A_433 = arith.addi %broadcast_in_dim3A_431, %add3A_432 : vector<16xi32>
          %broadcast_in_dim3A_434 = arith.constant 0 : i32
          %broadcast_in_dim3A_435 = vector.broadcast %broadcast_in_dim3A_434 : i32 to vector<16xi32>
          %add3A_436 = arith.constant 32 : i32
          %add3A_437 = vector.broadcast %add3A_436 : i32 to vector<16xi32>
          %add3A_438 = arith.addi %broadcast_in_dim3A_435, %add3A_437 : vector<16xi32>
          %select_n3A_439 = arith.select %eq3A_1, %add3A_433, %add3A_438 : vector<16xi1>, vector<16xi32>
          tpu.vector_store_idx %arg24[%select_n3A_439], %gather3A_429 : memref<48xf32, #tpu.memory_space<vmem>>[vector<16xi32>], vector<16xf32>,
          %add3A_440 = arith.constant 1 : i32
          %add3A_441 = vector.broadcast %add3A_440 : i32 to vector<16xi32>
          %add3A_442 = arith.addi %gather3A_285, %add3A_441 : vector<16xi32>
          %broadcast_in_dim3A_443 = arith.constant 0 : i32
          %broadcast_in_dim3A_444 = vector.broadcast %broadcast_in_dim3A_443 : i32 to vector<16xi32>
          %add3A_445 = vector.broadcast %min3A : i32 to vector<16xi32>
          %add3A_446 = arith.addi %broadcast_in_dim3A_444, %add3A_445 : vector<16xi32>
          %broadcast_in_dim3A_447 = arith.constant 0 : i32
          %broadcast_in_dim3A_448 = vector.broadcast %broadcast_in_dim3A_447 : i32 to vector<16xi32>
          %add3A_449 = arith.constant 32 : i32
          %add3A_450 = vector.broadcast %add3A_449 : i32 to vector<16xi32>
          %add3A_451 = arith.addi %broadcast_in_dim3A_448, %add3A_450 : vector<16xi32>
          %select_n3A_452 = arith.select %eq3A_1, %add3A_446, %add3A_451 : vector<16xi1>, vector<16xi32>
          tpu.vector_store_idx %arg25[%select_n3A_452], %add3A_442 : memref<48xi32, #tpu.memory_space<vmem>>[vector<16xi32>], vector<16xi32>,
        } else {
        }
      }
      %scan3A_209 = arith.constant 200 : i32
      %mul3A_210 = arith.constant 208 : i32
      %mul3A_211 = arith.muli %add3A, %mul3A_210 : i32
      "tpu.region"() ({
        %run_scoped3A = tpu.sem_alloc : memref<!tpu.dma_semaphore, #tpu.memory_space<semaphore_mem>>
        %dma_start3A = arith.constant 0 : i32
        %dma_start3A_238 = tpu.memref_slice %arg26[%dma_start3A] : memref<224xf32, #tpu.memory_space<vmem>> -> memref<208xf32, #tpu.memory_space<vmem>>
        %dma_start3A_239 = tpu.memref_slice %arg5[%mul3A_211] : memref<832xf32, #tpu.memory_space<hbm>> -> memref<208xf32, #tpu.memory_space<hbm>>
        %dma_start3A_240 = tpu.memref_slice %arg5[%mul3A_211] : memref<832xf32, #tpu.memory_space<hbm>> -> memref<208xf32, #tpu.memory_space<hbm>>
        %dma_start3A_241 = arith.constant 0 : i32
        %dma_start3A_242 = tpu.memref_slice %arg26[%dma_start3A_241] : memref<224xf32, #tpu.memory_space<vmem>> -> memref<208xf32, #tpu.memory_space<vmem>>
        tpu.enqueue_dma source(%dma_start3A_242 : memref<208xf32, #tpu.memory_space<vmem>>) target(%dma_start3A_240 : memref<208xf32, #tpu.memory_space<hbm>>) target_semaphore(%run_scoped3A : memref<!tpu.dma_semaphore, #tpu.memory_space<semaphore_mem>>)
        %dma_wait3A = arith.constant 0 : i32
        %dma_wait3A_243 = tpu.memref_slice %arg26[%dma_wait3A] : memref<224xf32, #tpu.memory_space<vmem>> -> memref<208xf32, #tpu.memory_space<vmem>>
        %dma_wait3A_244 = tpu.memref_slice %arg5[%mul3A_211] : memref<832xf32, #tpu.memory_space<hbm>> -> memref<208xf32, #tpu.memory_space<hbm>>
        %dma_wait3A_245 = tpu.memref_slice %arg5[%mul3A_211] : memref<832xf32, #tpu.memory_space<hbm>> -> memref<208xf32, #tpu.memory_space<hbm>>
        %dma_wait3A_246 = arith.constant 0 : i32
        %dma_wait3A_247 = tpu.memref_slice %arg26[%dma_wait3A_246] : memref<224xf32, #tpu.memory_space<vmem>> -> memref<208xf32, #tpu.memory_space<vmem>>
        tpu.wait_dma2 semaphore(%run_scoped3A : memref<!tpu.dma_semaphore, #tpu.memory_space<semaphore_mem>>) src(%dma_wait3A_247 : memref<208xf32, #tpu.memory_space<vmem>>) dst(%dma_wait3A_245 : memref<208xf32, #tpu.memory_space<hbm>>)
        tpu.yield
      }) : () -> ()
      %mul3A_212 = arith.constant 208 : i32
      %mul3A_213 = arith.muli %add3A, %mul3A_212 : i32
      "tpu.region"() ({
        %run_scoped3A = tpu.sem_alloc : memref<!tpu.dma_semaphore, #tpu.memory_space<semaphore_mem>>
        %dma_start3A = arith.constant 0 : i32
        %dma_start3A_238 = tpu.memref_slice %arg27[%dma_start3A] : memref<224xf32, #tpu.memory_space<vmem>> -> memref<208xf32, #tpu.memory_space<vmem>>
        %dma_start3A_239 = tpu.memref_slice %arg6[%mul3A_213] : memref<832xf32, #tpu.memory_space<hbm>> -> memref<208xf32, #tpu.memory_space<hbm>>
        %dma_start3A_240 = tpu.memref_slice %arg6[%mul3A_213] : memref<832xf32, #tpu.memory_space<hbm>> -> memref<208xf32, #tpu.memory_space<hbm>>
        %dma_start3A_241 = arith.constant 0 : i32
        %dma_start3A_242 = tpu.memref_slice %arg27[%dma_start3A_241] : memref<224xf32, #tpu.memory_space<vmem>> -> memref<208xf32, #tpu.memory_space<vmem>>
        tpu.enqueue_dma source(%dma_start3A_242 : memref<208xf32, #tpu.memory_space<vmem>>) target(%dma_start3A_240 : memref<208xf32, #tpu.memory_space<hbm>>) target_semaphore(%run_scoped3A : memref<!tpu.dma_semaphore, #tpu.memory_space<semaphore_mem>>)
        %dma_wait3A = arith.constant 0 : i32
        %dma_wait3A_243 = tpu.memref_slice %arg27[%dma_wait3A] : memref<224xf32, #tpu.memory_space<vmem>> -> memref<208xf32, #tpu.memory_space<vmem>>
        %dma_wait3A_244 = tpu.memref_slice %arg6[%mul3A_213] : memref<832xf32, #tpu.memory_space<hbm>> -> memref<208xf32, #tpu.memory_space<hbm>>
        %dma_wait3A_245 = tpu.memref_slice %arg6[%mul3A_213] : memref<832xf32, #tpu.memory_space<hbm>> -> memref<208xf32, #tpu.memory_space<hbm>>
        %dma_wait3A_246 = arith.constant 0 : i32
        %dma_wait3A_247 = tpu.memref_slice %arg27[%dma_wait3A_246] : memref<224xf32, #tpu.memory_space<vmem>> -> memref<208xf32, #tpu.memory_space<vmem>>
        tpu.wait_dma2 semaphore(%run_scoped3A : memref<!tpu.dma_semaphore, #tpu.memory_space<semaphore_mem>>) src(%dma_wait3A_247 : memref<208xf32, #tpu.memory_space<vmem>>) dst(%dma_wait3A_245 : memref<208xf32, #tpu.memory_space<hbm>>)
        tpu.yield
      }) : () -> ()
      %mul3A_214 = arith.constant 4 : i32
      %mul3A_215 = arith.muli %add3A, %mul3A_214 : i32
      %add3A_216 = arith.constant 0 : i32
      %add3A_217 = arith.addi %mul3A_215, %add3A_216 : i32
      %mul3A_218 = arith.constant 208 : i32
      %mul3A_219 = arith.muli %add3A_217, %mul3A_218 : i32
      "tpu.region"() ({
        %run_scoped3A = tpu.sem_alloc : memref<!tpu.dma_semaphore, #tpu.memory_space<semaphore_mem>>
        %dma_start3A = arith.constant 0 : i32
        %dma_start3A_238 = tpu.memref_slice %arg28[%dma_start3A] : memref<224xf32, #tpu.memory_space<vmem>> -> memref<208xf32, #tpu.memory_space<vmem>>
        %dma_start3A_239 = tpu.memref_slice %arg4[%mul3A_219] : memref<3328xf32, #tpu.memory_space<hbm>> -> memref<208xf32, #tpu.memory_space<hbm>>
        %dma_start3A_240 = tpu.memref_slice %arg4[%mul3A_219] : memref<3328xf32, #tpu.memory_space<hbm>> -> memref<208xf32, #tpu.memory_space<hbm>>
        %dma_start3A_241 = arith.constant 0 : i32
        %dma_start3A_242 = tpu.memref_slice %arg28[%dma_start3A_241] : memref<224xf32, #tpu.memory_space<vmem>> -> memref<208xf32, #tpu.memory_space<vmem>>
        tpu.enqueue_dma source(%dma_start3A_242 : memref<208xf32, #tpu.memory_space<vmem>>) target(%dma_start3A_240 : memref<208xf32, #tpu.memory_space<hbm>>) target_semaphore(%run_scoped3A : memref<!tpu.dma_semaphore, #tpu.memory_space<semaphore_mem>>)
        %dma_wait3A = arith.constant 0 : i32
        %dma_wait3A_243 = tpu.memref_slice %arg28[%dma_wait3A] : memref<224xf32, #tpu.memory_space<vmem>> -> memref<208xf32, #tpu.memory_space<vmem>>
        %dma_wait3A_244 = tpu.memref_slice %arg4[%mul3A_219] : memref<3328xf32, #tpu.memory_space<hbm>> -> memref<208xf32, #tpu.memory_space<hbm>>
        %dma_wait3A_245 = tpu.memref_slice %arg4[%mul3A_219] : memref<3328xf32, #tpu.memory_space<hbm>> -> memref<208xf32, #tpu.memory_space<hbm>>
        %dma_wait3A_246 = arith.constant 0 : i32
        %dma_wait3A_247 = tpu.memref_slice %arg28[%dma_wait3A_246] : memref<224xf32, #tpu.memory_space<vmem>> -> memref<208xf32, #tpu.memory_space<vmem>>
        tpu.wait_dma2 semaphore(%run_scoped3A : memref<!tpu.dma_semaphore, #tpu.memory_space<semaphore_mem>>) src(%dma_wait3A_247 : memref<208xf32, #tpu.memory_space<vmem>>) dst(%dma_wait3A_245 : memref<208xf32, #tpu.memory_space<hbm>>)
        tpu.yield
      }) : () -> ()
      %mul3A_220 = arith.constant 4 : i32
      %mul3A_221 = arith.muli %add3A, %mul3A_220 : i32
      %add3A_222 = arith.constant 1 : i32
      %add3A_223 = arith.addi %mul3A_221, %add3A_222 : i32
      %mul3A_224 = arith.constant 208 : i32
      %mul3A_225 = arith.muli %add3A_223, %mul3A_224 : i32
      "tpu.region"() ({
        %run_scoped3A = tpu.sem_alloc : memref<!tpu.dma_semaphore, #tpu.memory_space<semaphore_mem>>
        %dma_start3A = arith.constant 0 : i32
        %dma_start3A_238 = tpu.memref_slice %arg29[%dma_start3A] : memref<224xf32, #tpu.memory_space<vmem>> -> memref<208xf32, #tpu.memory_space<vmem>>
        %dma_start3A_239 = tpu.memref_slice %arg4[%mul3A_225] : memref<3328xf32, #tpu.memory_space<hbm>> -> memref<208xf32, #tpu.memory_space<hbm>>
        %dma_start3A_240 = tpu.memref_slice %arg4[%mul3A_225] : memref<3328xf32, #tpu.memory_space<hbm>> -> memref<208xf32, #tpu.memory_space<hbm>>
        %dma_start3A_241 = arith.constant 0 : i32
        %dma_start3A_242 = tpu.memref_slice %arg29[%dma_start3A_241] : memref<224xf32, #tpu.memory_space<vmem>> -> memref<208xf32, #tpu.memory_space<vmem>>
        tpu.enqueue_dma source(%dma_start3A_242 : memref<208xf32, #tpu.memory_space<vmem>>) target(%dma_start3A_240 : memref<208xf32, #tpu.memory_space<hbm>>) target_semaphore(%run_scoped3A : memref<!tpu.dma_semaphore, #tpu.memory_space<semaphore_mem>>)
        %dma_wait3A = arith.constant 0 : i32
        %dma_wait3A_243 = tpu.memref_slice %arg29[%dma_wait3A] : memref<224xf32, #tpu.memory_space<vmem>> -> memref<208xf32, #tpu.memory_space<vmem>>
        %dma_wait3A_244 = tpu.memref_slice %arg4[%mul3A_225] : memref<3328xf32, #tpu.memory_space<hbm>> -> memref<208xf32, #tpu.memory_space<hbm>>
        %dma_wait3A_245 = tpu.memref_slice %arg4[%mul3A_225] : memref<3328xf32, #tpu.memory_space<hbm>> -> memref<208xf32, #tpu.memory_space<hbm>>
        %dma_wait3A_246 = arith.constant 0 : i32
        %dma_wait3A_247 = tpu.memref_slice %arg29[%dma_wait3A_246] : memref<224xf32, #tpu.memory_space<vmem>> -> memref<208xf32, #tpu.memory_space<vmem>>
        tpu.wait_dma2 semaphore(%run_scoped3A : memref<!tpu.dma_semaphore, #tpu.memory_space<semaphore_mem>>) src(%dma_wait3A_247 : memref<208xf32, #tpu.memory_space<vmem>>) dst(%dma_wait3A_245 : memref<208xf32, #tpu.memory_space<hbm>>)
        tpu.yield
      }) : () -> ()
      %mul3A_226 = arith.constant 4 : i32
      %mul3A_227 = arith.muli %add3A, %mul3A_226 : i32
      %add3A_228 = arith.constant 2 : i32
      %add3A_229 = arith.addi %mul3A_227, %add3A_228 : i32
      %mul3A_230 = arith.constant 208 : i32
      %mul3A_231 = arith.muli %add3A_229, %mul3A_230 : i32
      "tpu.region"() ({
        %run_scoped3A = tpu.sem_alloc : memref<!tpu.dma_semaphore, #tpu.memory_space<semaphore_mem>>
        %dma_start3A = arith.constant 0 : i32
        %dma_start3A_238 = tpu.memref_slice %arg30[%dma_start3A] : memref<224xf32, #tpu.memory_space<vmem>> -> memref<208xf32, #tpu.memory_space<vmem>>
        %dma_start3A_239 = tpu.memref_slice %arg4[%mul3A_231] : memref<3328xf32, #tpu.memory_space<hbm>> -> memref<208xf32, #tpu.memory_space<hbm>>
        %dma_start3A_240 = tpu.memref_slice %arg4[%mul3A_231] : memref<3328xf32, #tpu.memory_space<hbm>> -> memref<208xf32, #tpu.memory_space<hbm>>
        %dma_start3A_241 = arith.constant 0 : i32
        %dma_start3A_242 = tpu.memref_slice %arg30[%dma_start3A_241] : memref<224xf32, #tpu.memory_space<vmem>> -> memref<208xf32, #tpu.memory_space<vmem>>
        tpu.enqueue_dma source(%dma_start3A_242 : memref<208xf32, #tpu.memory_space<vmem>>) target(%dma_start3A_240 : memref<208xf32, #tpu.memory_space<hbm>>) target_semaphore(%run_scoped3A : memref<!tpu.dma_semaphore, #tpu.memory_space<semaphore_mem>>)
        %dma_wait3A = arith.constant 0 : i32
        %dma_wait3A_243 = tpu.memref_slice %arg30[%dma_wait3A] : memref<224xf32, #tpu.memory_space<vmem>> -> memref<208xf32, #tpu.memory_space<vmem>>
        %dma_wait3A_244 = tpu.memref_slice %arg4[%mul3A_231] : memref<3328xf32, #tpu.memory_space<hbm>> -> memref<208xf32, #tpu.memory_space<hbm>>
        %dma_wait3A_245 = tpu.memref_slice %arg4[%mul3A_231] : memref<3328xf32, #tpu.memory_space<hbm>> -> memref<208xf32, #tpu.memory_space<hbm>>
        %dma_wait3A_246 = arith.constant 0 : i32
        %dma_wait3A_247 = tpu.memref_slice %arg30[%dma_wait3A_246] : memref<224xf32, #tpu.memory_space<vmem>> -> memref<208xf32, #tpu.memory_space<vmem>>
        tpu.wait_dma2 semaphore(%run_scoped3A : memref<!tpu.dma_semaphore, #tpu.memory_space<semaphore_mem>>) src(%dma_wait3A_247 : memref<208xf32, #tpu.memory_space<vmem>>) dst(%dma_wait3A_245 : memref<208xf32, #tpu.memory_space<hbm>>)
        tpu.yield
      }) : () -> ()
      %mul3A_232 = arith.constant 4 : i32
      %mul3A_233 = arith.muli %add3A, %mul3A_232 : i32
      %add3A_234 = arith.constant 3 : i32
      %add3A_235 = arith.addi %mul3A_233, %add3A_234 : i32
      %mul3A_236 = arith.constant 208 : i32
      %mul3A_237 = arith.muli %add3A_235, %mul3A_236 : i32
      "tpu.region"() ({
        %run_scoped3A = tpu.sem_alloc : memref<!tpu.dma_semaphore, #tpu.memory_space<semaphore_mem>>
        %dma_start3A = arith.constant 0 : i32
        %dma_start3A_238 = tpu.memref_slice %arg31[%dma_start3A] : memref<224xf32, #tpu.memory_space<vmem>> -> memref<208xf32, #tpu.memory_space<vmem>>
        %dma_start3A_239 = tpu.memref_slice %arg4[%mul3A_237] : memref<3328xf32, #tpu.memory_space<hbm>> -> memref<208xf32, #tpu.memory_space<hbm>>
        %dma_start3A_240 = tpu.memref_slice %arg4[%mul3A_237] : memref<3328xf32, #tpu.memory_space<hbm>> -> memref<208xf32, #tpu.memory_space<hbm>>
        %dma_start3A_241 = arith.constant 0 : i32
        %dma_start3A_242 = tpu.memref_slice %arg31[%dma_start3A_241] : memref<224xf32, #tpu.memory_space<vmem>> -> memref<208xf32, #tpu.memory_space<vmem>>
        tpu.enqueue_dma source(%dma_start3A_242 : memref<208xf32, #tpu.memory_space<vmem>>) target(%dma_start3A_240 : memref<208xf32, #tpu.memory_space<hbm>>) target_semaphore(%run_scoped3A : memref<!tpu.dma_semaphore, #tpu.memory_space<semaphore_mem>>)
        %dma_wait3A = arith.constant 0 : i32
        %dma_wait3A_243 = tpu.memref_slice %arg31[%dma_wait3A] : memref<224xf32, #tpu.memory_space<vmem>> -> memref<208xf32, #tpu.memory_space<vmem>>
        %dma_wait3A_244 = tpu.memref_slice %arg4[%mul3A_237] : memref<3328xf32, #tpu.memory_space<hbm>> -> memref<208xf32, #tpu.memory_space<hbm>>
        %dma_wait3A_245 = tpu.memref_slice %arg4[%mul3A_237] : memref<3328xf32, #tpu.memory_space<hbm>> -> memref<208xf32, #tpu.memory_space<hbm>>
        %dma_wait3A_246 = arith.constant 0 : i32
        %dma_wait3A_247 = tpu.memref_slice %arg31[%dma_wait3A_246] : memref<224xf32, #tpu.memory_space<vmem>> -> memref<208xf32, #tpu.memory_space<vmem>>
        tpu.wait_dma2 semaphore(%run_scoped3A : memref<!tpu.dma_semaphore, #tpu.memory_space<semaphore_mem>>) src(%dma_wait3A_247 : memref<208xf32, #tpu.memory_space<vmem>>) dst(%dma_wait3A_245 : memref<208xf32, #tpu.memory_space<hbm>>)
        tpu.yield
      }) : () -> ()
    } else {
    }
    return
  }
}

module attributes {stable_mosaic.version = 14 : i64} {
  func.func @_decode_body(%arg0: memref<4x4x1024xf32, #tpu.memory_space<vmem>>, %arg1: memref<4x21x4x1024xf32, #tpu.memory_space<vmem>>, %arg2: memref<4x21x1024xf32, #tpu.memory_space<vmem>>, %arg3: memref<4x21x1024xf32, #tpu.memory_space<vmem>>, %arg4: memref<4x21x4x1024xf32, #tpu.memory_space<vmem>>) attributes {dimension_semantics = [], scalar_prefetch = 0 : i64, scratch_operands = 0 : i64, tpu.core_type = #tpu.core_type<tc>} {
    %get3A = arith.constant 0 : index
    %get3A_0 = arith.constant 0 : index
    %get3A_1 = arith.constant 0 : index
    %get3A_2 = vector.load %arg0[%get3A, %get3A_0, %get3A_1] : memref<4x4x1024xf32, #tpu.memory_space<vmem>>, vector<4x4x1024xf32>
    %slice3A = vector.extract_strided_slice %get3A_2 {offsets = [0, 3, 0], sizes = [4, 1, 1024], strides = [1, 1, 1]} : vector<4x4x1024xf32> to vector<4x1x1024xf32>
    %squeeze3A = vector.shape_cast %slice3A : vector<4x1x1024xf32> to vector<4x1024xf32>
    %slice3A_3 = vector.extract_strided_slice %get3A_2 {offsets = [0, 1, 0], sizes = [4, 1, 1024], strides = [1, 1, 1]} : vector<4x4x1024xf32> to vector<4x1x1024xf32>
    %squeeze3A_4 = vector.shape_cast %slice3A_3 : vector<4x1x1024xf32> to vector<4x1024xf32>
    %sub3A = arith.subf %squeeze3A, %squeeze3A_4 : vector<4x1024xf32>
    %slice3A_5 = vector.extract_strided_slice %get3A_2 {offsets = [0, 2, 0], sizes = [4, 1, 1024], strides = [1, 1, 1]} : vector<4x4x1024xf32> to vector<4x1x1024xf32>
    %squeeze3A_6 = vector.shape_cast %slice3A_5 : vector<4x1x1024xf32> to vector<4x1024xf32>
    %slice3A_7 = vector.extract_strided_slice %get3A_2 {offsets = [0, 0, 0], sizes = [4, 1, 1024], strides = [1, 1, 1]} : vector<4x4x1024xf32> to vector<4x1x1024xf32>
    %squeeze3A_8 = vector.shape_cast %slice3A_7 : vector<4x1x1024xf32> to vector<4x1024xf32>
    %sub3A_9 = arith.subf %squeeze3A_6, %squeeze3A_8 : vector<4x1024xf32>
    %slice3A_10 = vector.extract_strided_slice %get3A_2 {offsets = [0, 1, 0], sizes = [4, 1, 1024], strides = [1, 1, 1]} : vector<4x4x1024xf32> to vector<4x1x1024xf32>
    %squeeze3A_11 = vector.shape_cast %slice3A_10 : vector<4x1x1024xf32> to vector<4x1024xf32>
    %mul3A = arith.constant 5.000000e-01 : f32
    %mul3A_12 = vector.broadcast %mul3A : f32 to vector<4x1024xf32>
    %mul3A_13 = arith.mulf %mul3A_12, %sub3A : vector<4x1024xf32>
    %add3A = arith.addf %squeeze3A_11, %mul3A_13 : vector<4x1024xf32>
    %slice3A_14 = vector.extract_strided_slice %get3A_2 {offsets = [0, 0, 0], sizes = [4, 1, 1024], strides = [1, 1, 1]} : vector<4x4x1024xf32> to vector<4x1x1024xf32>
    %squeeze3A_15 = vector.shape_cast %slice3A_14 : vector<4x1x1024xf32> to vector<4x1024xf32>
    %mul3A_16 = arith.constant 5.000000e-01 : f32
    %mul3A_17 = vector.broadcast %mul3A_16 : f32 to vector<4x1024xf32>
    %mul3A_18 = arith.mulf %mul3A_17, %sub3A_9 : vector<4x1024xf32>
    %add3A_19 = arith.addf %squeeze3A_15, %mul3A_18 : vector<4x1024xf32>
    %get3A_20 = arith.constant 0 : index
    %get3A_21 = arith.constant 0 : index
    %get3A_22 = arith.constant 0 : index
    %get3A_23 = arith.constant 0 : index
    %get3A_24 = vector.load %arg1[%get3A_20, %get3A_21, %get3A_22, %get3A_23] : memref<4x21x4x1024xf32, #tpu.memory_space<vmem>>, vector<4x21x4x1024xf32>
    %slice3A_25 = vector.extract_strided_slice %get3A_24 {offsets = [0, 0, 0, 0], sizes = [4, 21, 1, 1024], strides = [1, 1, 1, 1]} : vector<4x21x4x1024xf32> to vector<4x21x1x1024xf32>
    %squeeze3A_26 = vector.shape_cast %slice3A_25 : vector<4x21x1x1024xf32> to vector<4x21x1024xf32>
    %mul3A_27 = arith.constant 1.000000e-01 : f32
    %mul3A_28 = vector.broadcast %mul3A_27 : f32 to vector<4x21x1024xf32>
    %mul3A_29 = arith.mulf %squeeze3A_26, %mul3A_28 : vector<4x21x1024xf32>
    %slice3A_30 = vector.extract_strided_slice %get3A_24 {offsets = [0, 0, 1, 0], sizes = [4, 21, 1, 1024], strides = [1, 1, 1, 1]} : vector<4x21x4x1024xf32> to vector<4x21x1x1024xf32>
    %squeeze3A_31 = vector.shape_cast %slice3A_30 : vector<4x21x1x1024xf32> to vector<4x21x1024xf32>
    %mul3A_32 = arith.constant 1.000000e-01 : f32
    %mul3A_33 = vector.broadcast %mul3A_32 : f32 to vector<4x21x1024xf32>
    %mul3A_34 = arith.mulf %squeeze3A_31, %mul3A_33 : vector<4x21x1024xf32>
    %slice3A_35 = vector.extract_strided_slice %get3A_24 {offsets = [0, 0, 2, 0], sizes = [4, 21, 1, 1024], strides = [1, 1, 1, 1]} : vector<4x21x4x1024xf32> to vector<4x21x1x1024xf32>
    %squeeze3A_36 = vector.shape_cast %slice3A_35 : vector<4x21x1x1024xf32> to vector<4x21x1024xf32>
    %mul3A_37 = arith.constant 2.000000e-01 : f32
    %mul3A_38 = vector.broadcast %mul3A_37 : f32 to vector<4x21x1024xf32>
    %mul3A_39 = arith.mulf %squeeze3A_36, %mul3A_38 : vector<4x21x1024xf32>
    %slice3A_40 = vector.extract_strided_slice %get3A_24 {offsets = [0, 0, 3, 0], sizes = [4, 21, 1, 1024], strides = [1, 1, 1, 1]} : vector<4x21x4x1024xf32> to vector<4x21x1x1024xf32>
    %squeeze3A_41 = vector.shape_cast %slice3A_40 : vector<4x21x1x1024xf32> to vector<4x21x1024xf32>
    %mul3A_42 = arith.constant 2.000000e-01 : f32
    %mul3A_43 = vector.broadcast %mul3A_42 : f32 to vector<4x21x1024xf32>
    %mul3A_44 = arith.mulf %squeeze3A_41, %mul3A_43 : vector<4x21x1024xf32>
    %exp3A = math.exp %mul3A_44 : vector<4x21x1024xf32>
    %broadcast_in_dim3A = vector.shape_cast %sub3A : vector<4x1024xf32> to vector<4x1x1024xf32>
    %mul3A_45 = vector.broadcast %broadcast_in_dim3A : vector<4x1x1024xf32> to vector<4x21x1024xf32>
    %mul3A_46 = arith.mulf %exp3A, %mul3A_45 : vector<4x21x1024xf32>
    %exp3A_47 = math.exp %mul3A_39 : vector<4x21x1024xf32>
    %broadcast_in_dim3A_48 = vector.shape_cast %sub3A_9 : vector<4x1024xf32> to vector<4x1x1024xf32>
    %mul3A_49 = vector.broadcast %broadcast_in_dim3A_48 : vector<4x1x1024xf32> to vector<4x21x1024xf32>
    %mul3A_50 = arith.mulf %exp3A_47, %mul3A_49 : vector<4x21x1024xf32>
    %broadcast_in_dim3A_51 = vector.shape_cast %sub3A : vector<4x1024xf32> to vector<4x1x1024xf32>
    %mul3A_52 = vector.broadcast %broadcast_in_dim3A_51 : vector<4x1x1024xf32> to vector<4x21x1024xf32>
    %mul3A_53 = arith.mulf %mul3A_34, %mul3A_52 : vector<4x21x1024xf32>
    %broadcast_in_dim3A_54 = vector.shape_cast %add3A : vector<4x1024xf32> to vector<4x1x1024xf32>
    %add3A_55 = vector.broadcast %broadcast_in_dim3A_54 : vector<4x1x1024xf32> to vector<4x21x1024xf32>
    %add3A_56 = arith.addf %mul3A_53, %add3A_55 : vector<4x21x1024xf32>
    %broadcast_in_dim3A_57 = vector.shape_cast %sub3A_9 : vector<4x1024xf32> to vector<4x1x1024xf32>
    %mul3A_58 = vector.broadcast %broadcast_in_dim3A_57 : vector<4x1x1024xf32> to vector<4x21x1024xf32>
    %mul3A_59 = arith.mulf %mul3A_29, %mul3A_58 : vector<4x21x1024xf32>
    %broadcast_in_dim3A_60 = vector.shape_cast %add3A_19 : vector<4x1024xf32> to vector<4x1x1024xf32>
    %add3A_61 = vector.broadcast %broadcast_in_dim3A_60 : vector<4x1x1024xf32> to vector<4x21x1024xf32>
    %add3A_62 = arith.addf %mul3A_59, %add3A_61 : vector<4x21x1024xf32>
    %mul3A_63 = arith.constant 5.000000e-01 : f32
    %mul3A_64 = vector.broadcast %mul3A_63 : f32 to vector<4x21x1024xf32>
    %mul3A_65 = arith.mulf %mul3A_64, %mul3A_50 : vector<4x21x1024xf32>
    %sub3A_66 = arith.subf %add3A_62, %mul3A_65 : vector<4x21x1024xf32>
    %mul3A_67 = arith.constant 5.000000e-01 : f32
    %mul3A_68 = vector.broadcast %mul3A_67 : f32 to vector<4x21x1024xf32>
    %mul3A_69 = arith.mulf %mul3A_68, %mul3A_46 : vector<4x21x1024xf32>
    %sub3A_70 = arith.subf %add3A_56, %mul3A_69 : vector<4x21x1024xf32>
    %swap3A = arith.constant 0 : index
    %swap3A_71 = arith.constant 0 : index
    %swap3A_72 = arith.constant 0 : index
    %swap3A_73 = arith.constant 0 : index
    %swap3A_74 = vector.load %arg4[%swap3A, %swap3A_71, %swap3A_72, %swap3A_73] : memref<4x21x4x1024xf32, #tpu.memory_space<vmem>>, vector<4x21x1x1024xf32>
    %swap3A_75 = vector.shape_cast %swap3A_74 : vector<4x21x1x1024xf32> to vector<4x21x1024xf32>
    %swap3A_76 = vector.shape_cast %sub3A_66 : vector<4x21x1024xf32> to vector<4x21x1x1024xf32>
    tpu.vector_store %arg4[%swap3A, %swap3A_71, %swap3A_72, %swap3A_73], %swap3A_76 {strides = array<i32>} : memref<4x21x4x1024xf32, #tpu.memory_space<vmem>>, vector<4x21x1x1024xf32>,
    %swap3A_77 = arith.constant 0 : index
    %swap3A_78 = arith.constant 0 : index
    %swap3A_79 = arith.constant 1 : index
    %swap3A_80 = arith.constant 0 : index
    %swap3A_81 = vector.load %arg4[%swap3A_77, %swap3A_78, %swap3A_79, %swap3A_80] : memref<4x21x4x1024xf32, #tpu.memory_space<vmem>>, vector<4x21x1x1024xf32>
    %swap3A_82 = vector.shape_cast %swap3A_81 : vector<4x21x1x1024xf32> to vector<4x21x1024xf32>
    %swap3A_83 = vector.shape_cast %sub3A_70 : vector<4x21x1024xf32> to vector<4x21x1x1024xf32>
    tpu.vector_store %arg4[%swap3A_77, %swap3A_78, %swap3A_79, %swap3A_80], %swap3A_83 {strides = array<i32>} : memref<4x21x4x1024xf32, #tpu.memory_space<vmem>>, vector<4x21x1x1024xf32>,
    %add3A_84 = arith.addf %mul3A_50, %sub3A_66 : vector<4x21x1024xf32>
    %swap3A_85 = arith.constant 0 : index
    %swap3A_86 = arith.constant 0 : index
    %swap3A_87 = arith.constant 2 : index
    %swap3A_88 = arith.constant 0 : index
    %swap3A_89 = vector.load %arg4[%swap3A_85, %swap3A_86, %swap3A_87, %swap3A_88] : memref<4x21x4x1024xf32, #tpu.memory_space<vmem>>, vector<4x21x1x1024xf32>
    %swap3A_90 = vector.shape_cast %swap3A_89 : vector<4x21x1x1024xf32> to vector<4x21x1024xf32>
    %swap3A_91 = vector.shape_cast %add3A_84 : vector<4x21x1024xf32> to vector<4x21x1x1024xf32>
    tpu.vector_store %arg4[%swap3A_85, %swap3A_86, %swap3A_87, %swap3A_88], %swap3A_91 {strides = array<i32>} : memref<4x21x4x1024xf32, #tpu.memory_space<vmem>>, vector<4x21x1x1024xf32>,
    %add3A_92 = arith.addf %mul3A_46, %sub3A_70 : vector<4x21x1024xf32>
    %swap3A_93 = arith.constant 0 : index
    %swap3A_94 = arith.constant 0 : index
    %swap3A_95 = arith.constant 3 : index
    %swap3A_96 = arith.constant 0 : index
    %swap3A_97 = vector.load %arg4[%swap3A_93, %swap3A_94, %swap3A_95, %swap3A_96] : memref<4x21x4x1024xf32, #tpu.memory_space<vmem>>, vector<4x21x1x1024xf32>
    %swap3A_98 = vector.shape_cast %swap3A_97 : vector<4x21x1x1024xf32> to vector<4x21x1024xf32>
    %swap3A_99 = vector.shape_cast %add3A_92 : vector<4x21x1024xf32> to vector<4x21x1x1024xf32>
    tpu.vector_store %arg4[%swap3A_93, %swap3A_94, %swap3A_95, %swap3A_96], %swap3A_99 {strides = array<i32>} : memref<4x21x4x1024xf32, #tpu.memory_space<vmem>>, vector<4x21x1x1024xf32>,
    %get3A_100 = arith.constant 0 : index
    %get3A_101 = arith.constant 0 : index
    %get3A_102 = arith.constant 0 : index
    %get3A_103 = vector.load %arg2[%get3A_100, %get3A_101, %get3A_102] : memref<4x21x1024xf32, #tpu.memory_space<vmem>>, vector<4x21x1024xf32>
    %slice3A_104 = vector.extract_strided_slice %get3A_103 {offsets = [0, 1, 0], sizes = [4, 20, 1024], strides = [1, 1, 1]} : vector<4x21x1024xf32> to vector<4x20x1024xf32>
    %reduce_max3A = arith.constant dense<0xFF800000> : vector<4x1024xf32>
    %reduce_max3A_105 = vector.multi_reduction <maximumf>, %slice3A_104, %reduce_max3A [1] : vector<4x20x1024xf32> to vector<4x1024xf32>
    %slice3A_106 = vector.extract_strided_slice %get3A_103 {offsets = [0, 0, 0], sizes = [4, 1, 1024], strides = [1, 1, 1]} : vector<4x21x1024xf32> to vector<4x1x1024xf32>
    %squeeze3A_107 = vector.shape_cast %slice3A_106 : vector<4x1x1024xf32> to vector<4x1024xf32>
    %gt3A = arith.cmpf ogt, %reduce_max3A_105, %squeeze3A_107 : vector<4x1024xf32>
    %broadcast_in_dim3A_108 = vector.shape_cast %gt3A : vector<4x1024xi1> to vector<4x1x1024xi1>
    %jit3A = arith.constant 0.000000e+00 : f32
    %broadcast_in_dim3A_109 = vector.shape_cast %broadcast_in_dim3A_108 : vector<4x1x1024xi1> to vector<4x1x1024xi1>
    %broadcast_in_dim3A_110 = vector.broadcast %broadcast_in_dim3A_109 : vector<4x1x1024xi1> to vector<4x21x1024xi1>
    %broadcast_in_dim3A_111 = vector.broadcast %jit3A : f32 to vector<4x21x1024xf32>
    %select_n3A = arith.select %broadcast_in_dim3A_110, %get3A_103, %broadcast_in_dim3A_111 : vector<4x21x1024xi1>, vector<4x21x1024xf32>
    %gt3A_112 = arith.constant 0.699999988 : f32
    %gt3A_113 = vector.broadcast %gt3A_112 : f32 to vector<4x21x1024xf32>
    %gt3A_114 = arith.cmpf ogt, %select_n3A, %gt3A_113 : vector<4x21x1024xf32>
    %jit3A_115 = arith.constant -1.000000e+09 : f32
    %broadcast_in_dim3A_116 = vector.broadcast %jit3A_115 : f32 to vector<4x21x1024xf32>
    %select_n3A_117 = arith.select %gt3A_114, %select_n3A, %broadcast_in_dim3A_116 : vector<4x21x1024xi1>, vector<4x21x1024xf32>
    %iota3A = tpu.iota {dimensions = array<i32: 2>} : vector<4x21x1024xi32>
    %lt3A = arith.constant 1000 : i32
    %lt3A_118 = vector.broadcast %lt3A : i32 to vector<4x21x1024xi32>
    %lt3A_119 = arith.cmpi slt, %iota3A, %lt3A_118 : vector<4x21x1024xi32>
    %jit3A_120 = arith.constant -1.000000e+09 : f32
    %broadcast_in_dim3A_121 = vector.broadcast %jit3A_120 : f32 to vector<4x21x1024xf32>
    %select_n3A_122 = arith.select %lt3A_119, %select_n3A_117, %broadcast_in_dim3A_121 : vector<4x21x1024xi1>, vector<4x21x1024xf32>
    %swap3A_123 = arith.constant 0 : index
    %swap3A_124 = arith.constant 0 : index
    %swap3A_125 = arith.constant 0 : index
    %swap3A_126 = vector.load %arg3[%swap3A_123, %swap3A_124, %swap3A_125] : memref<4x21x1024xf32, #tpu.memory_space<vmem>>, vector<4x21x1024xf32>
    tpu.vector_store %arg3[%swap3A_123, %swap3A_124, %swap3A_125], %select_n3A_122 {strides = array<i32>} : memref<4x21x1024xf32, #tpu.memory_space<vmem>>, vector<4x21x1024xf32>,
    return
  }
}

</mosaic_0001>

<sc_bundles>
// kernel: kernel.4.cloned.1.call-start
scs
__scs_entry_jumppad:
0x0: {  	(pc) =	sbr.rel $0x88, $3  }
0x1: {  	(tag) =	ssettag $0x0;
	lr =	simm.s32 $0x1  }
0x2: {  	[smem:$0x3F9E] =	sst lr;
	_ =	strace $0xD0000000  }
0x3: {  	_ = 	snop  }
0x4: {  	_ = 	snop  }
0x5: {  	_ = 	snop  }
0x6: {  	_ = 	snop  }
0x7: {  	_ = 	snop  }
__scs_overlays_trampoline_lowered:
0x8: {  	[smem:$0x3FAD] =	sst s0  }
0x9: {  	[smem:$0x3FAE] =	sst s1  }
0xa: {  	[smem:$0x3FAF] =	sst s2  }
0xb: {  	[smem:$0x3FB0] =	sst s3  }
0xc: {  	[smem:$0x3FB1] =	sst s4  }
0xd: {  	[smem:$0x3FB2] =	sst s5  }
0xe: {  	[smem:$0x3FB3] =	sst s6  }
0xf: {  	[smem:$0x3FB4] =	sst s7  }
0x10: {  	[smem:$0x3FB5] =	sst s8  }
0x11: {  	[smem:$0x3FB6] =	sst s9;
	s0 =	simm.s32 @!p0 $0x0  }
0x12: {  	s1 =	sld [smem:$0x3F9C];
	s0 =	simm.s32 @p0 $0x1  }
0x13: {  	[smem:$0x3FB7] =	sst s0;
	s0 =	simm.s32 @!p1 $0x0  }
0x14: {  	s2 =	sld [smem:$0x3F9B];
	s0 =	simm.s32 @p1 $0x1  }
0x15: {  	[smem:$0x3FB8] =	sst s0;
	s0 =	simm.s32 @!p2 $0x0  }
0x16: {  	s3 =	sld [smem:$0x3FDB];
	s0 =	simm.s32 @p2 $0x1  }
0x17: {  	s4 =	simm.s32 $0x1BF5;
	[smem:$0x3FBA] =	sst s0  }
0x18: {  	s0 =	sld [smem:$0x3F9D];
	_ =	swait.ge [sflag:s4], $0x0  }
0x19: {  	s7 =	sld [smem:$0x3F9E]  }
0x1a: {  	s8 =	sadd.s32 $0xFFFFE003, lr  }
0x1b: {  	s9 =	sadd.s32 $0xFFFFFEF7, lr;
	s5 =	simm.s32 $0xFFFFFFFF;
	p2 =	slt.u32 s8, $0xFFFFF086  }
0x1c: {  	p1 =	slt.u32 s9, $0xF7A;
	s5 =	simm.s32 @!p2 $0x0  }
0x1d: {  	s5 =	simm.s32 @p1 $0x1;
	p0 =	seq.s32 s7, s2  }
0x1e: {  	s7 =	smul.u32 @!p0 $0xF7A, s2;
	p2 =	seq.s32 @!p0 s5, $0x0  }
0x1f: {  	s9 =	smul.u32 $0xF7A, s1;
	s8 =	simm.s32 @!p0 $0x1BF5;
	p2 =	por !p2, p0  }
0x20: {  	[sflag:s8] =	ssyncset.s32 @!p0 $0xFFFFF086;
	s6 =	sadd.s32 @!p0 s3, s7;
	s7 =	simm.s32 @!p0 $0x108  }
0x21: {  	s3 =	sadd.s32 s3, s9;
	s6 =	sadd.s32 @!p0 $0x88, s6;
	s7 =	simm.s32 @p2 $0x1082  }
0x22: {  	[simem:s7], [sflag:s8] =	dma.local @!p0 [hbm:s6], $0xF7A  }
0x23: {  	s9 =	sor.u32 $0xD0000000, s2;
	s6 =	simm.s32 $0x108;
	_ =	swait.ge @!p0 [sflag:s8], $0x0  }
0x24: {  	s3 =	sadd.s32 $0x88, s3;
	s6 =	simm.s32 @!p1 $0x1082;
	[sflag:s4] =	ssyncset.s32 $0xFFFFF086  }
0x25: {  	[simem:s6], [sflag:s4] =	dma.local [hbm:s3], $0xF7A  }
0x26: {  	[smem:$0x3F9E] =	sst s1;
	(tag) =	ssettag s2;
	_ =	strace s9  }
0x27: {  	s1 =	sld [smem:$0x3FAE]  }
0x28: {  	s2 =	sld [smem:$0x3FAF]  }
0x29: {  	s4 =	sld [smem:$0x3FB1]  }
0x2a: {  	p0 =	seq.s32 s5, $0x0;
	s5 =	sld [smem:$0x3FB2]  }
0x2b: {  	s6 =	sld [smem:$0x3FB3]  }
0x2c: {  	s7 =	sld [smem:$0x3FB4]  }
0x2d: {  	s3 =	simm.s32 $0x108;
	s8 =	sld [smem:$0x3FB5]  }
0x2e: {  	s3 =	simm.s32 @!p0 $0x1082;
	s9 =	sld [smem:$0x3FB6]  }
0x2f: {  	lr =	sadd.s32 s0, s3;
	s0 =	sld [smem:$0x3FAD]  }
0x30: {  	s3 =	sld [smem:$0x3FB0]  }
0x31: {  	[smem:$0x3FB9] =	sst s10  }
0x32: {  	s10 =	sld [smem:$0x3FB7];
	_ =	sdelay $0x3  }
0x33: {  	p0 =	seq.s32 s10, $0x1;
	s10 =	sld [smem:$0x3FB9];
	_ =	sdelay $0x3  }
0x34: {  	[smem:$0x3FB9] =	sst s10  }
0x35: {  	s10 =	sld [smem:$0x3FB8];
	_ =	sdelay $0x3  }
0x36: {  	p1 =	seq.s32 s10, $0x1;
	s10 =	sld [smem:$0x3FB9];
	_ =	sdelay $0x3  }
0x37: {  	[smem:$0x3FB9] =	sst s10  }
0x38: {  	s10 =	sld [smem:$0x3FBA]  }
0x39: {  	_ = 	snop;
	(pc) =	sbr.ind lr, $3  }
0x3a: {  	_ = 	snop  }
0x3b: {  	_ = 	snop  }
0x3c: {  	p2 =	seq.s32 s10, $0x1;
	s10 =	sld [smem:$0x3FB9]  }
0x3d: {  	_ =	shalt  }
0x3e: {  	_ =	shalt  }
0x3f: {  	_ =	shalt  }
0x40: {  	_ =	shalt  }
0x41: {  	_ =	shalt  }
0x42: {  	_ =	shalt  }
0x43: {  	_ =	shalt  }
0x44: {  	_ =	shalt  }
0x45: {  	_ =	shalt  }
0x46: {  	_ =	shalt  }
0x47: {  	_ =	shalt  }
0x48: {  	_ =	shalt  }
0x49: {  	_ =	shalt  }
0x4a: {  	_ =	shalt  }
0x4b: {  	_ =	shalt  }
0x4c: {  	_ =	shalt  }
0x4d: {  	_ =	shalt  }
0x4e: {  	_ =	shalt  }
0x4f: {  	_ =	shalt  }
0x50: {  	_ =	shalt  }
0x51: {  	_ =	shalt  }
0x52: {  	_ =	shalt  }
0x53: {  	_ =	shalt  }
0x54: {  	_ =	shalt  }
0x55: {  	_ =	shalt  }
0x56: {  	_ =	shalt  }
0x57: {  	_ =	shalt  }
0x58: {  	_ =	shalt  }
0x59: {  	_ =	shalt  }
0x5a: {  	_ =	shalt  }
0x5b: {  	_ =	shalt  }
0x5c: {  	_ =	shalt  }
0x5d: {  	_ =	shalt  }
0x5e: {  	_ =	shalt  }
0x5f: {  	_ =	shalt  }
0x60: {  	_ =	shalt  }
0x61: {  	_ =	shalt  }
0x62: {  	_ =	shalt  }
0x63: {  	_ =	shalt  }
0x64: {  	_ =	shalt  }
0x65: {  	_ =	shalt  }
0x66: {  	_ =	shalt  }
0x67: {  	_ =	shalt  }
0x68: {  	_ =	shalt  }
0x69: {  	_ =	shalt  }
0x6a: {  	_ =	shalt  }
0x6b: {  	_ =	shalt  }
0x6c: {  	_ =	shalt  }
0x6d: {  	_ =	shalt  }
0x6e: {  	_ =	shalt  }
0x6f: {  	_ =	shalt  }
0x70: {  	_ =	shalt  }
0x71: {  	_ =	shalt  }
0x72: {  	_ =	shalt  }
0x73: {  	_ =	shalt  }
0x74: {  	_ =	shalt  }
0x75: {  	_ =	shalt  }
0x76: {  	_ =	shalt  }
0x77: {  	_ =	shalt  }
0x78: {  	_ =	shalt  }
0x79: {  	_ =	shalt  }
0x7a: {  	_ =	shalt  }
0x7b: {  	_ =	shalt  }
0x7c: {  	_ =	shalt  }
0x7d: {  	_ =	shalt  }
0x7e: {  	_ =	shalt  }
0x7f: {  	_ =	shalt  }
0x80: {  	_ =	shalt  }
0x81: {  	_ =	shalt  }
0x82: {  	_ =	shalt  }
0x83: {  	_ =	shalt  }
0x84: {  	_ =	shalt  }
0x85: {  	_ =	shalt  }
0x86: {  	_ =	shalt  }
0x87: {  	_ =	shalt  }
.Lfunc_end0:
.L_simem_size_0:
called_computation_lowered:
.L_overlay_start_0:
0x88: {  	s2 =	sld [smem:$0x3FD9]  }
0x89: {  	s3 =	sld [smem:$0x3FFE];
	_ =	sdelay $0x1  }
0x8a: {  	s1 =	srdreg.scid  }
0x8b: {  	s0 =	sand.u32 $0x1, s1  }
0x8c: {  	s14 =	sshll.u32 s0, $0xA;
	s2 =	sadd.s32 s3, s2  }
0x8d: {  	s2 =	sadd.s32 s2, s14  }
0x8e: {  	[smem:$0x3FC5] =	sst s2  }
0x8f: {  	_ = 	snop  }
0x90: {  	s2 =	sld [smem:$0x3FD0];
	_ =	sdelay $0x2  }
0x91: {  	s15 =	simm.s32 $0xA;
	s4 =	simm.s32 $0x10  }
0x92: {  	[smem:s4], [sflag:s15] =	dma.local [hbm:s2], $0x1  }
0x93: {  	_ =	swait.eq [sflag:s15], $0x1  }
0x94: {  	[sflag:s15] =	ssyncset.done $0x0  }
0x95: {  	s16 =	sld [smem:$0x10];
	[sflag:s15] =	ssyncadd.s32 $0xFFFFFFFF  }
0x96: {  	s17 =	sld [smem:$0x12];
	(tm) =	ssettm $0x1  }
0x97: {  	s18 =	sld [smem:$0x3FFB];
	_ =	sdelay $0x3  }
0x98: {  	_ =	strace s18  }
0x99: {  	s4 =	sld [smem:$0x3FFC];
	_ =	sdelay $0x3  }
0x9a: {  	_ =	strace s4  }
0x9b: {  	s4 =	sld [smem:$0x3FFD];
	_ =	sdelay $0x3  }
0x9c: {  	_ =	strace s4  }
0x9d: {  	_ =	strace $0x8FFFFFFF  }
0x9e: {  	s19 =	sld [smem:$0x3FDB];
	_ =	sdelay $0x1  }
0x9f: {  	s5 =	simm.s32 $_scs_section_size  }
0xa0: {  	s6 =	simm.s32 $_size__tile_overlayer_lowered;
	s7 =	simm.s32 $_tile_overlayer_lowered  }
0xa1: {  	s22 =	simm.s32 $0x1BFF;
	s21 =	sshll.u32 s7, $0x1;
	s4 =	sadd.s32 s5, s19  }
0xa2: {  	s8 =	simm.s32 $0x0;
	s20 =	sshll.u32 s6, $0x1;
	s6 =	sadd.s32 s21, s4  }
0xa3: {  	[timem:s8], [sflag:s22] =	dma.local [hbm:s6], s20  }
0xa4: {  	_ =	swait.ge [sflag:s22], s20  }
0xa5: {  	s5 =	ssub.s32 $0x0, s20;
	[sflag:s22] =	ssyncset.done $0x0  }
0xa6: {  	[sflag:s22] =	ssyncadd.s32 s5;
	_ =	sdelay $0x1  }
0xa7: {  	s23 =	simm.s32 $0x1B8B  }
0xa8: {  	_ =	swait.ge [sflag:s23], $0x1  }
0xa9: {  	[sflag:s23] =	ssyncset.done $0x0  }
0xaa: {  	s25 =	simm.s32 $0x1B8E;
	s24 =	sld [smem:$0x3FFE];
	[sflag:s23] =	ssyncadd.s32 $0xFFFFFFFF  }
0xab: {  	s26 =	simm.s32 $execute0_lowered;
	[smem:$0x3FD2] =	sst s25  }
0xac: {  	s6 =	sshll.u32 s26, $0x1;
	_ =	strace $0x80000046;
	[dreg:$0x1] =	wrdreg $0xFFFFFFFF  }
0xad: {  	s28 =	simm.s32 $_size_execute0_lowered;
	s4 =	sadd.s32 s4, s6;
	[dreg:$0x0] =	wrdreg $0x0  }
0xae: {  	s6 =	sshll.u32 s28, $0x1;
	[dreg:$0x2] =	wrdreg s4  }
0xaf: {  	[dreg:$0x3] =	wrdreg s6  }
0xb0: {  	[dreg:$0x4] =	wrdreg $0xC0  }
0xb1: {  	_ =	task [dreg:s8], $0x5FFFF  }
0xb2: {  	[dreg:$0x1] =	wrdreg $0xFFFFFFFF  }
0xb3: {  	[dreg:$0x0] =	wrdreg $0x60  }
0xb4: {  	[dreg:$0x2] =	wrdreg s24  }
0xb5: {  	[dreg:$0x3] =	wrdreg s16  }
0xb6: {  	[dreg:$0x4] =	wrdreg s17  }
0xb7: {  	[dreg:$0x5] =	wrdreg $0x90800  }
0xb8: {  	[dreg:$0x6] =	wrdreg $0x9  }
0xb9: {  	_ =	task.clear_ibuf [dreg:s8], $0x7FFFF;
	_ =	strace $0x90000046  }
0xba: {  	s29 =	simm.s32 $0x9;
	_ =	strace $0x80000048  }
0xbb: {  	_ =	swait.ge [sflag:s29], $0x1  }
0xbc: {  	[sflag:s29] =	ssyncadd.s32 $0xFFFFFFFF  }
0xbd: {  	_ =	strace $0x90000048  }
0xbe: {  	_ =	sfence  }
0xbf: {  	s30 =	sld [smem:$0x0];
	_ =	sdelay $0x2  }
0xc0: {  	s31 =	sshll.u32 s1, $0xD;
	s1 =	sshrl.u32 s1, $0x2  }
0xc1: {  	s3 =	sand.u32 $0x4000, s31;
	s1 =	sadd.s32 s1, s30  }
0xc2: {  	s0 =	sor.u32 s3, s0;
	s1 =	sshll.u32 s1, $0x11  }
0xc3: {  	s0 =	sor.u32 s1, s0  }
0xc4: {  	s0 =	sadd.s32 $0x8F2B, s0  }
0xc5: {  	[sflag:s0] =	ssyncadd.remote.s32 $0x1  }
0xc6: {  	_ =	sfence.sel $0xFFFF  }
0xc7: {  	[dreg:$0x0] =	wrdreg $0xFFFFFFFF;
	(pc) =	sbr.abs _section_cstart, $3  }
0xc8: {  	[dreg:$0x1] =	wrdreg $0xFFFFFFFF  }
0xc9: {  	_ =	task.clear_ibuf [dreg:s8], $0x2FFFF;
	_ =	strace $0x9FFFFFFF  }
0xca: {  	(tm) =	ssettm $0x7FFFFFFF  }
0xcb: {  	_ =	shalt  }
tec
execute0_lowered:
.L_overlay_start_1:
0x0: {  	(tag) =	ssettag $0x1  }
0x1: {  	s0 =	rddreg [dreg:$0x0]  }
0x2: {  	s1 =	rddreg [dreg:$0x1]  }
0x3: {  	s2 =	rddreg [dreg:$0x2]  }
0x4: {  	s8 =	rddreg [dreg:$0x3];
	s3 =	srdreg.scid;
	s6 =	simm.s32 $0x0  }
0x5: {  	s4 =	stileid.u32;
	s28 =	simm.s32 $0x2600;
	s29 =	simm.s32 $0x2A80  }
0x6: {  	s30 =	simm.s32 $0x2F00;
	s31 =	simm.s32 $0x3000;
	s12 =	simm.s32 $0x3400  }
0x7: {  	s3 =	sand.u32 $0x1, s3;
	[smem:$0x7FF] =	sst s6;
	s7 =	sadd.s32 $0xC00, s0  }
0x8: {  	s16 =	sadd.s32 $0x3600, s0;
	s9 =	smul.u32 $0x15540, s4;
	s11 =	sadd.s32 $0x3680, s0  }
0x9: {  	s19 =	sadd.s32 $0x3700, s0;
	_ =	strace $0x80000047;
	[dreg:$0x5] =	wrdreg s7  }
0xa: {  	p0 =	sne.s32 s4, $0x0;
	p1 =	sgt.u32 s4, $0x1;
	[dreg:$0x7] =	wrdreg s16  }
0xb: {  	s5 =	sshll.u32 s3, $0x1;
	s15 =	ssub.s32 $0x2, s3;
	[dreg:$0x8] =	wrdreg s11  }
0xc: {  	s3 =	smul.u32 $0x2A, s3;
	[dreg:$0x9] =	wrdreg s19;
	s11 =	simm.s32 $0x2  }
0xd: {  	s5 =	sadd.s32 s4, s5;
	s17 =	sshrl.u32 s15, $0x1;
	s20 =	sshrl.u32 s9, $0x2  }
0xe: {  	s14 =	smul.u32 $0x1A, s5;
	[dreg:$0x6] =	wrdreg s3;
	s3 =	ssub.s32 s15, s17  }
0xf: {  	s9 =	simm.s32 $0x3200;
	s18 =	smul.u32 $0x340, s5;
	s26 =	smax.u32 s3, $0x1  }
0x10: {  	s10 =	sadd.s32 s14, s0;
	s0 =	sadd.s32 $0x3780, s0;
	[dreg:$0x12] =	wrdreg s26  }
0x11: {  	s5 =	smul.u32 $0x68, s5;
	s21 =	sadd.s32 s2, s14;
	[dreg:$0xa] =	wrdreg s0  }
0x12: {  	s7 =	sshrl.u32 s18, $0x3;
	s0 =	sadd.s32 s20, s8;
	[dreg:$0xc] =	wrdreg s21  }
0x13: {  	s18 =	simm.s32 $0x3;
	s23 =	sadd.s32 $0xDE00, s10;
	[dreg:$0xb] =	wrdreg s0  }
0x14: {  	s22 =	sadd.s32 s1, s7;
	s1 =	sadd.s32 s1, s5;
	[dreg:$0xd] =	wrdreg s23  }
.Ltmp0:
0x15: {  	[dreg:$0xe] =	wrdreg s1;
	s24 =	sadd.s32 $0x1A, s22;
	(pc) =	sbr.rel .LBB2_1-.Ltmp0, $4  }
0x16: {  	s26 =	simm.s32 $0x2180;
	s25 =	sadd.s32 $0x34, s22;
	[dreg:$0xf] =	wrdreg s24  }
0x17: {  	v0 =	vimm.s32 $0x0;
	v1 =	vimm.f32 $-1.000000000e+09;
	v2 =	vimm.f32 $0.0e+00;
	s2 =	simm.s32 $0x0;
	s0 =	sadd.s32 $0x4E, s22;
	[dreg:$0x10] =	wrdreg s25  }
0x18: {  	v3 =	vlaneseq.u32;
	vm0 =	vcmask $0x300;
	vm1 =	vcmask $0x704;
	s10 =	simm.s32 $0x3300;
	s23 =	simm.s32 $0x1400;
	[dreg:$0x11] =	wrdreg s0  }
0x19: {  	vm2 =	vcmask $0xB08;
	vm3 =	vcmask $0xF0C;
	vm4 =	vcmask $0x1310;
	s24 =	simm.s32 $0x1880;
	s25 =	simm.s32 $0x1D00;
	s0 =	simm.s32 $0x3100  }
.LBB2_24:
0x1a: {  	s1 =	simm.s32 $0x0;
	s2 =	rddreg [dreg:$0xc]  }
0x1b: {  	[hbm4b:s2+s1] =	stream.linear.scatter [tilespmem:s8], [sflag:$0x3], $0xD0, $0x38;
	[tilespmem:$0x9B30] =	vst v63  }
0x1c: {  	_ =	swait.ge [sflag:s18], $0xD0  }
0x1d: {  	[sflag:s18] =	ssyncset.done $0x0  }
0x1e: {  	s17 =	rddreg [dreg:$0xd];
	[sflag:s18] =	ssyncadd.s32 $0xFFFFFF30  }
0x1f: {  	[hbm4b:s17+s1] =	stream.linear.scatter [tilespmem:s7], [sflag:$0x3], $0xD0, $0x38;
	[tilespmem:$0x9B30] =	vst v63  }
0x20: {  	_ =	swait.ge [sflag:s18], $0xD0  }
0x21: {  	[sflag:s18] =	ssyncset.done $0x0  }
0x22: {  	s19 =	rddreg [dreg:$0xe];
	[sflag:s18] =	ssyncadd.s32 $0xFFFFFF30  }
0x23: {  	[hbm4b:s19+s1] =	stream.linear.scatter [tilespmem:s13], [sflag:$0x3], $0xD0, $0x38;
	[tilespmem:$0x9B30] =	vst v63  }
0x24: {  	_ =	swait.ge [sflag:s18], $0xD0  }
0x25: {  	[sflag:s18] =	ssyncset.done $0x0  }
0x26: {  	s20 =	rddreg [dreg:$0xf];
	[sflag:s18] =	ssyncadd.s32 $0xFFFFFF30  }
0x27: {  	[hbm4b:s20+s1] =	stream.linear.scatter [tilespmem:s14], [sflag:$0x3], $0xD0, $0x38;
	[tilespmem:$0x9B30] =	vst v63  }
0x28: {  	_ =	swait.ge [sflag:s18], $0xD0  }
0x29: {  	[sflag:s18] =	ssyncset.done $0x0  }
0x2a: {  	s21 =	rddreg [dreg:$0x10];
	[sflag:s18] =	ssyncadd.s32 $0xFFFFFF30  }
0x2b: {  	[hbm4b:s21+s1] =	stream.linear.scatter [tilespmem:s15], [sflag:$0x3], $0xD0, $0x38;
	[tilespmem:$0x9B30] =	vst v63  }
0x2c: {  	_ =	swait.ge [sflag:s18], $0xD0  }
0x2d: {  	[sflag:s18] =	ssyncset.done $0x0  }
0x2e: {  	s22 =	rddreg [dreg:$0x11];
	[sflag:s18] =	ssyncadd.s32 $0xFFFFFF30  }
0x2f: {  	[hbm4b:s22+s1] =	stream.linear.scatter [tilespmem:s16], [sflag:$0x3], $0xD0, $0x38;
	[tilespmem:$0x9B30] =	vst v63  }
0x30: {  	_ =	swait.ge [sflag:s18], $0xD0  }
0x31: {  	[sflag:s18] =	ssyncset.done $0x0  }
0x32: {  	s2 =	rddreg [dreg:$0x13];
	[sflag:s18] =	ssyncadd.s32 $0xFFFFFF30  }
.LBB2_25:
0x33: {  	s2 =	sadd.s32 $0x1, s2;
	s1 =	rddreg [dreg:$0x12]  }
0x34: {  	p2 =	sne.s32 s2, s1  }
.Ltmp1:
0x35: {  	_ = 	snop;
	(pc) =	sbr.rel @!p2 .LBB2_26-.Ltmp1, $1  }
0x36: {  	_ =	sdelay $0x3  }
.LBB2_1:
0x37: {  	[dreg:$0x13] =	wrdreg s2;
	s1 =	simm.s32 @!p0 $0x0  }
0x38: {  	[smem:$0x0] =	sst @!p0 s1  }
0x39: {  	s21 =	simm.s32 $0x1;
	[bflag:$0x0] =	sbarrier.arrive $0xFFFF  }
0x3a: {  	s22 =	simm.s32 $0x0;
	[sflag:s21] =	ssyncset.done $0x0  }
0x3b: {  	[smem:s22], [sflag:$0x1] =	smem.add.s32 $0x1  }
0x3c: {  	_ =	swait.done [sflag:s21]  }
0x3d: {  	s17 =	ssyncread [sflag:$0x1];
	_ =	sdelay $0x2  }
0x3e: {  	p2 =	sgt.s32 s17, $0x29  }
.Ltmp2:
0x3f: {  	_ = 	snop;
	(pc) =	sbr.rel @!p2 .LBB2_2-.Ltmp2, $3  }
0x40: {  	_ =	sdelay $0x1  }
0x41: {  	[sflag:s21] =	ssyncset.s32 $0x0  }
0x42: {  	[sflag:s21] =	ssyncset.done $0x0  }
.LBB2_19:
.Ltmp3:
0x43: {  	(pc) =	sbr.rel @p1 .LBB2_25-.Ltmp3, $4  }
0x44: {  	[bflag:$0x0] =	sbarrier.arrive $0xFFFF  }
0x45: {  	s6 =	simm.s32 $0x8A00;
	s7 =	simm.s32 $0x8B80;
	s8 =	simm.s32 $0x8A80  }
0x46: {  	s13 =	simm.s32 $0x8C80;
	s14 =	simm.s32 $0x8D80;
	s15 =	simm.s32 $0x8E80  }
0x47: {  	s16 =	simm.s32 $0x8F80;
	s17 =	simm.s32 $0x8980;
	s2 =	rddreg [dreg:$0x13]  }
0x48: {  	v4 =	vmul.u32 $0x410, v3  }
0x49: {  	s1 =	rddreg [dreg:$0xb]  }
0x4a: {  	[tilespmem:s12], [sflag:$0x3] =	stream.linear.gather [spmem:s1], $0x5550, $0x38;
	[tilespmem:$0x9B30] =	vst v63  }
0x4b: {  	v5 =	vsel vm0, $0x4100, v0;
	_ =	swait.ge [sflag:s18], $0x5550  }
0x4c: {  	v5 =	vsel vm1, $0x4510, v5;
	[sflag:s18] =	ssyncset.done $0x0  }
0x4d: {  	v5 =	vsel vm2, $0x4920, v5;
	[sflag:s18] =	ssyncadd.s32 $0xFFFFAAB0  }
0x4e: {  	v5 =	vsel vm3, $0x4D30, v5;
	v4 =	vld.idx.msk [tilespmem:v4+s12+$0x0], $0xffff  }
0x4f: {  	v5 =	vsel vm4, $0x5140, v5;
	_ =	sdelay $0x3  }
0x50: {  	[tilespmem:$0x8980] =	vst v4  }
0x51: {  	v4 =	vld.idx.msk [tilespmem:v5+s12+$0x0], $0xffff;
	[tilespmem:$0x8A00] =	vst v0  }
0x52: {  	[tilespmem:$0x8A10] =	vst v0  }
0x53: {  	[tilespmem:$0x8A80] =	vst v2  }
0x54: {  	[tilespmem:$0x8B80] =	vst v2  }
0x55: {  	[tilespmem:$0x8C80] =	vst v2  }
0x56: {  	[tilespmem:$0x8D80] =	vst v2  }
0x57: {  	[tilespmem:$0x8E80] =	vst v2  }
0x58: {  	[tilespmem:$0x8F80] =	vst v2  }
0x59: {  	[tilespmem:$0x8A90] =	vst v2  }
0x5a: {  	[tilespmem:$0x8B90] =	vst v2  }
0x5b: {  	[tilespmem:$0x8C90] =	vst v2  }
0x5c: {  	[tilespmem:$0x8D90] =	vst v2  }
0x5d: {  	[tilespmem:$0x8E90] =	vst v2  }
0x5e: {  	[tilespmem:$0x8F90] =	vst v2  }
0x5f: {  	[tilespmem:$0x8AA0] =	vst v2  }
0x60: {  	[tilespmem:$0x8BA0] =	vst v2  }
0x61: {  	[tilespmem:$0x8CA0] =	vst v2  }
0x62: {  	[tilespmem:$0x8DA0] =	vst v2  }
0x63: {  	[tilespmem:$0x8EA0] =	vst v2  }
0x64: {  	[tilespmem:$0x8FA0] =	vst v2  }
0x65: {  	[tilespmem:$0x8AB0] =	vst v2  }
0x66: {  	[tilespmem:$0x8BB0] =	vst v2  }
0x67: {  	[tilespmem:$0x8CB0] =	vst v2  }
0x68: {  	[tilespmem:$0x8DB0] =	vst v2  }
0x69: {  	[tilespmem:$0x8EB0] =	vst v2  }
0x6a: {  	[tilespmem:$0x8FB0] =	vst v2  }
0x6b: {  	[tilespmem:$0x8AC0] =	vst v2  }
0x6c: {  	[tilespmem:$0x8BC0] =	vst v2  }
0x6d: {  	[tilespmem:$0x8CC0] =	vst v2  }
0x6e: {  	[tilespmem:$0x8DC0] =	vst v2  }
0x6f: {  	[tilespmem:$0x8EC0] =	vst v2  }
0x70: {  	[tilespmem:$0x8FC0] =	vst v2  }
0x71: {  	[tilespmem:$0x8AD0] =	vst v2  }
0x72: {  	[tilespmem:$0x8BD0] =	vst v2  }
0x73: {  	[tilespmem:$0x8CD0] =	vst v2  }
0x74: {  	[tilespmem:$0x8DD0] =	vst v2  }
0x75: {  	[tilespmem:$0x8ED0] =	vst v2  }
0x76: {  	[tilespmem:$0x8FD0] =	vst v2  }
0x77: {  	[tilespmem:$0x8AE0] =	vst v2  }
0x78: {  	[tilespmem:$0x8BE0] =	vst v2  }
0x79: {  	[tilespmem:$0x8CE0] =	vst v2  }
0x7a: {  	[tilespmem:$0x8DE0] =	vst v2  }
0x7b: {  	[tilespmem:$0x8EE0] =	vst v2  }
0x7c: {  	[tilespmem:$0x8FE0] =	vst v2  }
0x7d: {  	[tilespmem:$0x8AF0] =	vst v2  }
0x7e: {  	[tilespmem:$0x8BF0] =	vst v2  }
0x7f: {  	[tilespmem:$0x8CF0] =	vst v2  }
0x80: {  	[tilespmem:$0x8DF0] =	vst v2  }
0x81: {  	[tilespmem:$0x8EF0] =	vst v2  }
0x82: {  	[tilespmem:$0x8FF0] =	vst v2  }
0x83: {  	[tilespmem:$0x8B00] =	vst v2  }
0x84: {  	[tilespmem:$0x8C00] =	vst v2  }
0x85: {  	[tilespmem:$0x8D00] =	vst v2  }
0x86: {  	[tilespmem:$0x8E00] =	vst v2  }
0x87: {  	[tilespmem:$0x8F00] =	vst v2  }
0x88: {  	[tilespmem:$0x9000] =	vst v2  }
0x89: {  	[tilespmem:$0x8B10] =	vst v2  }
0x8a: {  	[tilespmem:$0x8C10] =	vst v2  }
0x8b: {  	[tilespmem:$0x8D10] =	vst v2  }
0x8c: {  	[tilespmem:$0x8E10] =	vst v2  }
0x8d: {  	[tilespmem:$0x8F10] =	vst v2  }
0x8e: {  	[tilespmem:$0x9010] =	vst v2  }
0x8f: {  	[tilespmem:$0x8B20] =	vst v2  }
0x90: {  	[tilespmem:$0x8C20] =	vst v2  }
0x91: {  	[tilespmem:$0x8D20] =	vst v2  }
0x92: {  	[tilespmem:$0x8E20] =	vst v2  }
0x93: {  	[tilespmem:$0x8F20] =	vst v2  }
0x94: {  	[tilespmem:$0x9020] =	vst v2  }
0x95: {  	[tilespmem:$0x8B30] =	vst v2  }
0x96: {  	[tilespmem:$0x8C30] =	vst v2  }
0x97: {  	[tilespmem:$0x8D30] =	vst v2  }
0x98: {  	[tilespmem:$0x8E30] =	vst v2  }
0x99: {  	[tilespmem:$0x8F30] =	vst v2  }
0x9a: {  	[tilespmem:$0x9030] =	vst v2  }
0x9b: {  	[tilespmem:$0x8B40] =	vst v2  }
0x9c: {  	[tilespmem:$0x8C40] =	vst v2  }
.Ltmp4:
0x9d: {  	[tilespmem:$0x8D40] =	vst v2;
	(pc) =	sbr.rel .LBB2_21-.Ltmp4, $4  }
0x9e: {  	[tilespmem:$0x8E40] =	vst v2  }
0x9f: {  	vm5 =	vmmov $0x1f;
	[tilespmem:$0x8F40] =	vst v2  }
0xa0: {  	[tilespmem:$0x9040] =	vst v2;
	v4 =	vnsel vm5, $0xCE6E6B28, v4  }
0xa1: {  	s1 =	simm.s32 $0x0;
	[tilespmem:$0x8990] =	vst v4  }
.LBB2_18:
0xa2: {  	s1 =	smul.u32 $0x1040, s17;
	_ =	sdelay $0x1  }
0xa3: {  	s2 =	rddreg [dreg:$0x3];
	s1 =	sshra.s32 s1, $0x2  }
0xa4: {  	s1 =	sadd.s32 s1, s2  }
0xa5: {  	[spmem:s1] =	stream.linear.scatter [tilespmem:s30], [sflag:$0x3], $0xD0, $0x38;
	[tilespmem:$0x9B30] =	vst v63  }
0xa6: {  	_ =	swait.ge [sflag:s18], $0xD0  }
0xa7: {  	[sflag:s18] =	ssyncset.done $0x0  }
0xa8: {  	s2 =	sadd.s32 $0xD0, s1;
	[sflag:s18] =	ssyncadd.s32 $0xFFFFFF30  }
0xa9: {  	[spmem:s2] =	stream.linear.scatter [tilespmem:s31], [sflag:$0x3], $0xD0, $0x38;
	[tilespmem:$0x9B30] =	vst v63  }
0xaa: {  	_ =	swait.ge [sflag:s18], $0xD0  }
0xab: {  	[sflag:s18] =	ssyncset.done $0x0  }
0xac: {  	s20 =	sadd.s32 $0x1A0, s1;
	[sflag:s18] =	ssyncadd.s32 $0xFFFFFF30  }
0xad: {  	[spmem:s20] =	stream.linear.scatter [tilespmem:s0], [sflag:$0x3], $0xD0, $0x38;
	[tilespmem:$0x9B30] =	vst v63  }
0xae: {  	_ =	swait.ge [sflag:s18], $0xD0  }
0xaf: {  	[sflag:s18] =	ssyncset.done $0x0  }
0xb0: {  	s21 =	sadd.s32 $0x270, s1;
	[sflag:s18] =	ssyncadd.s32 $0xFFFFFF30  }
0xb1: {  	[spmem:s21] =	stream.linear.scatter [tilespmem:s9], [sflag:$0x3], $0xD0, $0x38;
	[tilespmem:$0x9B30] =	vst v63  }
0xb2: {  	_ =	swait.ge [sflag:s18], $0xD0  }
0xb3: {  	[sflag:s18] =	ssyncset.done $0x0  }
0xb4: {  	s1 =	sadd.s32 $0x340, s1;
	[sflag:s18] =	ssyncadd.s32 $0xFFFFFF30  }
0xb5: {  	[spmem:s1] =	stream.linear.scatter [tilespmem:s10], [sflag:$0x3], $0xD0, $0x38;
	[tilespmem:$0x9B30] =	vst v63  }
0xb6: {  	_ =	swait.ge [sflag:s18], $0xD0  }
0xb7: {  	[sflag:s18] =	ssyncset.done $0x0  }
0xb8: {  	[sflag:s18] =	ssyncadd.s32 $0xFFFFFF30  }
0xb9: {  	s22 =	simm.s32 $0x0;
	[sflag:s11] =	ssyncset.done $0x0  }
0xba: {  	[smem:s22], [sflag:$0x2] =	smem.add.s32 $0x1  }
0xbb: {  	_ =	swait.done [sflag:s11]  }
0xbc: {  	s17 =	ssyncread [sflag:$0x2];
	_ =	sdelay $0x2  }
0xbd: {  	p2 =	slt.s32 s17, $0x2A  }
.Ltmp5:
0xbe: {  	_ = 	snop;
	(pc) =	sbr.rel @!p2 .LBB2_19-.Ltmp5, $3  }
0xbf: {  	_ =	sdelay $0x1  }
0xc0: {  	[sflag:s11] =	ssyncset.s32 $0x0  }
0xc1: {  	[sflag:s11] =	ssyncset.done $0x0  }
.LBB2_2:
0xc2: {  	s1 =	rddreg [dreg:$0x6]  }
0xc3: {  	s2 =	sadd.s32 s1, s17  }
0xc4: {  	s1 =	sshll.u32 s2, $0x7  }
0xc5: {  	s3 =	rddreg [dreg:$0x5];
	s1 =	sand.u32 $0x1FFFFF80, s1  }
0xc6: {  	s3 =	sadd.s32 s3, s1;
	s1 =	simm.s32 $0x0  }
0xc7: {  	[tilespmem:s1], [sflag:$0x3] =	stream.linear.gather [hbm4b:s3+s1], $0x400, $0x38;
	[tilespmem:$0x9B30] =	vst v63  }
0xc8: {  	s2 =	sshll.u32 s2, $0x9;
	_ =	swait.ge [sflag:s18], $0x400  }
0xc9: {  	s2 =	sand.u32 $0x1FFFFE00, s2;
	[sflag:s18] =	ssyncset.done $0x0;
	s13 =	rddreg [dreg:$0x7]  }
0xca: {  	s4 =	simm.s32 $0x400;
	[sflag:s18] =	ssyncadd.s32 $0xFFFFFC00;
	s3 =	sadd.s32 s13, s2  }
0xcb: {  	[tilespmem:s4], [sflag:$0x3] =	stream.linear.gather [hbm4b:s3+s1], $0x400, $0x38;
	[tilespmem:$0x9B30] =	vst v63  }
0xcc: {  	_ =	swait.ge [sflag:s18], $0x400  }
0xcd: {  	[sflag:s18] =	ssyncset.done $0x0;
	s14 =	rddreg [dreg:$0x8]  }
0xce: {  	s15 =	simm.s32 $0x800;
	[sflag:s18] =	ssyncadd.s32 $0xFFFFFC00;
	s3 =	sadd.s32 s2, s14  }
0xcf: {  	[tilespmem:s15], [sflag:$0x3] =	stream.linear.gather [hbm4b:s3+s1], $0x400, $0x38;
	[tilespmem:$0x9B30] =	vst v63  }
0xd0: {  	_ =	swait.ge [sflag:s18], $0x400  }
0xd1: {  	[sflag:s18] =	ssyncset.done $0x0;
	s16 =	rddreg [dreg:$0x9]  }
0xd2: {  	s19 =	simm.s32 $0xC00;
	[sflag:s18] =	ssyncadd.s32 $0xFFFFFC00;
	s3 =	sadd.s32 s2, s16  }
0xd3: {  	[tilespmem:s19], [sflag:$0x3] =	stream.linear.gather [hbm4b:s3+s1], $0x400, $0x38;
	[tilespmem:$0x9B30] =	vst v63  }
0xd4: {  	_ =	swait.ge [sflag:s18], $0x400  }
0xd5: {  	[sflag:s18] =	ssyncset.done $0x0;
	s20 =	rddreg [dreg:$0xa]  }
0xd6: {  	s21 =	simm.s32 $0x1000;
	[sflag:s18] =	ssyncadd.s32 $0xFFFFFC00;
	s2 =	sadd.s32 s2, s20  }
0xd7: {  	[tilespmem:s21], [sflag:$0x3] =	stream.linear.gather [hbm4b:s2+s1], $0x400, $0x38;
	[tilespmem:$0x9B30] =	vst v63  }
0xd8: {  	_ =	swait.ge [sflag:s18], $0x400  }
0xd9: {  	[sflag:s18] =	ssyncset.done $0x0  }
0xda: {  	s22 =	simm.s32 $0x0;
	[sflag:s18] =	ssyncadd.s32 $0xFFFFFC00  }
0xdb: {  	v4 =	vld [tilespmem:s22+$0x0];
	_ =	sdelay $0x4  }
0xdc: {  	vm5 =	vgt.f32 v4, $-5.000000000e+08  }
0xdd: {  	v5 =	vsel vm5, $0x1, v0  }
0xde: {  	(xrf0) =	vadd.scan.msk.s32 $0xffff, v5;
	_ =	sdelay $0x2  }
0xdf: {  	v5 =	vmov s1  }
0xe0: {  	v5 =	vadd.s32 $0xFFFFFFFF, v5  }
0xe1: {  	v5 =	vbroadcast v5, $0x0  }
0xe2: {  	v6, _, _ =	vpop (xrf0)  }
0xe3: {  	v5 =	vadd.s32 v6, v5;
	v6 =	vxor.u32 $0x80000000, v6  }
0xe4: {  	v5 =	vnsel vm5, $0x410, v5;
	(xrf0) =	vmax.scan.msk.u32 $0xffff, v6;
	_ =	sdelay $0x4  }
0xe5: {  	[tilespmem:v5+s23+$0x0] =	vst.idx.msk $0xffff, v4  }
0xe6: {  	v4 =	vld [tilespmem:s22+$0x400];
	v63, _, _ =	vpop (xrf0)  }
0xe7: {  	v7 =	vld [tilespmem:s22+$0x800];
	(v2sf) =	vpush v63, $0xF  }
0xe8: {  	v8 =	vld [tilespmem:s22+$0xC00]  }
0xe9: {  	v9 =	vld [tilespmem:s22+$0x1000];
	_ =	sdelay $0x4  }
0xea: {  	v61 =	vsub.f32 v8, v4;
	v10 =	vsub.f32 v9, v7  }
0xeb: {  	[tilespmem:v5+s24+$0x0] =	vst.idx.msk $0xffff, v4  }
0xec: {  	[tilespmem:v5+s25+$0x0] =	vst.idx.msk $0xffff, v7;
	v4 =	vmax.f32 v61, $0.0e+00;
	v62 =	vmax.f32 v10, $0.0e+00  }
0xed: {  	[tilespmem:v5+s26+$0x0] =	vst.idx.msk $0xffff, v8;
	v4 =	vmul.f32 v62, v4  }
0xee: {  	[tilespmem:v5+s28+$0x0] =	vst.idx.msk $0xffff, v9  }
0xef: {  	s3 =	simm.s32 $0x80;
	s2 =	simm.s32 $0x10;
	[tilespmem:v5+s29+$0x0] =	vst.idx.msk $0xffff, v4  }
.LBB2_3:
0xf0: {  	p2 =	sne.s32 s3, $0xFC0;
	v4 =	vld [tilespmem:s2+$0x0];
	_ =	sdelay $0x1  }
0xf1: {  	s4 =	spop (v2sf)  }
0xf2: {  	s1 =	sadd.s32 s4, s1  }
0xf3: {  	s1 =	sadd.s32 $0x80000000, s1  }
0xf4: {  	vm5 =	vgt.f32 v4, $-5.000000000e+08;
	v5 =	vmov s1  }
0xf5: {  	v6 =	vsel vm5, $0x1, v0;
	v5 =	vadd.s32 $0xFFFFFFFF, v5  }
0xf6: {  	v5 =	vbroadcast v5, $0x0;
	(xrf0) =	vadd.scan.msk.s32 $0xffff, v6;
	_ =	sdelay $0x5  }
0xf7: {  	v6, _, _ =	vpop (xrf0)  }
0xf8: {  	v5 =	vadd.s32 v6, v5;
	v6 =	vxor.u32 $0x80000000, v6  }
0xf9: {  	v5 =	vnsel vm5, $0x410, v5;
	(xrf0) =	vmax.scan.msk.u32 $0xffff, v6;
	_ =	sdelay $0x4  }
0xfa: {  	[tilespmem:v5+s23+$0x0] =	vst.idx.msk $0xffff, v4  }
0xfb: {  	v4 =	vld [tilespmem:s2+$0x400];
	v6, _, _ =	vpop (xrf0)  }
0xfc: {  	v7 =	vld [tilespmem:s2+$0x800];
	(v2sf) =	vpush v6, $0xF  }
0xfd: {  	v6 =	vld [tilespmem:s2+$0xC00]  }
0xfe: {  	v8 =	vld [tilespmem:s2+$0x1000];
	_ =	sdelay $0x1  }
0xff: {  	[tilespmem:v5+s24+$0x0] =	vst.idx.msk $0xffff, v4  }
0x100: {  	[tilespmem:v5+s25+$0x0] =	vst.idx.msk $0xffff, v7  }
0x101: {  	[tilespmem:v5+s26+$0x0] =	vst.idx.msk $0xffff, v6;
	v4 =	vsub.f32 v6, v4  }
0x102: {  	[tilespmem:v5+s28+$0x0] =	vst.idx.msk $0xffff, v8;
	v6 =	vsub.f32 v8, v7  }
.Ltmp6:
0x103: {  	v4 =	vmax.f32 v4, $0.0e+00;
	(pc) =	sbr.rel @p2 .LBB2_3-.Ltmp6, $3  }
0x104: {  	v6 =	vmax.f32 v6, $0.0e+00  }
0x105: {  	v4 =	vmul.f32 v6, v4;
	_ =	sdelay $0x1  }
0x106: {  	s2 =	sshra.s32 s3, $0x2;
	s3 =	sadd.s32 $0x40, s3;
	[tilespmem:v5+s29+$0x0] =	vst.idx.msk $0xffff, v4  }
0x107: {  	v4 =	vld [tilespmem:s2+$0x0];
	_ =	sdelay $0x4  }
0x108: {  	vm5 =	vgt.f32 v4, $-5.000000000e+08  }
0x109: {  	v5 =	vsel vm5, $0x1, v0  }
0x10a: {  	(xrf0) =	vadd.scan.msk.s32 $0xffff, v5;
	_ =	sdelay $0x4  }
0x10b: {  	s3 =	spop (v2sf)  }
0x10c: {  	s1 =	sadd.s32 s3, s1;
	v5, _, _ =	vpop (xrf0)  }
0x10d: {  	s1 =	sadd.s32 $0x80000000, s1;
	v6 =	vxor.u32 $0x80000000, v5  }
0x10e: {  	v7 =	vmov s1;
	(xrf0) =	vmax.scan.msk.u32 $0xffff, v6  }
0x10f: {  	v59 =	vadd.s32 $0xFFFFFFFF, v7  }
0x110: {  	v6 =	vbroadcast v59, $0x0;
	_ =	sdelay $0x1  }
0x111: {  	v5 =	vadd.s32 v5, v6  }
0x112: {  	v5 =	vnsel vm5, $0x410, v5  }
0x113: {  	v60, _, _ =	vpop (xrf0)  }
0x114: {  	(v2sf) =	vpush v60, $0xF;
	_ =	sdelay $0x2  }
0x115: {  	[tilespmem:v5+s23+$0x0] =	vst.idx.msk $0xffff, v4  }
0x116: {  	v4 =	vld [tilespmem:s2+$0x400]  }
0x117: {  	v61 =	vld [tilespmem:s2+$0x800]  }
0x118: {  	v62 =	vld [tilespmem:s2+$0xC00]  }
0x119: {  	v8 =	vld [tilespmem:s2+$0x1000];
	_ =	sdelay $0x4  }
0x11a: {  	v9 =	vsub.f32 v62, v4;
	v10 =	vsub.f32 v8, v61  }
0x11b: {  	[tilespmem:v5+s24+$0x0] =	vst.idx.msk $0xffff, v4  }
0x11c: {  	[tilespmem:v5+s25+$0x0] =	vst.idx.msk $0xffff, v61;
	v4 =	vmax.f32 v9, $0.0e+00;
	v63 =	vmax.f32 v10, $0.0e+00  }
0x11d: {  	[tilespmem:v5+s26+$0x0] =	vst.idx.msk $0xffff, v62;
	v4 =	vmul.f32 v63, v4;
	s19 =	spop (v2sf)  }
0x11e: {  	[tilespmem:v5+s28+$0x0] =	vst.idx.msk $0xffff, v8;
	s1 =	sadd.s32 s19, s1  }
0x11f: {  	[tilespmem:v5+s29+$0x0] =	vst.idx.msk $0xffff, v4;
	s14 =	sadd.s32 $0x80000000, s1  }
0x120: {  	[tilespmem:s14+$0x1400] =	vst v1  }
0x121: {  	[tilespmem:s14+$0x1410] =	vst v1  }
0x122: {  	[tilespmem:$0x2F00] =	vst v1  }
0x123: {  	[tilespmem:$0x3000] =	vst v2  }
0x124: {  	[tilespmem:$0x3100] =	vst v2  }
0x125: {  	[tilespmem:$0x3200] =	vst v2  }
0x126: {  	[tilespmem:$0x3300] =	vst v2  }
0x127: {  	[tilespmem:$0x2F10] =	vst v1  }
0x128: {  	[tilespmem:$0x3010] =	vst v2  }
0x129: {  	[tilespmem:$0x3110] =	vst v2  }
0x12a: {  	[tilespmem:$0x3210] =	vst v2  }
0x12b: {  	[tilespmem:$0x3310] =	vst v2  }
0x12c: {  	[tilespmem:$0x2F20] =	vst v1  }
0x12d: {  	[tilespmem:$0x3020] =	vst v2  }
0x12e: {  	[tilespmem:$0x3120] =	vst v2  }
0x12f: {  	[tilespmem:$0x3220] =	vst v2  }
0x130: {  	[tilespmem:$0x3320] =	vst v2  }
0x131: {  	[tilespmem:$0x2F30] =	vst v1  }
0x132: {  	[tilespmem:$0x3030] =	vst v2  }
0x133: {  	[tilespmem:$0x3130] =	vst v2  }
0x134: {  	[tilespmem:$0x3230] =	vst v2  }
0x135: {  	[tilespmem:$0x3330] =	vst v2  }
0x136: {  	[tilespmem:$0x2F40] =	vst v1  }
0x137: {  	[tilespmem:$0x3040] =	vst v2  }
0x138: {  	[tilespmem:$0x3140] =	vst v2  }
0x139: {  	[tilespmem:$0x3240] =	vst v2  }
0x13a: {  	[tilespmem:$0x3340] =	vst v2  }
0x13b: {  	[tilespmem:$0x2F50] =	vst v1  }
0x13c: {  	[tilespmem:$0x3050] =	vst v2  }
0x13d: {  	[tilespmem:$0x3150] =	vst v2  }
0x13e: {  	[tilespmem:$0x3250] =	vst v2  }
0x13f: {  	[tilespmem:$0x3350] =	vst v2  }
0x140: {  	[tilespmem:$0x2F60] =	vst v1  }
0x141: {  	[tilespmem:$0x3060] =	vst v2  }
0x142: {  	[tilespmem:$0x3160] =	vst v2  }
0x143: {  	[tilespmem:$0x3260] =	vst v2  }
0x144: {  	[tilespmem:$0x3360] =	vst v2  }
0x145: {  	[tilespmem:$0x2F70] =	vst v1  }
0x146: {  	[tilespmem:$0x3070] =	vst v2  }
0x147: {  	[tilespmem:$0x3170] =	vst v2  }
0x148: {  	[tilespmem:$0x3270] =	vst v2  }
0x149: {  	[tilespmem:$0x3370] =	vst v2  }
0x14a: {  	[tilespmem:$0x2F80] =	vst v1  }
0x14b: {  	[tilespmem:$0x3080] =	vst v2  }
0x14c: {  	[tilespmem:$0x3180] =	vst v2  }
0x14d: {  	[tilespmem:$0x3280] =	vst v2  }
0x14e: {  	[tilespmem:$0x3380] =	vst v2  }
0x14f: {  	[tilespmem:$0x2F90] =	vst v1  }
0x150: {  	[tilespmem:$0x3090] =	vst v2  }
0x151: {  	[tilespmem:$0x3190] =	vst v2  }
0x152: {  	[tilespmem:$0x3290] =	vst v2  }
0x153: {  	[tilespmem:$0x3390] =	vst v2  }
0x154: {  	[tilespmem:$0x2FA0] =	vst v1  }
0x155: {  	s1 =	sadd.s32 $0xF, s14;
	[tilespmem:$0x30A0] =	vst v2  }
0x156: {  	[tilespmem:$0x31A0] =	vst v2;
	s20 =	sand.u32 $0xF, s1  }
0x157: {  	[tilespmem:$0x32A0] =	vst v2;
	s21 =	sshra.s32 s1, $0x1F;
	p2 =	slt.s32 s1, $0x1;
	p3 =	sne.s32 s20, $0x0  }
0x158: {  	[tilespmem:$0x33A0] =	vst v2;
	s22 =	sshrl.u32 s21, $0x1C;
	p2 =	por !p2, !p3  }
0x159: {  	s2 =	simm.s32 $0x1;
	[tilespmem:$0x2FB0] =	vst v1;
	s1 =	sadd.s32 s22, s1;
	p2 =	por !p2, !p2  }
0x15a: {  	[tilespmem:$0x30B0] =	vst v2;
	s1 =	sshra.s32 s1, $0x4;
	s2 =	simm.s32 @!p2 $0x0  }
0x15b: {  	[tilespmem:$0x31B0] =	vst v2;
	s3 =	ssub.s32 s1, s2  }
0x15c: {  	[tilespmem:$0x32B0] =	vst v2;
	s1 =	sshll.u32 s3, $0x4  }
0x15d: {  	[tilespmem:$0x33B0] =	vst v2;
	p2 =	slt.s32 s1, $0x20  }
.Ltmp7:
0x15e: {  	[tilespmem:$0x2FC0] =	vst v1;
	(pc) =	sbr.rel @p2 .LBB2_5-.Ltmp7, $4  }
0x15f: {  	[tilespmem:$0x30C0] =	vst v2  }
0x160: {  	[tilespmem:$0x31C0] =	vst v2  }
0x161: {  	[tilespmem:$0x32C0] =	vst v2  }
0x162: {  	[tilespmem:$0x33C0] =	vst v2;
	s2 =	sand.u32 $0xFFFFFFE0, s1  }
0x163: {  	p3 =	sgt.s32 s2, $0x20  }
.Ltmp8:
0x164: {  	s6 =	simm.s32 $0x1410;
	(pc) =	sbr.rel @!p3 .LBB2_28-.Ltmp8, $3  }
0x165: {  	v5 =	vld [tilespmem:s6+$0x0];
	_ =	sdelay $0x1  }
0x166: {  	s5 =	simm.s32 $0x0  }
0x167: {  	v6 =	vimm.f32 $-2.000000000e+09;
	v4 =	vimm.s32 $0x0;
	s4 =	simm.s32 $0x20;
	p2 =	por $0x0, $0x0;
	v9 =	vld [tilespmem:s6+$0xFFFFFFF0];
	s6 =	simm.s32 $0x1430  }
0x168: {  	_ = 	snop  }
0x169: {  	p3 =	sgt.s32 s2, $0x40  }
.Ltmp9:
0x16a: {  	_ = 	snop;
	(pc) =	sbr.rel @!p3 .LBB2_30-.Ltmp9, $4  }
0x16b: {  	v7 =	vld [tilespmem:s6+$0x0]  }
0x16c: {  	vm5 =	vgt.f32 v9, v6  }
0x16d: {  	v10 =	vor.u32 s5, v3;
	s7 =	simm.s32 $0x10;
	v8 =	vsel vm5, v9, v6  }
0x16e: {  	s5 =	simm.s32 $0x40;
	p2 =	por $0x1, $0x1;
	v11 =	vor.u32 s7, v3;
	v9 =	vld [tilespmem:s6+$0xFFFFFFF0];
	s6 =	simm.s32 $0x1450;
	v10 =	vsel vm5, v10, v4;
	vm5 =	vgt.f32 v5, v8  }
.LBB2_31:
0x16f: {  	s7 =	smov.u32 s5;
	s5 =	sadd.s32 $0x20, s5  }
0x170: {  	v8 =	vsel vm5, v5, v8;
	v10 =	vsel vm5, v11, v10;
	v5 =	vmov v7;
	v7 =	vld [tilespmem:s6+$0x0];
	p3 =	slt.s32 s5, s2  }
.Ltmp10:
0x171: {  	(pc) =	sbr.rel @p3 .LBB2_31-.Ltmp10, $4  }
0x172: {  	_ = 	snop  }
0x173: {  	vm5 =	vgt.f32 v9, v8  }
0x174: {  	v11 =	vor.u32 s4, v3;
	s13 =	sadd.s32 $0x10, s4;
	s4 =	smov.u32 s7;
	v8 =	vsel vm5, v9, v8;
	v9 =	vld [tilespmem:s6+$0xFFFFFFF0]  }
0x175: {  	s6 =	sadd.s32 $0x20, s6;
	v10 =	vsel vm5, v11, v10;
	v11 =	vor.u32 s13, v3;
	vm5 =	vgt.f32 v5, v8  }
0x176: {  	v12 =	vmov v5;
	v5 =	vmov v7;
	s5 =	smov.u32 s4  }
.LBB2_33:
0x177: {  	v7 =	vsel @p2 vm5, v12, v8  }
.Ltmp11:
0x178: {  	v6 =	vpsel p2, v7, v6;
	(pc) =	sbr.rel .LBB2_6-.Ltmp11, $4  }
0x179: {  	v7 =	vsel @p2 vm5, v11, v10;
	vm5 =	vgt.f32 v9, v6  }
0x17a: {  	v63 =	vor.u32 s5, v3;
	s4 =	sadd.s32 $0x10, s5;
	v4 =	vpsel p2, v7, v4;
	v6 =	vsel vm5, v9, v6  }
0x17b: {  	v7 =	vor.u32 s4, v3;
	v4 =	vsel vm5, v63, v4;
	vm5 =	vgt.f32 v5, v6  }
0x17c: {  	v5 =	vsel vm5, v5, v6;
	v4 =	vsel vm5, v7, v4  }
.LBB2_5:
0x17d: {  	v4 =	vimm.s32 $0x0;
	v5 =	vimm.f32 $-2.000000000e+09  }
.LBB2_6:
0x17e: {  	p2 =	seq.s32 s2, s1  }
.Ltmp12:
0x17f: {  	_ = 	snop;
	(pc) =	sbr.rel @p2 .LBB2_9-.Ltmp12, $1  }
0x180: {  	_ =	sdelay $0x3  }
0x181: {  	s3 =	sshll.u32 s3, $0x6  }
0x182: {  	s3 =	sshra.s32 s3, $0x2  }
0x183: {  	s3 =	sand.u32 $0xFFFFFFE0, s3  }
0x184: {  	s3 =	sadd.s32 $0x1400, s3  }
.LBB2_8:
0x185: {  	v6 =	vld [tilespmem:s3+$0x0];
	v7 =	vor.u32 s2, v3;
	s2 =	sadd.s32 $0x10, s2  }
0x186: {  	p2 =	slt.s32 s2, s1  }
.Ltmp13:
0x187: {  	_ = 	snop;
	(pc) =	sbr.rel @p2 .LBB2_8-.Ltmp13, $3  }
0x188: {  	_ =	sdelay $0x1  }
0x189: {  	vm5 =	vgt.f32 v6, v5  }
0x18a: {  	s3 =	sadd.s32 $0x10, s3;
	v5 =	vsel vm5, v6, v5;
	v4 =	vsel vm5, v7, v4  }
.LBB2_9:
0x18b: {  	(xrf0) =	vmax.scan.msk.f32 $0xffff, v5;
	_ =	sdelay $0x5  }
0x18c: {  	v6, _, _ =	vpop (xrf0)  }
0x18d: {  	(v2sf) =	vpush v6, $0xF;
	_ =	sdelay $0xe  }
0x18e: {  	s1 =	spop (v2sf)  }
0x18f: {  	p2 =	sgt.f32 s1, $-5.000000000e+08  }
.Ltmp14:
0x190: {  	_ = 	snop;
	(pc) =	sbr.rel @!p2 .LBB2_18-.Ltmp14, $1  }
0x191: {  	_ =	sdelay $0x3  }
0x192: {  	v6 =	vbroadcast v6, $0xF;
	_ =	sdelay $0x1  }
0x193: {  	v4 =	vxor.u32 $0x80000000, v4;
	vm5 =	veq.f32 v5, v6  }
0x194: {  	v4 =	vnsel vm5, $0xC0000000, v4  }
0x195: {  	(xrf0) =	vmin.scan.msk.u32 $0xffff, v4;
	_ =	sdelay $0x5  }
0x196: {  	v4, _, _ =	vpop (xrf0)  }
0x197: {  	(v2sf) =	vpush v4, $0xF;
	_ =	sdelay $0xa  }
.Ltmp15:
0x198: {  	_ = 	snop;
	(pc) =	sbr.rel .LBB2_11-.Ltmp15, $2  }
0x199: {  	_ =	sdelay $0x2  }
0x19a: {  	s15 =	simm.s32 $0x0;
	s3 =	spop (v2sf)  }
.LBB2_17:
0x19b: {  	(xrf0) =	vmax.scan.msk.f32 $0xffff, v10;
	_ =	sdelay $0x5  }
0x19c: {  	v4, _, _ =	vpop (xrf0)  }
0x19d: {  	v5 =	vbroadcast v4, $0xF;
	_ =	sdelay $0x1  }
0x19e: {  	vm5 =	veq.f32 v10, v5;
	v5 =	vxor.u32 $0x80000000, v9  }
0x19f: {  	(v2sf) =	vpush v4, $0xF;
	v5 =	vnsel vm5, $0xC0000000, v5  }
0x1a0: {  	(xrf0) =	vmin.scan.msk.u32 $0xffff, v5;
	_ =	sdelay $0x5  }
0x1a1: {  	v4, _, _ =	vpop (xrf0)  }
0x1a2: {  	(v2sf) =	vpush v4, $0xF;
	_ =	sdelay $0x6  }
0x1a3: {  	p2 =	sgt.u32 s15, $0xC6;
	s1 =	spop (v2sf)  }
0x1a4: {  	p3 =	sgt.f32 @!p2 s1, $-5.000000000e+08;
	_ =	sdelay $0x1  }
0x1a5: {  	p2 =	por p2, !p3  }
.Ltmp16:
0x1a6: {  	_ = 	snop;
	(pc) =	sbr.rel @p2 .LBB2_18-.Ltmp16, $2  }
0x1a7: {  	_ =	sdelay $0x2  }
0x1a8: {  	s15 =	sadd.s32 $0x1, s15;
	s3 =	spop (v2sf)  }
.LBB2_11:
0x1a9: {  	p2 =	seq.s32 s15, $0x0;
	s2 =	sand.u32 $0x1F, s15  }
0x1aa: {  	p3 =	seq.s32 @!p2 s2, $0x0  }
0x1ab: {  	p2 =	por p2, !p3  }
.Ltmp17:
0x1ac: {  	s16 =	sadd.s32 $0xF, s14;
	(pc) =	sbr.rel @p2 .LBB2_12-.Ltmp17, $4  }
0x1ad: {  	s4 =	sshra.s32 s16, $0x1F  }
0x1ae: {  	s4 =	sshrl.u32 s4, $0x1C  }
0x1af: {  	s22 =	sadd.s32 s4, s16  }
0x1b0: {  	s2 =	sand.u32 $0xF, s16;
	s19 =	sshra.s32 s22, $0x4  }
0x1b1: {  	p2 =	slt.s32 s16, $0x1;
	p3 =	sne.s32 s2, $0x0  }
0x1b2: {  	p2 =	por !p2, !p3  }
0x1b3: {  	s2 =	simm.s32 $0x1;
	p2 =	por !p2, !p2  }
0x1b4: {  	s2 =	simm.s32 @!p2 $0x0  }
0x1b5: {  	s4 =	ssub.s32 s19, s2  }
0x1b6: {  	p2 =	slt.s32 s4, $0x1  }
.Ltmp18:
0x1b7: {  	_ = 	snop;
	(pc) =	sbr.rel @p2 .LBB2_41-.Ltmp18, $2  }
0x1b8: {  	_ =	sdelay $0x2  }
0x1b9: {  	s14 =	simm.s32 $0x0  }
0x1ba: {  	p3 =	sne.s32 s4, $0x1  }
.Ltmp19:
0x1bb: {  	_ = 	snop;
	(pc) =	sbr.rel @!p3 .LBB2_36-.Ltmp19, $4  }
0x1bc: {  	_ = 	snop  }
0x1bd: {  	s5 =	simm.s32 $0x1400;
	s19 =	simm.s32 $0x1880  }
0x1be: {  	s16 =	simm.s32 $0x1D00;
	s13 =	simm.s32 $0x2180;
	s2 =	simm.s32 $0x2600  }
0x1bf: {  	s3 =	simm.s32 $0x2A80;
	s4 =	sadd.s32 $0xFFFFFFFF, s4;
	p2 =	por $0x0, $0x0;
	v4 =	vld [tilespmem:s5+$0x0]  }
0x1c0: {  	_ =	sdelay $0x3  }
0x1c1: {  	vm5 =	vgt.f32 v4, $-5.000000000e+08  }
0x1c2: {  	v5 =	vsel vm5, $0x1, v0  }
0x1c3: {  	(xrf0) =	vadd.scan.msk.s32 $0xffff, v5;
	_ =	sdelay $0x2  }
0x1c4: {  	v5 =	vmov s14  }
0x1c5: {  	v5 =	vadd.s32 $0xFFFFFFFF, v5  }
0x1c6: {  	v5 =	vbroadcast v5, $0x0  }
0x1c7: {  	v6, _, _ =	vpop (xrf0)  }
0x1c8: {  	v5 =	vadd.s32 v6, v5;
	v6 =	vxor.u32 $0x80000000, v6  }
0x1c9: {  	(xrf0) =	vmax.scan.msk.u32 $0xffff, v6  }
0x1ca: {  	v5 =	vnsel vm5, $0x410, v5  }
0x1cb: {  	v7 =	vld [tilespmem:s3+$0x0]  }
0x1cc: {  	v8 =	vld [tilespmem:s19+$0x0]  }
0x1cd: {  	v9 =	vld [tilespmem:s16+$0x0]  }
0x1ce: {  	v10 =	vld [tilespmem:s13+$0x0]  }
0x1cf: {  	v11 =	vld [tilespmem:s2+$0x0];
	[tilespmem:v5+s23+$0x0] =	vst.idx.msk $0xffff, v4;
	v4, _, _ =	vpop (xrf0)  }
0x1d0: {  	(v2sf) =	vpush v4, $0xF  }
0x1d1: {  	p3 =	sne.s32 s4, $0x1;
	[tilespmem:v5+s24+$0x0] =	vst.idx.msk $0xffff, v8  }
.Ltmp20:
0x1d2: {  	[tilespmem:v5+s25+$0x0] =	vst.idx.msk $0xffff, v9;
	(pc) =	sbr.rel @!p3 .LBB2_38-.Ltmp20, $4  }
0x1d3: {  	[tilespmem:v5+s26+$0x0] =	vst.idx.msk $0xffff, v10  }
0x1d4: {  	s20 =	simm.s32 $0x1410;
	s21 =	sadd.s32 $0xFFFFFFFF, s4;
	s3 =	simm.s32 $0x2A90;
	[tilespmem:v5+s28+$0x0] =	vst.idx.msk $0xffff, v11  }
0x1d5: {  	p2 =	por $0x1, $0x1;
	s4 =	simm.s32 $0x2600;
	s5 =	simm.s32 $0x2180;
	[tilespmem:v5+s29+$0x0] =	vst.idx.msk $0xffff, v7  }
0x1d6: {  	s6 =	simm.s32 $0x1D00;
	s7 =	simm.s32 $0x1880;
	s22 =	simm.s32 $0x0;
	v4 =	vld [tilespmem:s20+$0x0]  }
.LBB2_39:
0x1d7: {  	p3 =	sne.s32 s21, $0x1;
	v5 =	vld [tilespmem:s3+$0x0];
	s4 =	sadd.s32 $0x10, s4  }
0x1d8: {  	s5 =	sadd.s32 $0x10, s5;
	v6 =	vld [tilespmem:s4+$0x0]  }
0x1d9: {  	s6 =	sadd.s32 $0x10, s6;
	v7 =	vld [tilespmem:s5+$0x0]  }
0x1da: {  	s7 =	sadd.s32 $0x10, s7;
	v8 =	vld [tilespmem:s6+$0x0]  }
0x1db: {  	v9 =	vld [tilespmem:s7+$0x0];
	vm5 =	vgt.f32 v4, $-5.000000000e+08  }
0x1dc: {  	v10 =	vsel vm5, $0x1, v0  }
0x1dd: {  	(xrf0) =	vadd.scan.msk.s32 $0xffff, v10;
	_ =	sdelay $0x1  }
0x1de: {  	s8 =	spop (v2sf)  }
0x1df: {  	s8 =	sadd.s32 s8, s22  }
0x1e0: {  	s22 =	sadd.s32 $0x80000000, s8  }
0x1e1: {  	v10 =	vmov s22  }
0x1e2: {  	v10 =	vadd.s32 $0xFFFFFFFF, v10;
	v11, _, _ =	vpop (xrf0)  }
0x1e3: {  	v10 =	vbroadcast v10, $0x0;
	v12 =	vxor.u32 $0x80000000, v11  }
0x1e4: {  	(xrf0) =	vmax.scan.msk.u32 $0xffff, v12  }
0x1e5: {  	v10 =	vadd.s32 v11, v10  }
0x1e6: {  	v10 =	vnsel vm5, $0x410, v10;
	_ =	sdelay $0x3  }
0x1e7: {  	v11, _, _ =	vpop (xrf0)  }
0x1e8: {  	[tilespmem:v10+s23+$0x0] =	vst.idx.msk $0xffff, v4;
	(v2sf) =	vpush v11, $0xF  }
0x1e9: {  	[tilespmem:v10+s24+$0x0] =	vst.idx.msk $0xffff, v9  }
.Ltmp21:
0x1ea: {  	[tilespmem:v10+s25+$0x0] =	vst.idx.msk $0xffff, v8;
	(pc) =	sbr.rel @p3 .LBB2_39-.Ltmp21, $4  }
0x1eb: {  	[tilespmem:v10+s26+$0x0] =	vst.idx.msk $0xffff, v7  }
0x1ec: {  	[tilespmem:v10+s28+$0x0] =	vst.idx.msk $0xffff, v6  }
0x1ed: {  	s20 =	sadd.s32 $0x10, s20;
	[tilespmem:v10+s29+$0x0] =	vst.idx.msk $0xffff, v5  }
0x1ee: {  	s21 =	sadd.s32 $0xFFFFFFFF, s21;
	s3 =	sadd.s32 $0x10, s3;
	v4 =	vld [tilespmem:s20+$0x0]  }
.LBB2_40:
0x1ef: {  	_ =	sdelay $0x3  }
0x1f0: {  	vm5 =	vgt.f32 v4, $-5.000000000e+08  }
0x1f1: {  	v5 =	vsel vm5, $0x1, v0  }
0x1f2: {  	(xrf0) =	vadd.scan.msk.s32 $0xffff, v5;
	_ =	sdelay $0x5  }
0x1f3: {  	v5, _, _ =	vpop (xrf0)  }
0x1f4: {  	v6 =	vxor.u32 $0x80000000, v5  }
0x1f5: {  	(xrf0) =	vmax.scan.msk.u32 $0xffff, v6;
	_ =	sdelay $0x4  }
0x1f6: {  	s8 =	spop @p2 (v2sf)  }
0x1f7: {  	s8 =	sadd.s32 @p2 s8, s22;
	v6, _, _ =	vpop (xrf0)  }
0x1f8: {  	s8 =	sadd.s32 @p2 $0x80000000, s8;
	(v2sf) =	vpush v6, $0xF  }
0x1f9: {  	s14 =	smov.u32 @p2 s8  }
0x1fa: {  	v62 =	vmov s14  }
0x1fb: {  	v6 =	vadd.s32 $0xFFFFFFFF, v62  }
0x1fc: {  	v6 =	vbroadcast v6, $0x0;
	_ =	sdelay $0x1  }
0x1fd: {  	s7 =	sadd.s32 @p2 $0x10, s7;
	v5 =	vadd.s32 v5, v6  }
0x1fe: {  	v63 =	vld [tilespmem:s3+$0x0];
	s3 =	sadd.s32 @p2 $0x10, s6;
	s19 =	smov.u32 @p2 s7;
	v5 =	vnsel vm5, $0x410, v5  }
0x1ff: {  	s5 =	sadd.s32 @p2 $0x10, s5;
	s16 =	smov.u32 @p2 s3;
	v7 =	vld [tilespmem:s19+$0x0]  }
0x200: {  	s3 =	sadd.s32 @p2 $0x10, s4;
	s13 =	smov.u32 @p2 s5;
	v8 =	vld [tilespmem:s16+$0x0]  }
0x201: {  	s2 =	smov.u32 @p2 s3;
	v9 =	vld [tilespmem:s13+$0x0]  }
0x202: {  	v10 =	vld [tilespmem:s2+$0x0]  }
0x203: {  	[tilespmem:v5+s23+$0x0] =	vst.idx.msk $0xffff, v4  }
0x204: {  	[tilespmem:v5+s24+$0x0] =	vst.idx.msk $0xffff, v7  }
0x205: {  	[tilespmem:v5+s25+$0x0] =	vst.idx.msk $0xffff, v8  }
0x206: {  	[tilespmem:v5+s26+$0x0] =	vst.idx.msk $0xffff, v9;
	s22 =	spop (v2sf)  }
0x207: {  	[tilespmem:v5+s28+$0x0] =	vst.idx.msk $0xffff, v10;
	s2 =	sadd.s32 s22, s14  }
0x208: {  	[tilespmem:v5+s29+$0x0] =	vst.idx.msk $0xffff, v63;
	s14 =	sadd.s32 $0x80000000, s2  }
.LBB2_41:
0x209: {  	s16 =	sadd.s32 $0xF, s14  }
0x20a: {  	s2 =	sand.u32 $0xF, s16  }
0x20b: {  	s3 =	sshra.s32 s16, $0x1F;
	p2 =	slt.s32 s16, $0x1;
	p3 =	sne.s32 s2, $0x0  }
0x20c: {  	s3 =	sshrl.u32 s3, $0x1C;
	p2 =	por !p2, !p3  }
0x20d: {  	s4 =	simm.s32 $0x1;
	s3 =	sadd.s32 s3, s16;
	p2 =	por !p2, !p2  }
0x20e: {  	s19 =	sshra.s32 s3, $0x4;
	s4 =	simm.s32 @!p2 $0x0  }
0x20f: {  	s5 =	ssub.s32 s19, s4  }
0x210: {  	s3 =	sshll.u32 s5, $0x4  }
0x211: {  	p2 =	slt.s32 s3, $0x20  }
.Ltmp22:
0x212: {  	_ = 	snop;
	(pc) =	sbr.rel @p2 .LBB2_42-.Ltmp22, $3  }
0x213: {  	_ =	sdelay $0x1  }
0x214: {  	[tilespmem:s14+$0x1400] =	vst v1  }
0x215: {  	[tilespmem:s14+$0x1410] =	vst v1;
	s4 =	sand.u32 $0xFFFFFFE0, s3  }
0x216: {  	p3 =	sgt.s32 s4, $0x20  }
.Ltmp23:
0x217: {  	s13 =	simm.s32 $0x1410;
	(pc) =	sbr.rel @!p3 .LBB2_48-.Ltmp23, $3  }
0x218: {  	v5 =	vld [tilespmem:s13+$0x0];
	_ =	sdelay $0x1  }
0x219: {  	s7 =	simm.s32 $0x0  }
0x21a: {  	v6 =	vimm.f32 $-2.000000000e+09;
	v4 =	vimm.s32 $0x0;
	s6 =	simm.s32 $0x20;
	p2 =	por $0x0, $0x0;
	v9 =	vld [tilespmem:s13+$0xFFFFFFF0];
	s13 =	simm.s32 $0x1430  }
0x21b: {  	_ = 	snop  }
0x21c: {  	p3 =	sgt.s32 s4, $0x40  }
.Ltmp24:
0x21d: {  	_ = 	snop;
	(pc) =	sbr.rel @!p3 .LBB2_50-.Ltmp24, $4  }
0x21e: {  	v7 =	vld [tilespmem:s13+$0x0]  }
0x21f: {  	vm5 =	vgt.f32 v9, v6  }
0x220: {  	v10 =	vor.u32 s7, v3;
	s8 =	simm.s32 $0x10;
	v8 =	vsel vm5, v9, v6  }
0x221: {  	s7 =	simm.s32 $0x40;
	p2 =	por $0x1, $0x1;
	v11 =	vor.u32 s8, v3;
	v9 =	vld [tilespmem:s13+$0xFFFFFFF0];
	s13 =	simm.s32 $0x1450;
	v10 =	vsel vm5, v10, v4;
	vm5 =	vgt.f32 v5, v8  }
.LBB2_51:
0x222: {  	s8 =	smov.u32 s7;
	s7 =	sadd.s32 $0x20, s7  }
0x223: {  	v8 =	vsel vm5, v5, v8;
	v10 =	vsel vm5, v11, v10;
	v5 =	vmov v7;
	v7 =	vld [tilespmem:s13+$0x0];
	p3 =	slt.s32 s7, s4  }
.Ltmp25:
0x224: {  	(pc) =	sbr.rel @p3 .LBB2_51-.Ltmp25, $4  }
0x225: {  	_ = 	snop  }
0x226: {  	vm5 =	vgt.f32 v9, v8  }
0x227: {  	v11 =	vor.u32 s6, v3;
	s20 =	sadd.s32 $0x10, s6;
	s6 =	smov.u32 s8;
	v8 =	vsel vm5, v9, v8;
	v9 =	vld [tilespmem:s13+$0xFFFFFFF0]  }
0x228: {  	s13 =	sadd.s32 $0x20, s13;
	v10 =	vsel vm5, v11, v10;
	v11 =	vor.u32 s20, v3;
	vm5 =	vgt.f32 v5, v8  }
0x229: {  	v12 =	vmov v5;
	v5 =	vmov v7;
	s7 =	smov.u32 s6  }
.LBB2_53:
0x22a: {  	v7 =	vsel @p2 vm5, v12, v8  }
.Ltmp26:
0x22b: {  	v6 =	vpsel p2, v7, v6;
	(pc) =	sbr.rel .LBB2_43-.Ltmp26, $4  }
0x22c: {  	v7 =	vsel @p2 vm5, v11, v10;
	vm5 =	vgt.f32 v9, v6  }
0x22d: {  	v63 =	vor.u32 s7, v3;
	s6 =	sadd.s32 $0x10, s7;
	v4 =	vpsel p2, v7, v4;
	v6 =	vsel vm5, v9, v6  }
0x22e: {  	v7 =	vor.u32 s6, v3;
	v4 =	vsel vm5, v63, v4;
	vm5 =	vgt.f32 v5, v6  }
0x22f: {  	v5 =	vsel vm5, v5, v6;
	v4 =	vsel vm5, v7, v4  }
.LBB2_42:
0x230: {  	v4 =	vimm.s32 $0x0;
	v5 =	vimm.f32 $-2.000000000e+09  }
.LBB2_43:
0x231: {  	p2 =	seq.s32 s4, s3  }
.Ltmp27:
0x232: {  	_ = 	snop;
	(pc) =	sbr.rel @p2 .LBB2_46-.Ltmp27, $1  }
0x233: {  	_ =	sdelay $0x3  }
0x234: {  	s5 =	sshll.u32 s5, $0x6  }
0x235: {  	s5 =	sshra.s32 s5, $0x2  }
0x236: {  	s5 =	sand.u32 $0xFFFFFFE0, s5  }
0x237: {  	s5 =	sadd.s32 $0x1400, s5  }
.LBB2_45:
0x238: {  	v6 =	vld [tilespmem:s5+$0x0];
	v7 =	vor.u32 s4, v3;
	s4 =	sadd.s32 $0x10, s4  }
0x239: {  	p2 =	slt.s32 s4, s3  }
.Ltmp28:
0x23a: {  	_ = 	snop;
	(pc) =	sbr.rel @p2 .LBB2_45-.Ltmp28, $3  }
0x23b: {  	_ =	sdelay $0x1  }
0x23c: {  	vm5 =	vgt.f32 v6, v5  }
0x23d: {  	s5 =	sadd.s32 $0x10, s5;
	v5 =	vsel vm5, v6, v5;
	v4 =	vsel vm5, v7, v4  }
.LBB2_46:
0x23e: {  	(xrf0) =	vmax.scan.msk.f32 $0xffff, v5;
	_ =	sdelay $0x5  }
0x23f: {  	v6, _, _ =	vpop (xrf0)  }
0x240: {  	v6 =	vbroadcast v6, $0xF;
	_ =	sdelay $0x1  }
0x241: {  	v4 =	vxor.u32 $0x80000000, v4;
	vm5 =	veq.f32 v5, v6  }
0x242: {  	v4 =	vnsel vm5, $0xC0000000, v4  }
0x243: {  	(xrf0) =	vmin.scan.msk.u32 $0xffff, v4;
	_ =	sdelay $0x5  }
0x244: {  	v4, _, _ =	vpop (xrf0)  }
0x245: {  	(v2sf) =	vpush v4, $0xF;
	_ =	sdelay $0xe  }
0x246: {  	s3 =	spop (v2sf)  }
.LBB2_12:
0x247: {  	s3 =	sxor.u32 $0x80000000, s3  }
0x248: {  	v8 =	vmov s3;
	_ =	sdelay $0x2  }
0x249: {  	v4 =	vmov s15  }
0x24a: {  	v5 =	vmov s1;
	v9 =	vnsel vm0, $0xD0, v4  }
0x24b: {  	v7 =	vadd.f32 $0.0e+00, v5;
	v4 =	vld.idx.msk [tilespmem:v8+s24+$0x0], $0xffff  }
0x24c: {  	p2 =	slt.s32 s16, $0x1;
	p3 =	sne.s32 s2, $0x0;
	v5 =	vld.idx.msk [tilespmem:v8+s25+$0x0], $0xffff  }
0x24d: {  	p2 =	por !p2, !p3;
	v10 =	vbroadcast v7, $0x0;
	v6 =	vld.idx.msk [tilespmem:v8+s26+$0x0], $0xffff  }
0x24e: {  	s1 =	simm.s32 $0x1;
	p2 =	por !p2, !p2;
	v7 =	vld.idx.msk [tilespmem:v8+s28+$0x0], $0xffff  }
0x24f: {  	s1 =	simm.s32 @!p2 $0x0;
	[tilespmem:v9+s30+$0x0] =	vst.idx.msk $0xffff, v10;
	v10 =	vnsel vm0, $0x410, v8  }
0x250: {  	s19 =	ssub.s32 s19, s1;
	[tilespmem:v9+s31+$0x0] =	vst.idx.msk $0xffff, v4  }
0x251: {  	s16 =	sshll.u32 s19, $0x4;
	[tilespmem:v9+s0+$0x0] =	vst.idx.msk $0xffff, v5  }
0x252: {  	p2 =	slt.s32 s16, $0x20;
	[tilespmem:v9+s9+$0x0] =	vst.idx.msk $0xffff, v6  }
.Ltmp29:
0x253: {  	[tilespmem:v9+s10+$0x0] =	vst.idx.msk $0xffff, v7;
	(pc) =	sbr.rel @p2 .LBB2_13-.Ltmp29, $3  }
0x254: {  	[tilespmem:v10+s23+$0x0] =	vst.idx.msk $0xffff, v1  }
0x255: {  	v8 =	vld.idx.msk [tilespmem:v8+s29+$0x0], $0xffff;
	_ =	sdelay $0x1  }
0x256: {  	s1 =	sand.u32 $0xFFFFFFE0, s16  }
0x257: {  	s4 =	simm.s32 $0x1890  }
0x258: {  	s3 =	simm.s32 $0x1D10;
	v11 =	vld [tilespmem:s4+$0x0]  }
0x259: {  	s6 =	simm.s32 $0x2190;
	v13 =	vld [tilespmem:s3+$0x0]  }
0x25a: {  	s5 =	simm.s32 $0x2610;
	v14 =	vld [tilespmem:s6+$0x0]  }
0x25b: {  	v15 =	vld [tilespmem:s5+$0x0]  }
0x25c: {  	v17 =	vld [tilespmem:s4+$0xFFFFFFF0]  }
0x25d: {  	v19 =	vld [tilespmem:s3+$0xFFFFFFF0]  }
0x25e: {  	p4 =	sgt.s32 s1, $0x20;
	v20 =	vld [tilespmem:s6+$0xFFFFFFF0]  }
.Ltmp30:
0x25f: {  	_ = 	snop;
	(pc) =	sbr.rel @!p4 .LBB2_55-.Ltmp30, $4  }
0x260: {  	_ = 	snop  }
0x261: {  	v10 =	vimm.f32 $-2.000000000e+09;
	v9 =	vimm.s32 $0x0;
	s2 =	simm.s32 $0x2A90;
	v18 =	vld [tilespmem:s5+$0xFFFFFFF0];
	v12 =	vmax.f32 v4, v11  }
0x262: {  	s13 =	simm.s32 $0x0;
	s20 =	simm.s32 $0x1410;
	s21 =	simm.s32 $0x20;
	v16 =	vld [tilespmem:s2+$0x0];
	v11 =	vmax.f32 v5, v13;
	v22 =	vmin.f32 v6, v14;
	v23 =	vmin.f32 v7, v15  }
0x263: {  	p2 =	por $0x0, $0x0;
	p3 =	por $0x0, $0x0;
	v24 =	vmax.f32 v4, v17;
	v25 =	vmax.f32 v5, v19;
	v26 =	vmin.f32 v6, v20;
	v19 =	vld [tilespmem:s2+$0xFFFFFFF0];
	s2 =	simm.s32 $0x18B0  }
0x264: {  	_ =	sdelay $0x1  }
0x265: {  	v12 =	vsub.f32 v22, v12;
	v14 =	vld [tilespmem:s2+$0x0];
	s3 =	simm.s32 $0x1D30;
	v13 =	vmin.f32 v7, v18  }
0x266: {  	v15 =	vsub.f32 v26, v24;
	s4 =	simm.s32 $0x21B0;
	v17 =	vld [tilespmem:s3+$0x0];
	v13 =	vsub.f32 v13, v25  }
0x267: {  	v11 =	vsub.f32 v23, v11;
	v22 =	vld [tilespmem:s4+$0x0]  }
0x268: {  	s5 =	simm.s32 $0x2630;
	v26 =	vld [tilespmem:s4+$0xFFFFFFF0];
	v12 =	vmax.f32 v12, $0.0e+00;
	v15 =	vmax.f32 v15, $0.0e+00;
	v13 =	vmax.f32 v13, $0.0e+00  }
0x269: {  	v11 =	vmax.f32 v11, $0.0e+00;
	v21 =	vmul.f32 v13, v15;
	v13 =	vadd.f32 v19, v8;
	v15 =	vld [tilespmem:s5+$0x0]  }
0x26a: {  	v16 =	vadd.f32 v16, v8;
	v20 =	vmul.f32 v11, v12;
	v19 =	vld [tilespmem:s2+$0xFFFFFFF0]  }
0x26b: {  	p4 =	sgt.s32 s1, $0x40;
	v11 =	vsub.f32 v13, v21;
	v13 =	vld [tilespmem:s3+$0xFFFFFFF0]  }
.Ltmp31:
0x26c: {  	v16 =	vsub.f32 v16, v20;
	v12 =	vmax.f32 v4, v14;
	(pc) =	sbr.rel @!p4 .LBB2_57-.Ltmp31, $4  }
0x26d: {  	v22 =	vmin.f32 v6, v22;
	v26 =	vmin.f32 v6, v26;
	vm7 =	vgt.f32 v11, $0.0e+00  }
0x26e: {  	s8 =	simm.s32 $0x2AB0;
	v18 =	vld [tilespmem:s5+$0xFFFFFFF0];
	vm5 =	vgt.f32 v16, $0.0e+00;
	v14 =	vnsel vm7, $0x3F800000, v11;
	v11 =	vmax.f32 v5, v17  }
0x26f: {  	v17 =	vnsel vm5, $0x3F800000, v16;
	v16 =	vld [tilespmem:s8+$0x0];
	v23 =	vmin.f32 v7, v15;
	(erf) = vrcp.f32 v14  }
0x270: {  	s22 =	simm.s32 $0x40;
	p2 =	por $0x1, $0x1;
	s4 =	simm.s32 $0x18D0;
	v24 =	vmax.f32 v4, v19;
	v19 =	vld [tilespmem:s8+$0xFFFFFFF0];
	(erf) = vrcp.f32 v17;
	v25 =	vmax.f32 v5, v13  }
0x271: {  	_ =	sdelay $0x1  }
0x272: {  	v11 =	vsub.f32 v23, v11  }
0x273: {  	v14 =	vld [tilespmem:s4+$0x0];
	v12 =	vsub.f32 v22, v12;
	s2 =	simm.s32 $0x1D50;
	v17 =	vsub.f32 v26, v24;
	v13 =	vmin.f32 v7, v18  }
0x274: {  	v15 =	vld [tilespmem:s2+$0x0];
	v11 =	vmax.f32 v11, $0.0e+00;
	v13 =	vsub.f32 v13, v25  }
0x275: {  	vm8 =	vmmov vm5;
	v12 =	vmax.f32 v12, $0.0e+00;
	v17 =	vmax.f32 v17, $0.0e+00  }
0x276: {  	v22 =	vld [tilespmem:s20+$0x0];
	v16 =	vadd.f32 v16, v8;
	v18 =	vmax.f32 v13, $0.0e+00;
	v13 =	vmul.f32 v11, v12  }
0x277: {  	v23 =	vor.u32 s13, v3;
	s5 =	simm.s32 $0x10;
	v17 =	vmul.f32 v18, v17;
	v18 =	vadd.f32 v19, v8;
	v19 =	vld [tilespmem:s20+$0xFFFFFFF0];
	v11 =	vpop (erf)  }
0x278: {  	s3 =	simm.s32 $0x21D0;
	v27 =	vld [tilespmem:s4+$0xFFFFFFF0];
	v25 =	vor.u32 s5, v3;
	v16 =	vsub.f32 v16, v13;
	v21 =	vmul.f32 v11, v21  }
0x279: {  	s13 =	simm.s32 $0x2650;
	v24 =	vld [tilespmem:s3+$0x0];
	v12 =	vmax.f32 v4, v14;
	v11 =	vmax.f32 v5, v15;
	v14 =	vsub.f32 v18, v17;
	v15 =	vpop (erf)  }
0x27a: {  	v26 =	vld [tilespmem:s13+$0x0];
	vm5 =	vgt.f32 v16, $0.0e+00;
	v15 =	vmul.f32 v15, v20;
	vm9 =	vgt.f32 v21, $5.000000000e-01  }
0x27b: {  	vm6 =	vgt.f32 v14, $0.0e+00;
	v16 =	vnsel vm5, $0x3F800000, v16;
	v21 =	vld [tilespmem:s3+$0xFFFFFFF0];
	vm7 =	vmand vm7, vm9  }
0x27c: {  	p4 =	sgt.s32 s1, $0x60;
	v20 =	vld [tilespmem:s2+$0xFFFFFFF0];
	v14 =	vnsel vm6, $0x3F800000, v14;
	v19 =	vsel vm7, $0xCE6E6B28, v19;
	vm7 =	vgt.f32 v15, $5.000000000e-01  }
.Ltmp32:
0x27d: {  	v18 =	vld [tilespmem:s13+$0xFFFFFFF0];
	(erf) = vrcp.f32 v14;
	vm15 =	vgt.f32 v19, v10;
	vm7 =	vmand vm8, vm7;
	(pc) =	sbr.rel @!p4 .LBB2_59-.Ltmp32, $4  }
0x27e: {  	s5 =	simm.s32 $0x2AD0;
	(erf) = vrcp.f32 v16;
	v14 =	vsel vm15, v19, v10;
	v28 =	vsel vm15, v23, v9  }
0x27f: {  	v16 =	vld [tilespmem:s5+$0x0];
	v29 =	vsel vm7, $0xCE6E6B28, v22;
	v22 =	vmin.f32 v6, v24;
	v23 =	vmin.f32 v7, v26  }
0x280: {  	s6 =	simm.s32 $0x60;
	[tilespmem:s20+$0xFFFFFFF0] =	vst v19;
	v24 =	vmax.f32 v4, v27;
	vm7 =	vgt.f32 v29, v14;
	v26 =	vmin.f32 v6, v21  }
0x281: {  	s7 =	simm.s32 $0x18F0;
	p3 =	por $0x1, $0x1;
	s4 =	simm.s32 $0x1410;
	v19 =	vld [tilespmem:s5+$0xFFFFFFF0];
	[tilespmem:s20+$0x0] =	vst v29;
	v15 =	vsel vm7, v29, v14;
	v14 =	vsel vm7, v25, v28;
	v25 =	vmax.f32 v5, v20  }
.LBB2_60:
0x282: {  	v20 =	vld [tilespmem:s7+$0x0];
	v18 =	vmin.f32 v7, v18;
	v12 =	vsub.f32 v22, v12;
	v11 =	vsub.f32 v23, v11;
	s2 =	sadd.s32 $0x20, s2  }
0x283: {  	v22 =	vsub.f32 v26, v24;
	vm7 =	vmmov vm5;
	v21 =	vld [tilespmem:s2+$0x0];
	v18 =	vsub.f32 v18, v25  }
0x284: {  	s4 =	sadd.s32 $0x20, s4;
	v12 =	vmax.f32 v12, $0.0e+00;
	v26 =	vmax.f32 v11, $0.0e+00;
	v16 =	vadd.f32 v16, v8  }
0x285: {  	v22 =	vmax.f32 v22, $0.0e+00;
	v18 =	vmax.f32 v18, $0.0e+00;
	v23 =	vmul.f32 v26, v12;
	v24 =	vld [tilespmem:s4+$0x0]  }
0x286: {  	s3 =	sadd.s32 $0x20, s3;
	s8 =	sadd.s32 $0x10, s21;
	v25 =	vor.u32 s21, v3;
	s21 =	smov.u32 s22;
	v18 =	vmul.f32 v18, v22;
	v19 =	vadd.f32 v19, v8;
	v22 =	vld [tilespmem:s4+$0xFFFFFFF0];
	v11 =	vpop (erf)  }
0x287: {  	s13 =	sadd.s32 $0x20, s13;
	v27 =	vor.u32 s8, v3;
	s22 =	smov.u32 s6;
	v26 =	vld [tilespmem:s3+$0x0];
	v16 =	vsub.f32 v16, v23;
	v29 =	vmul.f32 v11, v17  }
0x288: {  	v12 =	vmax.f32 v4, v20;
	v28 =	vld [tilespmem:s13+$0x0];
	v11 =	vmax.f32 v5, v21;
	v19 =	vsub.f32 v19, v18;
	v20 =	vpop (erf)  }
0x289: {  	v17 =	vmovc v18;
	v21 =	vld [tilespmem:s7+$0xFFFFFFF0];
	vm5 =	vgt.f32 v16, $0.0e+00;
	vm8 =	vgt.f32 v29, $5.000000000e-01;
	v20 =	vmul.f32 v20, v13;
	v13 =	vmovc v23  }
0x28a: {  	s6 =	sadd.s32 $0x20, s6;
	v29 =	vld [tilespmem:s2+$0xFFFFFFF0];
	v23 =	vnsel vm5, $0x3F800000, v16;
	vm8 =	vmand vm6, vm8;
	vm6 =	vgt.f32 v19, $0.0e+00  }
0x28b: {  	p4 =	slt.s32 s6, s1;
	v30 =	vld [tilespmem:s3+$0xFFFFFFF0];
	v16 =	vnsel vm6, $0x3F800000, v19;
	v19 =	vsel vm8, $0xCE6E6B28, v22;
	vm8 =	vgt.f32 v20, $5.000000000e-01  }
.Ltmp33:
0x28c: {  	v18 =	vld [tilespmem:s13+$0xFFFFFFF0];
	(erf) = vrcp.f32 v16;
	[tilespmem:s4+$0xFFFFFFF0] =	vst v19;
	vm9 =	vgt.f32 v19, v15;
	vm7 =	vmand vm7, vm8;
	(pc) =	sbr.rel @p4 .LBB2_60-.Ltmp33, $4  }
0x28d: {  	s5 =	sadd.s32 $0x20, s5;
	v15 =	vsel vm9, v19, v15;
	v14 =	vsel vm9, v25, v14;
	v19 =	vsel vm7, $0xCE6E6B28, v24  }
0x28e: {  	v22 =	vmin.f32 v6, v26;
	v16 =	vld [tilespmem:s5+$0x0];
	(erf) = vrcp.f32 v23;
	[tilespmem:s4+$0x0] =	vst v19;
	vm7 =	vgt.f32 v19, v15  }
0x28f: {  	v23 =	vmin.f32 v7, v28;
	v15 =	vsel vm7, v19, v15;
	v14 =	vsel vm7, v27, v14  }
0x290: {  	s7 =	sadd.s32 $0x20, s7;
	v24 =	vmax.f32 v4, v21;
	v25 =	vmax.f32 v5, v29;
	v26 =	vmin.f32 v6, v30;
	v19 =	vld [tilespmem:s5+$0xFFFFFFF0]  }
0x291: {  	s13 =	smov.u32 s22;
	v21 =	vmov v17;
	v20 =	vmov v13;
	vm7 =	vmmov vm6  }
.LBB2_62:
0x292: {  	v13 =	vmin.f32 v7, v18  }
0x293: {  	v17 =	vsub.f32 v26, v24;
	v13 =	vsub.f32 v13, v25  }
0x294: {  	v12 =	vsub.f32 v22, v12  }
0x295: {  	v11 =	vsub.f32 v23, v11;
	v17 =	vmax.f32 v17, $0.0e+00;
	v13 =	vmax.f32 v13, $0.0e+00  }
0x296: {  	v54 =	vadd.f32 v19, v8;
	v13 =	vmul.f32 v13, v17  }
0x297: {  	v12 =	vmax.f32 v12, $0.0e+00;
	v11 =	vmax.f32 v11, $0.0e+00  }
0x298: {  	v16 =	vadd.f32 v16, v8;
	v11 =	vmul.f32 v11, v12;
	v55 =	vsub.f32 v54, v13;
	_ =	sdelay $0x1  }
0x299: {  	v16 =	vsub.f32 v16, v11;
	vm6 =	vgt.f32 v55, $0.0e+00  }
0x29a: {  	v12 =	vnsel vm6, $0x3F800000, v55  }
0x29b: {  	vm8 =	vgt.f32 v16, $0.0e+00;
	(erf) = vrcp.f32 v12  }
0x29c: {  	s2 =	sadd.s32 @p3 $0x20, s4;
	s3 =	simm.s32 $0x1410;
	v56 =	vnsel vm8, $0x3F800000, v16  }
0x29d: {  	s3 =	smov.u32 @p3 s2;
	(erf) = vrcp.f32 v56  }
0x29e: {  	v16 =	vld @p2 [tilespmem:s3+$0xFFFFFFF0];
	v12 =	vpop @p2 (erf)  }
0x29f: {  	v12 =	vmul.f32 @p2 v12, v21  }
0x2a0: {  	v18 =	vld @p2 [tilespmem:s3+$0x0];
	v17 =	vpop @p2 (erf)  }
0x2a1: {  	vm9 =	vgt.f32 @p2 v12, $5.000000000e-01;
	v12 =	vmul.f32 @p2 v17, v20  }
0x2a2: {  	s2 =	sadd.s32 @p2 $0x20, s3;
	vm7 =	vmand @p2 vm7, vm9  }
0x2a3: {  	vm5 =	vmmov @p2 vm5;
	s20 =	smov.u32 @p2 s2;
	v16 =	vsel @p2 vm7, $0xCE6E6B28, v16;
	vm7 =	vgt.f32 @p2 v12, $5.000000000e-01  }
0x2a4: {  	v57 =	vld [tilespmem:s20+$0xFFFFFFF0];
	v12 =	vor.u32 @p2 s21, v3;
	vm9 =	vgt.f32 @p2 v16, v15;
	vm5 =	vmand @p2 vm5, vm7;
	v58 =	vpop (erf)  }
0x2a5: {  	s2 =	sadd.s32 @p2 $0x10, s21;
	v15 =	vsel @p2 vm9, v16, v15;
	v18 =	vsel @p2 vm5, $0xCE6E6B28, v18;
	v13 =	vmul.f32 v58, v13  }
0x2a6: {  	v19 =	vor.u32 @p2 s2, v3;
	v59 =	vld [tilespmem:s20+$0x0];
	v12 =	vsel @p2 vm9, v12, v14;
	vm5 =	vgt.f32 @p2 v18, v15;
	v60 =	vpop (erf)  }
0x2a7: {  	v15 =	vsel @p2 vm5, v18, v15;
	v11 =	vmul.f32 v60, v11;
	vm7 =	vgt.f32 v13, $5.000000000e-01  }
0x2a8: {  	v12 =	vsel @p2 vm5, v19, v12;
	v10 =	vpsel p2, v15, v10;
	vm5 =	vmand vm6, vm7  }
.Ltmp34:
0x2a9: {  	vm6 =	vmmov vm8;
	v61 =	vsel vm5, $0xCE6E6B28, v57;
	vm5 =	vgt.f32 v11, $5.000000000e-01;
	(pc) =	sbr.rel .LBB2_14-.Ltmp34, $4  }
0x2aa: {  	[tilespmem:s3+$0xFFFFFFF0] =	vst @p2 v16;
	v9 =	vpsel p2, v12, v9;
	vm7 =	vgt.f32 v61, v10;
	vm5 =	vmand vm6, vm5  }
0x2ab: {  	s22 =	sadd.s32 $0x10, s13;
	[tilespmem:s3+$0x0] =	vst @p2 v18;
	v11 =	vor.u32 s13, v3;
	v10 =	vsel vm7, v61, v10;
	v62 =	vsel vm5, $0xCE6E6B28, v59  }
0x2ac: {  	v63 =	vor.u32 s22, v3;
	[tilespmem:s20+$0xFFFFFFF0] =	vst v61;
	v9 =	vsel vm7, v11, v9;
	vm5 =	vgt.f32 v62, v10  }
0x2ad: {  	[tilespmem:s20+$0x0] =	vst v62;
	v10 =	vsel vm5, v62, v10;
	v9 =	vsel vm5, v63, v9  }
.LBB2_13:
0x2ae: {  	v9 =	vimm.s32 $0x0;
	v10 =	vimm.f32 $-2.000000000e+09  }
.LBB2_14:
0x2af: {  	p2 =	seq.s32 s1, s16  }
.Ltmp35:
0x2b0: {  	_ = 	snop;
	(pc) =	sbr.rel @p2 .LBB2_17-.Ltmp35, $1  }
0x2b1: {  	_ =	sdelay $0x3  }
0x2b2: {  	s2 =	sshll.u32 s19, $0x6  }
0x2b3: {  	s2 =	sshra.s32 s2, $0x2  }
0x2b4: {  	s7 =	sand.u32 $0xFFFFFFE0, s2  }
0x2b5: {  	s2 =	sadd.s32 $0x2A80, s7;
	s3 =	sadd.s32 $0x2600, s7;
	s4 =	sadd.s32 $0x2180, s7  }
0x2b6: {  	s5 =	sadd.s32 $0x1D00, s7;
	s6 =	sadd.s32 $0x1880, s7;
	s7 =	sadd.s32 $0x1400, s7  }
.LBB2_16:
0x2b7: {  	v11 =	vld [tilespmem:s6+$0x0]  }
0x2b8: {  	v12 =	vld [tilespmem:s5+$0x0]  }
0x2b9: {  	v13 =	vld [tilespmem:s4+$0x0]  }
0x2ba: {  	v14 =	vld [tilespmem:s3+$0x0];
	_ =	sdelay $0x3  }
0x2bb: {  	v15 =	vld [tilespmem:s2+$0x0];
	v11 =	vmax.f32 v4, v11  }
0x2bc: {  	v12 =	vmax.f32 v5, v12;
	v13 =	vmin.f32 v6, v13;
	v14 =	vmin.f32 v7, v14  }
0x2bd: {  	v11 =	vsub.f32 v13, v11;
	v12 =	vsub.f32 v14, v12;
	_ =	sdelay $0x1  }
0x2be: {  	v11 =	vmax.f32 v11, $0.0e+00;
	v12 =	vmax.f32 v12, $0.0e+00  }
0x2bf: {  	v61 =	vadd.f32 v15, v8;
	v11 =	vmul.f32 v12, v11;
	_ =	sdelay $0x1  }
0x2c0: {  	v12 =	vsub.f32 v61, v11;
	_ =	sdelay $0x1  }
0x2c1: {  	vm5 =	vgt.f32 v12, $0.0e+00  }
0x2c2: {  	v12 =	vnsel vm5, $0x3F800000, v12  }
0x2c3: {  	(erf) = vrcp.f32 v12;
	_ =	sdelay $0x8  }
0x2c4: {  	v63 =	vpop (erf)  }
0x2c5: {  	v11 =	vmul.f32 v63, v11  }
0x2c6: {  	v62 =	vld [tilespmem:s7+$0x0]  }
0x2c7: {  	vm6 =	vgt.f32 v11, $5.000000000e-01;
	v11 =	vor.u32 s1, v3;
	s1 =	sadd.s32 $0x10, s1  }
0x2c8: {  	p2 =	slt.s32 s1, s16  }
.Ltmp36:
0x2c9: {  	_ = 	snop;
	(pc) =	sbr.rel @p2 .LBB2_16-.Ltmp36, $4  }
0x2ca: {  	vm5 =	vmand vm5, vm6  }
0x2cb: {  	v12 =	vsel vm5, $0xCE6E6B28, v62  }
0x2cc: {  	s2 =	sadd.s32 $0x10, s2;
	s3 =	sadd.s32 $0x10, s3;
	s4 =	sadd.s32 $0x10, s4;
	vm5 =	vgt.f32 v12, v10  }
0x2cd: {  	s5 =	sadd.s32 $0x10, s5;
	s6 =	sadd.s32 $0x10, s6;
	[tilespmem:s7+$0x0] =	vst v12;
	s7 =	sadd.s32 $0x10, s7;
	v10 =	vsel vm5, v12, v10;
	v9 =	vsel vm5, v11, v9  }
.Ltmp37:
0x2ce: {  	_ = 	snop;
	(pc) =	sbr.rel .LBB2_17-.Ltmp37, $1  }
0x2cf: {  	_ =	sdelay $0x3  }
.LBB2_55:
.Ltmp38:
0x2d0: {  	(pc) =	sbr.rel .LBB2_62-.Ltmp38, $2  }
0x2d1: {  	_ =	sdelay $0x2  }
0x2d2: {  	s4 =	simm.s32 $0x1410;
	v15 =	vimm.f32 $-2.000000000e+09;
	v14 =	vimm.s32 $0x0  }
.LBB2_57:
.Ltmp39:
0x2d3: {  	(pc) =	sbr.rel .LBB2_62-.Ltmp39, $2  }
0x2d4: {  	_ =	sdelay $0x2  }
0x2d5: {  	s4 =	simm.s32 $0x1410;
	s21 =	simm.s32 $0x0;
	s13 =	simm.s32 $0x20;
	v15 =	vimm.f32 $-2.000000000e+09;
	v14 =	vimm.s32 $0x0  }
.LBB2_59:
.Ltmp40:
0x2d6: {  	(pc) =	sbr.rel .LBB2_62-.Ltmp40, $2  }
0x2d7: {  	_ =	sdelay $0x2  }
0x2d8: {  	s4 =	simm.s32 $0x1410;
	s13 =	simm.s32 $0x40;
	v21 =	vmov v17;
	v20 =	vmov v13;
	vm7 =	vmmov vm6  }
.LBB2_36:
.Ltmp41:
0x2d9: {  	(pc) =	sbr.rel .LBB2_40-.Ltmp41, $3  }
0x2da: {  	_ =	sdelay $0x1  }
0x2db: {  	s4 =	simm.s32 $0x2600;
	s5 =	simm.s32 $0x2180  }
0x2dc: {  	s6 =	simm.s32 $0x1D00;
	s7 =	simm.s32 $0x1880;
	s22 =	simm.s32 $0x0  }
.LBB2_38:
.Ltmp42:
0x2dd: {  	(pc) =	sbr.rel .LBB2_40-.Ltmp42, $3  }
0x2de: {  	_ =	sdelay $0x1  }
0x2df: {  	s4 =	simm.s32 $0x2600;
	s5 =	simm.s32 $0x2180  }
0x2e0: {  	s6 =	simm.s32 $0x1D00;
	s7 =	simm.s32 $0x1880;
	s22 =	simm.s32 $0x0  }
.LBB2_48:
.Ltmp43:
0x2e1: {  	(pc) =	sbr.rel .LBB2_53-.Ltmp43, $2  }
0x2e2: {  	_ =	sdelay $0x2  }
0x2e3: {  	_ = 	snop  }
.LBB2_50:
.Ltmp44:
0x2e4: {  	(pc) =	sbr.rel .LBB2_53-.Ltmp44, $2  }
0x2e5: {  	_ =	sdelay $0x2  }
0x2e6: {  	v12 =	vmov v5;
	s7 =	simm.s32 $0x20;
	v5 =	vmov v7  }
.LBB2_28:
.Ltmp45:
0x2e7: {  	(pc) =	sbr.rel .LBB2_33-.Ltmp45, $2  }
0x2e8: {  	_ =	sdelay $0x2  }
0x2e9: {  	_ = 	snop  }
.LBB2_30:
.Ltmp46:
0x2ea: {  	(pc) =	sbr.rel .LBB2_33-.Ltmp46, $2  }
0x2eb: {  	_ =	sdelay $0x2  }
0x2ec: {  	v12 =	vmov v5;
	s5 =	simm.s32 $0x20;
	v5 =	vmov v7  }
.LBB2_23:
0x2ed: {  	s1 =	sadd.s32 $0x1, s1  }
0x2ee: {  	p2 =	sne.s32 s1, $0xC8  }
.Ltmp47:
0x2ef: {  	_ = 	snop;
	(pc) =	sbr.rel @!p2 .LBB2_24-.Ltmp47, $1  }
0x2f0: {  	_ =	sdelay $0x3  }
.LBB2_21:
0x2f1: {  	v5 =	vld [tilespmem:$0x8980]  }
0x2f2: {  	v4 =	vld [tilespmem:$0x8990];
	_ =	sdelay $0x3  }
0x2f3: {  	(xrf0) =	vmax.scan.msk.f32 $0xffff, v5  }
0x2f4: {  	(xrf0) =	vmax.scan.msk.f32 $0xffff, v4;
	_ =	sdelay $0x4  }
0x2f5: {  	v6, _, _ =	vpop (xrf0)  }
0x2f6: {  	(v2sf) =	vpush v6, $0xF;
	v6, _, _ =	vpop (xrf0)  }
0x2f7: {  	(v2sf) =	vpush v6, $0xF;
	_ =	sdelay $0xd  }
0x2f8: {  	s2 =	spop (v2sf)  }
0x2f9: {  	s3 =	spop (v2sf)  }
0x2fa: {  	s2 =	smax.f32 s2, s3  }
0x2fb: {  	p2 =	sgt.f32 s2, $-5.000000000e+08  }
.Ltmp48:
0x2fc: {  	_ = 	snop;
	(pc) =	sbr.rel @!p2 .LBB2_23-.Ltmp48, $1  }
0x2fd: {  	_ =	sdelay $0x3  }
0x2fe: {  	vm5 =	veq.f32 v5, s2;
	v5 =	vor.u32 $0x80000000, v3  }
0x2ff: {  	v5 =	vnsel vm5, $0x80000063, v5;
	vm5 =	veq.f32 v4, s2;
	v4 =	vor.u32 $0x80000010, v3  }
0x300: {  	(xrf0) =	vmin.scan.msk.u32 $0xffff, v5;
	v4 =	vnsel vm5, $0x80000063, v4  }
0x301: {  	(xrf0) =	vmin.scan.msk.u32 $0xffff, v4;
	_ =	sdelay $0x4  }
0x302: {  	v4, _, _ =	vpop (xrf0)  }
0x303: {  	(v2sf) =	vpush v4, $0xF;
	v4, _, _ =	vpop (xrf0)  }
0x304: {  	(v2sf) =	vpush v4, $0xF;
	_ =	sdelay $0xd  }
0x305: {  	s3 =	spop (v2sf)  }
0x306: {  	s4 =	spop (v2sf)  }
0x307: {  	s3 =	sxor.u32 $0x80000000, s3;
	s4 =	sxor.u32 $0x80000000, s4  }
0x308: {  	p2 =	slt.s32 s3, s4  }
0x309: {  	s4 =	smov.u32 @p2 s3  }
0x30a: {  	v4 =	vmov s4;
	_ =	sdelay $0x4  }
0x30b: {  	v5 =	vld.idx.msk [tilespmem:v4+s6+$0x0], $0xffff;
	_ =	sdelay $0x1  }
0x30c: {  	v6 =	vmov s1;
	s3 =	smul.u32 $0x410, s4  }
0x30d: {  	v6 =	vnsel vm0, $0xD0, v6  }
0x30e: {  	s5 =	sadd.s32 $0xD0, s3  }
0x30f: {  	v7 =	vmov s2;
	v8 =	vadd.s32 s5, v5  }
0x310: {  	v7 =	vadd.f32 $0.0e+00, v7;
	s19 =	scvt.s32.f32 s4;
	_ =	sdelay $0x1  }
0x311: {  	v59 =	vmov s19;
	[tilespmem:v6+s7+$0x0] =	vst.idx.msk $0xffff, v7  }
0x312: {  	[tilespmem:v6+s8+$0x0] =	vst.idx.msk $0xffff, v59  }
0x313: {  	v7 =	vld.idx.msk [tilespmem:v8+s12+$0x0], $0xffff;
	_ =	sdelay $0x1  }
0x314: {  	s20 =	sadd.s32 $0x1A0, s3  }
0x315: {  	v60 =	vadd.s32 s20, v5;
	_ =	sdelay $0x1  }
0x316: {  	v7 =	vmax.f32 v7, $0.0e+00  }
0x317: {  	v7 =	vmin.f32 v7, $1.000000000e+00  }
0x318: {  	[tilespmem:v6+s13+$0x0] =	vst.idx.msk $0xffff, v7  }
0x319: {  	v7 =	vld.idx.msk [tilespmem:v60+s12+$0x0], $0xffff;
	_ =	sdelay $0x1  }
0x31a: {  	s21 =	sadd.s32 $0x270, s3  }
0x31b: {  	v61 =	vadd.s32 s21, v5;
	_ =	sdelay $0x1  }
0x31c: {  	v7 =	vmax.f32 v7, $0.0e+00  }
0x31d: {  	v7 =	vmin.f32 v7, $1.000000000e+00  }
0x31e: {  	[tilespmem:v6+s14+$0x0] =	vst.idx.msk $0xffff, v7  }
0x31f: {  	v7 =	vld.idx.msk [tilespmem:v61+s12+$0x0], $0xffff;
	_ =	sdelay $0x1  }
0x320: {  	s22 =	sadd.s32 $0x340, s3  }
0x321: {  	v62 =	vadd.s32 s22, v5;
	_ =	sdelay $0x1  }
0x322: {  	v7 =	vmax.f32 v7, $0.0e+00  }
0x323: {  	v7 =	vmin.f32 v7, $1.000000000e+00  }
0x324: {  	v63 =	vmov s3;
	[tilespmem:v6+s15+$0x0] =	vst.idx.msk $0xffff, v7  }
0x325: {  	v7 =	vor.u32 $0x1, v63;
	v8 =	vld.idx.msk [tilespmem:v62+s12+$0x0], $0xffff  }
0x326: {  	v7 =	vbroadcast v7, $0x0;
	_ =	sdelay $0x1  }
0x327: {  	v7 =	vadd.s32 v5, v7;
	_ =	sdelay $0x1  }
0x328: {  	v8 =	vmax.f32 v8, $0.0e+00  }
0x329: {  	v8 =	vmin.f32 v8, $1.000000000e+00  }
0x32a: {  	[tilespmem:v6+s16+$0x0] =	vst.idx.msk $0xffff, v8  }
0x32b: {  	v4 =	vnsel vm0, $0x20, v4;
	v6 =	vld.idx.msk [tilespmem:v7+s12+$0x0], $0xffff;
	_ =	sdelay $0x1  }
.Ltmp49:
0x32c: {  	_ = 	snop;
	(pc) =	sbr.rel .LBB2_23-.Ltmp49, $3  }
0x32d: {  	_ =	sdelay $0x1  }
0x32e: {  	v5 =	vadd.s32 $0x1, v5;
	[tilespmem:v4+s17+$0x0] =	vst.idx.msk $0xffff, v6  }
0x32f: {  	[tilespmem:v4+s6+$0x0] =	vst.idx.msk $0xffff, v5  }
.LBB2_26:
0x330: {  	_ =	sfence.sel $0x180000  }
0x331: {  	[bflag:$0x0] =	sbarrier.arrive $0xFFFF  }
0x332: {  	_ =	strace $0x90000047  }
0x333: {  	[bflag:$0x2] =	sbarrier.arrive $0xFFFF  }
0x334: {  	s0 =	rddreg [dreg:$0x4]  }
0x335: {  	s0 =	sadd.s32 @!p0 $0x100000, s0  }
0x336: {  	[sflag:s0] =	ssyncadd.tile.s32 @!p0 $0x1;
	_ =	shalt  }
.Lfunc_end2:
_tile_overlayer_lowered:
.L_overlay_start_2:
0x337: {  	(tag) =	ssettag $0x2  }
0x338: {  	s0 =	rddreg [dreg:$0x0];
	s2 =	stileid.u32  }
0x339: {  	s1 =	rddreg [dreg:$0x1];
	p0 =	sne.s32 s2, $0x0  }
0x33a: {  	s3 =	rddreg [dreg:$0x2];
	[bflag:$0x3] =	sbarrier.arrive $0xFFFF;
	s2 =	simm.s32 @!p0 $0x1C01  }
0x33b: {  	[timem:s3], [sflag:s2] =	dma.local @!p0 [hbm:s0], s1  }
0x33c: {  	s0 =	simm.s32 @!p0 $0x1  }
0x33d: {  	_ =	swait.ge @!p0 [sflag:s0], s1  }
0x33e: {  	s1 =	ssub.s32 @!p0 $0x0, s1;
	[sflag:s0] =	ssyncset.done @!p0 $0x0  }
0x33f: {  	[sflag:s0] =	ssyncadd.s32 @!p0 s1  }
0x340: {  	[bflag:$0x3] =	sbarrier.arrive $0xFFFF  }
0x341: {  	_ =	shalt  }

</sc_bundles>
